<compile_context>
chip_gen: v7x
topology: tpu7x:2x2x1
jax: 0.10.2.dev20260603
libtpu: 0.0.44.dev20260713+nightly
codegen_flags: <defaults>
</compile_context>

<pallas_src>
import functools

import jax
import jax.numpy as jnp
from jax import lax
from jax.experimental import pallas as pl
from jax.experimental.pallas import tpu as pltpu
from jax.experimental.pallas import tpu_sc as plsc

N = 10000
E = 320000
D = 128

NC = 2
NS = 16
NW = NC * NS
L = 16

CHUNK = 64
KG = 8
NBLK = 640
E_PAD = NBLK * KG * CHUNK
NG0 = 36
NG1 = 4
N_PAD = 10240
DUMMY = N
ROWS_PER_TILE = N_PAD // NS

_mesh = plsc.VectorSubcoreMesh(core_axis_name="c", subcore_axis_name="s")


@functools.partial(
    pl.kernel,
    out_type=[
        jax.ShapeDtypeStruct((NC, N_PAD, D), jnp.float32),
        jax.ShapeDtypeStruct((NC, NS, N_PAD), jnp.float32),
    ],
    mesh=_mesh,
    compiler_params=pltpu.CompilerParams(needs_layout_passes=False),
    scratch_types=[
        pltpu.VMEM((KG, CHUNK), jnp.int32),
        pltpu.VMEM((KG, CHUNK), jnp.int32),
        pltpu.VMEM((CHUNK, D), jnp.float32),
        pltpu.VMEM((CHUNK, D), jnp.float32),
        pltpu.VMEM((N_PAD,), jnp.float32),
        pltpu.VMEM_SHARED((N_PAD, D), jnp.float32),
        pltpu.SemaphoreType.DMA,
        pltpu.SemaphoreType.DMA,
    ],
)
def _sc_segment_sum(x_hbm, srcs_hbm, dsts_hbm, zrow_hbm, znode_hbm,
                    acc_out, deg_out,
                    src_v, dst_v, row_a, row_b, hist_v, acc_sh, sem_a, sem_b):
    cid = lax.axis_index("c")
    sid = lax.axis_index("s")
    base = sid * ROWS_PER_TILE

    pltpu.sync_copy(zrow_hbm, row_a)
    pltpu.sync_copy(znode_hbm, hist_v)

    for t in range(10):
        pltpu.sync_copy(row_a, acc_sh.at[pl.ds(base + t * CHUNK, CHUNK)])

    plsc.subcore_barrier()

    ones16 = jnp.ones((L,), jnp.float32)
    bufs = (row_a, row_b)
    gsems = (sem_a, sem_b)

    def make_group(blk_base):
        def group(g, carry):
            blk = blk_base + g
            pltpu.sync_copy(srcs_hbm.at[blk], src_v)
            pltpu.sync_copy(dsts_hbm.at[blk], dst_v)
            gd = [None] * KG
            gd[0] = pltpu.async_copy(x_hbm.at[src_v.at[0]], bufs[0], gsems[0])
            for j in range(KG):
                gd[j].wait()
                if j + 1 < KG:
                    gd[j + 1] = pltpu.async_copy(
                        x_hbm.at[src_v.at[j + 1]], bufs[(j + 1) % 2],
                        gsems[(j + 1) % 2])
                pltpu.sync_copy(bufs[j % 2], acc_sh.at[dst_v.at[j]], add=True)
                for i in range(CHUNK // L):
                    idx16 = dst_v[j, pl.ds(i * L, L)]
                    plsc.addupdate_scatter(hist_v, [idx16], ones16)
            return carry
        return group

    @pl.when(cid == 0)
    def _():
        lax.fori_loop(0, NG0, make_group(sid * NG0), 0)

    @pl.when(cid == 1)
    def _():
        lax.fori_loop(0, NG1, make_group(NS * NG0 + sid * NG1), 0)

    plsc.subcore_barrier()

    for t in range(10):
        pltpu.sync_copy(acc_sh.at[pl.ds(base + t * CHUNK, CHUNK)], row_a)
        pltpu.sync_copy(row_a, acc_out.at[cid, pl.ds(base + t * CHUNK, CHUNK)])
    pltpu.sync_copy(hist_v, deg_out.at[cid, sid])


def _tc_body(x_ref, a0_ref, a1_ref, dT_ref, wsum_ref, w2t_ref, bc_ref, o_ref):
    s = a0_ref[...] + a1_ref[...]
    deg = jnp.sum(dT_ref[...], axis=1, keepdims=True)
    mean = s / jnp.maximum(deg, 1.0)
    o_ref[...] = (
        jnp.dot(x_ref[...], wsum_ref[...], precision=lax.Precision.HIGHEST,
                preferred_element_type=jnp.float32)
        - jnp.dot(mean, w2t_ref[...], precision=lax.Precision.HIGHEST,
                  preferred_element_type=jnp.float32)
        + bc_ref[...]
    )


def _tc_combine(x, a0, a1, deg_t, wsum_t, w2_t, bc):
    BR = 1000
    return pl.pallas_call(
        _tc_body,
        grid=(N // BR,),
        in_specs=[
            pl.BlockSpec((BR, D), lambda i: (i, 0)),
            pl.BlockSpec((BR, D), lambda i: (i, 0)),
            pl.BlockSpec((BR, D), lambda i: (i, 0)),
            pl.BlockSpec((BR, NW), lambda i: (i, 0)),
            pl.BlockSpec((D, D), lambda i: (0, 0)),
            pl.BlockSpec((D, D), lambda i: (0, 0)),
            pl.BlockSpec((1, D), lambda i: (0, 0)),
        ],
        out_specs=pl.BlockSpec((BR, D), lambda i: (i, 0)),
        out_shape=jax.ShapeDtypeStruct((N, D), jnp.float32),
    )(x, a0, a1, deg_t, wsum_t, w2_t, bc)


def kernel(x, edge_index, W1, b1, W2, b2):
    src = edge_index[0].astype(jnp.int32)
    dst = edge_index[1].astype(jnp.int32)
    pad = E_PAD - E
    src = jnp.concatenate([src, jnp.zeros((pad,), jnp.int32)])
    dst = jnp.concatenate([dst, jnp.full((pad,), DUMMY, jnp.int32)])
    srcs = src.reshape(NBLK, KG, CHUNK)
    dsts = dst.reshape(NBLK, KG, CHUNK)

    zrow = jnp.zeros((CHUNK, D), jnp.float32)
    znode = jnp.zeros((N_PAD,), jnp.float32)

    acc, deg = _sc_segment_sum(x, srcs, dsts, zrow, znode)

    deg_t = deg.reshape(NC * NS, N_PAD).T
    wsum_t = (W1 + W2).T
    w2_t = W2.T
    bc = (b1 + b2).reshape(1, D)
    return _tc_combine(x, acc[0], acc[1], deg_t, wsum_t, w2_t, bc)

# --- scband reference (transcript-rebuilt; emitter-appended) ---
"""Pipeline reference for scband-deep-set-layer-87110526697907 (READ-ONLY COPY).

The authoritative reference and input builder live on the scoring server;
editing this copy changes nothing except your own understanding.
"""

import jax, jax.numpy as jnp
import numpy as np

N_NODES = 10000
N_EDGES = 320000
D = 128

def setup_inputs(seed: int = 0) -> dict:
    key = jax.random.key(seed)
    k1, k2, k3, k4, k5, k6, k7 = jax.random.split(key, 7)
    x = jax.random.normal(k1, (N_NODES, D), dtype=jnp.float32)
    edge_index = jax.random.randint(k2, (2, N_EDGES), 0, N_NODES, dtype=jnp.int64)
    s = 1.0 / np.sqrt(D)
    W1 = jax.random.uniform(k3, (D, D), minval=-s, maxval=s, dtype=jnp.float32)
    b1 = jax.random.uniform(k4, (D,), minval=-s, maxval=s, dtype=jnp.float32)
    W2 = jax.random.uniform(k5, (D, D), minval=-s, maxval=s, dtype=jnp.float32)
    b2 = jax.random.uniform(k6, (D,), minval=-s, maxval=s, dtype=jnp.float32)
    return {"x": x, "edge_index": edge_index, "W1": W1, "b1": b1, "W2": W2, "b2": b2}

def reference(x, edge_index, W1, b1, W2, b2):
    # DGL update_all: msg = src['deepset_feat']; reduce = mean over mailbox;
    # node update: layer1(feat) + layer2(feat - mean(msgs))
    src = edge_index[0]
    dst = edge_index[1]
    msgs = jnp.take(x, src, axis=0)                       # gather [E, D]
    msg_sum = jax.ops.segment_sum(msgs, dst, num_segments=N_NODES)   # scatter-add
    deg = jax.ops.segment_sum(jnp.ones((msgs.shape[0],), dtype=x.dtype), dst, num_segments=N_NODES)
    msgs_mean = msg_sum / jnp.clip(deg, 1.0, None)[:, None]
    out = (x @ W1.T + b1) + ((x - msgs_mean) @ W2.T + b2)
    return out

if __name__ == "__main__":
    import jax
    _d = setup_inputs()
    print(jax.jit(kernel)(*tuple(_d.values())))

</pallas_src>

<mosaic_0001>
#map = affine_map<(d0, d1) -> (0, 0)>
#map1 = affine_map<(d0, d1) -> (0, 0, 0)>
#map2 = affine_map<(d0, d1) -> (0)>
module attributes {stable_mosaic.version = 14 : i64} {
  func.func @_sc_segment_sum(%arg0: i32, %arg1: i32, %arg2: memref<10000x128xf32, #tpu.memory_space<hbm>>, %arg3: memref<640x8x64xi32, #tpu.memory_space<hbm>>, %arg4: memref<640x8x64xi32, #tpu.memory_space<hbm>>, %arg5: memref<64x128xf32, #tpu.memory_space<hbm>>, %arg6: memref<10240xf32, #tpu.memory_space<hbm>>, %arg7: memref<2x10240x128xf32, #tpu.memory_space<hbm>>, %arg8: memref<2x16x10240xf32, #tpu.memory_space<hbm>>, %arg9: memref<8x64xi32, #tpu.memory_space<vmem>>, %arg10: memref<8x64xi32, #tpu.memory_space<vmem>>, %arg11: memref<64x128xf32, #tpu.memory_space<vmem>>, %arg12: memref<64x128xf32, #tpu.memory_space<vmem>>, %arg13: memref<10240xf32, #tpu.memory_space<vmem>>, %arg14: memref<10240x128xf32, #tpu.memory_space<vmem_shared>>, %arg15: memref<!tpu.dma_semaphore, #tpu.memory_space<semaphore_mem>>, %arg16: memref<!tpu.dma_semaphore, #tpu.memory_space<semaphore_mem>>) attributes {dimension_semantics = [#tpu.dimension_semantics<core_parallel>, #tpu.dimension_semantics<subcore_parallel>], iteration_bounds = array<i64: 2, 16>, scalar_prefetch = 0 : i64, scratch_operands = 8 : i64, tpu.core_type = #tpu.core_type<sc_vector_subcore>, window_params = [{transform_indices = #map}, {transform_indices = #map1}, {transform_indices = #map1}, {transform_indices = #map}, {transform_indices = #map2}, {transform_indices = #map1}, {transform_indices = #map1}]} {
    %mul3A = arith.constant 640 : i32
    %mul3A_0 = arith.muli %arg1, %mul3A : i32
    "tpu.region"() ({
      %run_scoped3A = tpu.sem_alloc : memref<!tpu.dma_semaphore, #tpu.memory_space<semaphore_mem>>
      tpu.enqueue_dma source(%arg5 : memref<64x128xf32, #tpu.memory_space<hbm>>) target(%arg11 : memref<64x128xf32, #tpu.memory_space<vmem>>) target_semaphore(%run_scoped3A : memref<!tpu.dma_semaphore, #tpu.memory_space<semaphore_mem>>)
      tpu.wait_dma2 semaphore(%run_scoped3A : memref<!tpu.dma_semaphore, #tpu.memory_space<semaphore_mem>>) src(%arg5 : memref<64x128xf32, #tpu.memory_space<hbm>>) dst(%arg11 : memref<64x128xf32, #tpu.memory_space<vmem>>)
      tpu.yield
    }) : () -> ()
    "tpu.region"() ({
      %run_scoped3A = tpu.sem_alloc : memref<!tpu.dma_semaphore, #tpu.memory_space<semaphore_mem>>
      tpu.enqueue_dma source(%arg6 : memref<10240xf32, #tpu.memory_space<hbm>>) target(%arg13 : memref<10240xf32, #tpu.memory_space<vmem>>) target_semaphore(%run_scoped3A : memref<!tpu.dma_semaphore, #tpu.memory_space<semaphore_mem>>)
      tpu.wait_dma2 semaphore(%run_scoped3A : memref<!tpu.dma_semaphore, #tpu.memory_space<semaphore_mem>>) src(%arg6 : memref<10240xf32, #tpu.memory_space<hbm>>) dst(%arg13 : memref<10240xf32, #tpu.memory_space<vmem>>)
      tpu.yield
    }) : () -> ()
    %add3A = arith.constant 0 : i32
    %add3A_1 = arith.addi %mul3A_0, %add3A : i32
    "tpu.region"() ({
      %run_scoped3A = tpu.sem_alloc : memref<!tpu.dma_semaphore, #tpu.memory_space<semaphore_mem>>
      %dma_start3A = arith.constant 0 : i32
      %dma_start3A_69 = tpu.memref_slice %arg14[%add3A_1, %dma_start3A] : memref<10240x128xf32, #tpu.memory_space<vmem_shared>> -> memref<64x128xf32, #tpu.memory_space<vmem_shared>>
      %dma_start3A_70 = arith.constant 0 : i32
      %dma_start3A_71 = tpu.memref_slice %arg14[%add3A_1, %dma_start3A_70] : memref<10240x128xf32, #tpu.memory_space<vmem_shared>> -> memref<64x128xf32, #tpu.memory_space<vmem_shared>>
      tpu.enqueue_dma source(%arg11 : memref<64x128xf32, #tpu.memory_space<vmem>>) target(%dma_start3A_71 : memref<64x128xf32, #tpu.memory_space<vmem_shared>>) target_semaphore(%run_scoped3A : memref<!tpu.dma_semaphore, #tpu.memory_space<semaphore_mem>>)
      %dma_wait3A = arith.constant 0 : i32
      %dma_wait3A_72 = tpu.memref_slice %arg14[%add3A_1, %dma_wait3A] : memref<10240x128xf32, #tpu.memory_space<vmem_shared>> -> memref<64x128xf32, #tpu.memory_space<vmem_shared>>
      %dma_wait3A_73 = arith.constant 0 : i32
      %dma_wait3A_74 = tpu.memref_slice %arg14[%add3A_1, %dma_wait3A_73] : memref<10240x128xf32, #tpu.memory_space<vmem_shared>> -> memref<64x128xf32, #tpu.memory_space<vmem_shared>>
      tpu.wait_dma2 semaphore(%run_scoped3A : memref<!tpu.dma_semaphore, #tpu.memory_space<semaphore_mem>>) src(%arg11 : memref<64x128xf32, #tpu.memory_space<vmem>>) dst(%dma_wait3A_74 : memref<64x128xf32, #tpu.memory_space<vmem_shared>>)
      tpu.yield
    }) : () -> ()
    %add3A_2 = arith.constant 64 : i32
    %add3A_3 = arith.addi %mul3A_0, %add3A_2 : i32
    "tpu.region"() ({
      %run_scoped3A = tpu.sem_alloc : memref<!tpu.dma_semaphore, #tpu.memory_space<semaphore_mem>>
      %dma_start3A = arith.constant 0 : i32
      %dma_start3A_69 = tpu.memref_slice %arg14[%add3A_3, %dma_start3A] : memref<10240x128xf32, #tpu.memory_space<vmem_shared>> -> memref<64x128xf32, #tpu.memory_space<vmem_shared>>
      %dma_start3A_70 = arith.constant 0 : i32
      %dma_start3A_71 = tpu.memref_slice %arg14[%add3A_3, %dma_start3A_70] : memref<10240x128xf32, #tpu.memory_space<vmem_shared>> -> memref<64x128xf32, #tpu.memory_space<vmem_shared>>
      tpu.enqueue_dma source(%arg11 : memref<64x128xf32, #tpu.memory_space<vmem>>) target(%dma_start3A_71 : memref<64x128xf32, #tpu.memory_space<vmem_shared>>) target_semaphore(%run_scoped3A : memref<!tpu.dma_semaphore, #tpu.memory_space<semaphore_mem>>)
      %dma_wait3A = arith.constant 0 : i32
      %dma_wait3A_72 = tpu.memref_slice %arg14[%add3A_3, %dma_wait3A] : memref<10240x128xf32, #tpu.memory_space<vmem_shared>> -> memref<64x128xf32, #tpu.memory_space<vmem_shared>>
      %dma_wait3A_73 = arith.constant 0 : i32
      %dma_wait3A_74 = tpu.memref_slice %arg14[%add3A_3, %dma_wait3A_73] : memref<10240x128xf32, #tpu.memory_space<vmem_shared>> -> memref<64x128xf32, #tpu.memory_space<vmem_shared>>
      tpu.wait_dma2 semaphore(%run_scoped3A : memref<!tpu.dma_semaphore, #tpu.memory_space<semaphore_mem>>) src(%arg11 : memref<64x128xf32, #tpu.memory_space<vmem>>) dst(%dma_wait3A_74 : memref<64x128xf32, #tpu.memory_space<vmem_shared>>)
      tpu.yield
    }) : () -> ()
    %add3A_4 = arith.constant 128 : i32
    %add3A_5 = arith.addi %mul3A_0, %add3A_4 : i32
    "tpu.region"() ({
      %run_scoped3A = tpu.sem_alloc : memref<!tpu.dma_semaphore, #tpu.memory_space<semaphore_mem>>
      %dma_start3A = arith.constant 0 : i32
      %dma_start3A_69 = tpu.memref_slice %arg14[%add3A_5, %dma_start3A] : memref<10240x128xf32, #tpu.memory_space<vmem_shared>> -> memref<64x128xf32, #tpu.memory_space<vmem_shared>>
      %dma_start3A_70 = arith.constant 0 : i32
      %dma_start3A_71 = tpu.memref_slice %arg14[%add3A_5, %dma_start3A_70] : memref<10240x128xf32, #tpu.memory_space<vmem_shared>> -> memref<64x128xf32, #tpu.memory_space<vmem_shared>>
      tpu.enqueue_dma source(%arg11 : memref<64x128xf32, #tpu.memory_space<vmem>>) target(%dma_start3A_71 : memref<64x128xf32, #tpu.memory_space<vmem_shared>>) target_semaphore(%run_scoped3A : memref<!tpu.dma_semaphore, #tpu.memory_space<semaphore_mem>>)
      %dma_wait3A = arith.constant 0 : i32
      %dma_wait3A_72 = tpu.memref_slice %arg14[%add3A_5, %dma_wait3A] : memref<10240x128xf32, #tpu.memory_space<vmem_shared>> -> memref<64x128xf32, #tpu.memory_space<vmem_shared>>
      %dma_wait3A_73 = arith.constant 0 : i32
      %dma_wait3A_74 = tpu.memref_slice %arg14[%add3A_5, %dma_wait3A_73] : memref<10240x128xf32, #tpu.memory_space<vmem_shared>> -> memref<64x128xf32, #tpu.memory_space<vmem_shared>>
      tpu.wait_dma2 semaphore(%run_scoped3A : memref<!tpu.dma_semaphore, #tpu.memory_space<semaphore_mem>>) src(%arg11 : memref<64x128xf32, #tpu.memory_space<vmem>>) dst(%dma_wait3A_74 : memref<64x128xf32, #tpu.memory_space<vmem_shared>>)
      tpu.yield
    }) : () -> ()
    %add3A_6 = arith.constant 192 : i32
    %add3A_7 = arith.addi %mul3A_0, %add3A_6 : i32
    "tpu.region"() ({
      %run_scoped3A = tpu.sem_alloc : memref<!tpu.dma_semaphore, #tpu.memory_space<semaphore_mem>>
      %dma_start3A = arith.constant 0 : i32
      %dma_start3A_69 = tpu.memref_slice %arg14[%add3A_7, %dma_start3A] : memref<10240x128xf32, #tpu.memory_space<vmem_shared>> -> memref<64x128xf32, #tpu.memory_space<vmem_shared>>
      %dma_start3A_70 = arith.constant 0 : i32
      %dma_start3A_71 = tpu.memref_slice %arg14[%add3A_7, %dma_start3A_70] : memref<10240x128xf32, #tpu.memory_space<vmem_shared>> -> memref<64x128xf32, #tpu.memory_space<vmem_shared>>
      tpu.enqueue_dma source(%arg11 : memref<64x128xf32, #tpu.memory_space<vmem>>) target(%dma_start3A_71 : memref<64x128xf32, #tpu.memory_space<vmem_shared>>) target_semaphore(%run_scoped3A : memref<!tpu.dma_semaphore, #tpu.memory_space<semaphore_mem>>)
      %dma_wait3A = arith.constant 0 : i32
      %dma_wait3A_72 = tpu.memref_slice %arg14[%add3A_7, %dma_wait3A] : memref<10240x128xf32, #tpu.memory_space<vmem_shared>> -> memref<64x128xf32, #tpu.memory_space<vmem_shared>>
      %dma_wait3A_73 = arith.constant 0 : i32
      %dma_wait3A_74 = tpu.memref_slice %arg14[%add3A_7, %dma_wait3A_73] : memref<10240x128xf32, #tpu.memory_space<vmem_shared>> -> memref<64x128xf32, #tpu.memory_space<vmem_shared>>
      tpu.wait_dma2 semaphore(%run_scoped3A : memref<!tpu.dma_semaphore, #tpu.memory_space<semaphore_mem>>) src(%arg11 : memref<64x128xf32, #tpu.memory_space<vmem>>) dst(%dma_wait3A_74 : memref<64x128xf32, #tpu.memory_space<vmem_shared>>)
      tpu.yield
    }) : () -> ()
    %add3A_8 = arith.constant 256 : i32
    %add3A_9 = arith.addi %mul3A_0, %add3A_8 : i32
    "tpu.region"() ({
      %run_scoped3A = tpu.sem_alloc : memref<!tpu.dma_semaphore, #tpu.memory_space<semaphore_mem>>
      %dma_start3A = arith.constant 0 : i32
      %dma_start3A_69 = tpu.memref_slice %arg14[%add3A_9, %dma_start3A] : memref<10240x128xf32, #tpu.memory_space<vmem_shared>> -> memref<64x128xf32, #tpu.memory_space<vmem_shared>>
      %dma_start3A_70 = arith.constant 0 : i32
      %dma_start3A_71 = tpu.memref_slice %arg14[%add3A_9, %dma_start3A_70] : memref<10240x128xf32, #tpu.memory_space<vmem_shared>> -> memref<64x128xf32, #tpu.memory_space<vmem_shared>>
      tpu.enqueue_dma source(%arg11 : memref<64x128xf32, #tpu.memory_space<vmem>>) target(%dma_start3A_71 : memref<64x128xf32, #tpu.memory_space<vmem_shared>>) target_semaphore(%run_scoped3A : memref<!tpu.dma_semaphore, #tpu.memory_space<semaphore_mem>>)
      %dma_wait3A = arith.constant 0 : i32
      %dma_wait3A_72 = tpu.memref_slice %arg14[%add3A_9, %dma_wait3A] : memref<10240x128xf32, #tpu.memory_space<vmem_shared>> -> memref<64x128xf32, #tpu.memory_space<vmem_shared>>
      %dma_wait3A_73 = arith.constant 0 : i32
      %dma_wait3A_74 = tpu.memref_slice %arg14[%add3A_9, %dma_wait3A_73] : memref<10240x128xf32, #tpu.memory_space<vmem_shared>> -> memref<64x128xf32, #tpu.memory_space<vmem_shared>>
      tpu.wait_dma2 semaphore(%run_scoped3A : memref<!tpu.dma_semaphore, #tpu.memory_space<semaphore_mem>>) src(%arg11 : memref<64x128xf32, #tpu.memory_space<vmem>>) dst(%dma_wait3A_74 : memref<64x128xf32, #tpu.memory_space<vmem_shared>>)
      tpu.yield
    }) : () -> ()
    %add3A_10 = arith.constant 320 : i32
    %add3A_11 = arith.addi %mul3A_0, %add3A_10 : i32
    "tpu.region"() ({
      %run_scoped3A = tpu.sem_alloc : memref<!tpu.dma_semaphore, #tpu.memory_space<semaphore_mem>>
      %dma_start3A = arith.constant 0 : i32
      %dma_start3A_69 = tpu.memref_slice %arg14[%add3A_11, %dma_start3A] : memref<10240x128xf32, #tpu.memory_space<vmem_shared>> -> memref<64x128xf32, #tpu.memory_space<vmem_shared>>
      %dma_start3A_70 = arith.constant 0 : i32
      %dma_start3A_71 = tpu.memref_slice %arg14[%add3A_11, %dma_start3A_70] : memref<10240x128xf32, #tpu.memory_space<vmem_shared>> -> memref<64x128xf32, #tpu.memory_space<vmem_shared>>
      tpu.enqueue_dma source(%arg11 : memref<64x128xf32, #tpu.memory_space<vmem>>) target(%dma_start3A_71 : memref<64x128xf32, #tpu.memory_space<vmem_shared>>) target_semaphore(%run_scoped3A : memref<!tpu.dma_semaphore, #tpu.memory_space<semaphore_mem>>)
      %dma_wait3A = arith.constant 0 : i32
      %dma_wait3A_72 = tpu.memref_slice %arg14[%add3A_11, %dma_wait3A] : memref<10240x128xf32, #tpu.memory_space<vmem_shared>> -> memref<64x128xf32, #tpu.memory_space<vmem_shared>>
      %dma_wait3A_73 = arith.constant 0 : i32
      %dma_wait3A_74 = tpu.memref_slice %arg14[%add3A_11, %dma_wait3A_73] : memref<10240x128xf32, #tpu.memory_space<vmem_shared>> -> memref<64x128xf32, #tpu.memory_space<vmem_shared>>
      tpu.wait_dma2 semaphore(%run_scoped3A : memref<!tpu.dma_semaphore, #tpu.memory_space<semaphore_mem>>) src(%arg11 : memref<64x128xf32, #tpu.memory_space<vmem>>) dst(%dma_wait3A_74 : memref<64x128xf32, #tpu.memory_space<vmem_shared>>)
      tpu.yield
    }) : () -> ()
    %add3A_12 = arith.constant 384 : i32
    %add3A_13 = arith.addi %mul3A_0, %add3A_12 : i32
    "tpu.region"() ({
      %run_scoped3A = tpu.sem_alloc : memref<!tpu.dma_semaphore, #tpu.memory_space<semaphore_mem>>
      %dma_start3A = arith.constant 0 : i32
      %dma_start3A_69 = tpu.memref_slice %arg14[%add3A_13, %dma_start3A] : memref<10240x128xf32, #tpu.memory_space<vmem_shared>> -> memref<64x128xf32, #tpu.memory_space<vmem_shared>>
      %dma_start3A_70 = arith.constant 0 : i32
      %dma_start3A_71 = tpu.memref_slice %arg14[%add3A_13, %dma_start3A_70] : memref<10240x128xf32, #tpu.memory_space<vmem_shared>> -> memref<64x128xf32, #tpu.memory_space<vmem_shared>>
      tpu.enqueue_dma source(%arg11 : memref<64x128xf32, #tpu.memory_space<vmem>>) target(%dma_start3A_71 : memref<64x128xf32, #tpu.memory_space<vmem_shared>>) target_semaphore(%run_scoped3A : memref<!tpu.dma_semaphore, #tpu.memory_space<semaphore_mem>>)
      %dma_wait3A = arith.constant 0 : i32
      %dma_wait3A_72 = tpu.memref_slice %arg14[%add3A_13, %dma_wait3A] : memref<10240x128xf32, #tpu.memory_space<vmem_shared>> -> memref<64x128xf32, #tpu.memory_space<vmem_shared>>
      %dma_wait3A_73 = arith.constant 0 : i32
      %dma_wait3A_74 = tpu.memref_slice %arg14[%add3A_13, %dma_wait3A_73] : memref<10240x128xf32, #tpu.memory_space<vmem_shared>> -> memref<64x128xf32, #tpu.memory_space<vmem_shared>>
      tpu.wait_dma2 semaphore(%run_scoped3A : memref<!tpu.dma_semaphore, #tpu.memory_space<semaphore_mem>>) src(%arg11 : memref<64x128xf32, #tpu.memory_space<vmem>>) dst(%dma_wait3A_74 : memref<64x128xf32, #tpu.memory_space<vmem_shared>>)
      tpu.yield
    }) : () -> ()
    %add3A_14 = arith.constant 448 : i32
    %add3A_15 = arith.addi %mul3A_0, %add3A_14 : i32
    "tpu.region"() ({
      %run_scoped3A = tpu.sem_alloc : memref<!tpu.dma_semaphore, #tpu.memory_space<semaphore_mem>>
      %dma_start3A = arith.constant 0 : i32
      %dma_start3A_69 = tpu.memref_slice %arg14[%add3A_15, %dma_start3A] : memref<10240x128xf32, #tpu.memory_space<vmem_shared>> -> memref<64x128xf32, #tpu.memory_space<vmem_shared>>
      %dma_start3A_70 = arith.constant 0 : i32
      %dma_start3A_71 = tpu.memref_slice %arg14[%add3A_15, %dma_start3A_70] : memref<10240x128xf32, #tpu.memory_space<vmem_shared>> -> memref<64x128xf32, #tpu.memory_space<vmem_shared>>
      tpu.enqueue_dma source(%arg11 : memref<64x128xf32, #tpu.memory_space<vmem>>) target(%dma_start3A_71 : memref<64x128xf32, #tpu.memory_space<vmem_shared>>) target_semaphore(%run_scoped3A : memref<!tpu.dma_semaphore, #tpu.memory_space<semaphore_mem>>)
      %dma_wait3A = arith.constant 0 : i32
      %dma_wait3A_72 = tpu.memref_slice %arg14[%add3A_15, %dma_wait3A] : memref<10240x128xf32, #tpu.memory_space<vmem_shared>> -> memref<64x128xf32, #tpu.memory_space<vmem_shared>>
      %dma_wait3A_73 = arith.constant 0 : i32
      %dma_wait3A_74 = tpu.memref_slice %arg14[%add3A_15, %dma_wait3A_73] : memref<10240x128xf32, #tpu.memory_space<vmem_shared>> -> memref<64x128xf32, #tpu.memory_space<vmem_shared>>
      tpu.wait_dma2 semaphore(%run_scoped3A : memref<!tpu.dma_semaphore, #tpu.memory_space<semaphore_mem>>) src(%arg11 : memref<64x128xf32, #tpu.memory_space<vmem>>) dst(%dma_wait3A_74 : memref<64x128xf32, #tpu.memory_space<vmem_shared>>)
      tpu.yield
    }) : () -> ()
    %add3A_16 = arith.constant 512 : i32
    %add3A_17 = arith.addi %mul3A_0, %add3A_16 : i32
    "tpu.region"() ({
      %run_scoped3A = tpu.sem_alloc : memref<!tpu.dma_semaphore, #tpu.memory_space<semaphore_mem>>
      %dma_start3A = arith.constant 0 : i32
      %dma_start3A_69 = tpu.memref_slice %arg14[%add3A_17, %dma_start3A] : memref<10240x128xf32, #tpu.memory_space<vmem_shared>> -> memref<64x128xf32, #tpu.memory_space<vmem_shared>>
      %dma_start3A_70 = arith.constant 0 : i32
      %dma_start3A_71 = tpu.memref_slice %arg14[%add3A_17, %dma_start3A_70] : memref<10240x128xf32, #tpu.memory_space<vmem_shared>> -> memref<64x128xf32, #tpu.memory_space<vmem_shared>>
      tpu.enqueue_dma source(%arg11 : memref<64x128xf32, #tpu.memory_space<vmem>>) target(%dma_start3A_71 : memref<64x128xf32, #tpu.memory_space<vmem_shared>>) target_semaphore(%run_scoped3A : memref<!tpu.dma_semaphore, #tpu.memory_space<semaphore_mem>>)
      %dma_wait3A = arith.constant 0 : i32
      %dma_wait3A_72 = tpu.memref_slice %arg14[%add3A_17, %dma_wait3A] : memref<10240x128xf32, #tpu.memory_space<vmem_shared>> -> memref<64x128xf32, #tpu.memory_space<vmem_shared>>
      %dma_wait3A_73 = arith.constant 0 : i32
      %dma_wait3A_74 = tpu.memref_slice %arg14[%add3A_17, %dma_wait3A_73] : memref<10240x128xf32, #tpu.memory_space<vmem_shared>> -> memref<64x128xf32, #tpu.memory_space<vmem_shared>>
      tpu.wait_dma2 semaphore(%run_scoped3A : memref<!tpu.dma_semaphore, #tpu.memory_space<semaphore_mem>>) src(%arg11 : memref<64x128xf32, #tpu.memory_space<vmem>>) dst(%dma_wait3A_74 : memref<64x128xf32, #tpu.memory_space<vmem_shared>>)
      tpu.yield
    }) : () -> ()
    %add3A_18 = arith.constant 576 : i32
    %add3A_19 = arith.addi %mul3A_0, %add3A_18 : i32
    "tpu.region"() ({
      %run_scoped3A = tpu.sem_alloc : memref<!tpu.dma_semaphore, #tpu.memory_space<semaphore_mem>>
      %dma_start3A = arith.constant 0 : i32
      %dma_start3A_69 = tpu.memref_slice %arg14[%add3A_19, %dma_start3A] : memref<10240x128xf32, #tpu.memory_space<vmem_shared>> -> memref<64x128xf32, #tpu.memory_space<vmem_shared>>
      %dma_start3A_70 = arith.constant 0 : i32
      %dma_start3A_71 = tpu.memref_slice %arg14[%add3A_19, %dma_start3A_70] : memref<10240x128xf32, #tpu.memory_space<vmem_shared>> -> memref<64x128xf32, #tpu.memory_space<vmem_shared>>
      tpu.enqueue_dma source(%arg11 : memref<64x128xf32, #tpu.memory_space<vmem>>) target(%dma_start3A_71 : memref<64x128xf32, #tpu.memory_space<vmem_shared>>) target_semaphore(%run_scoped3A : memref<!tpu.dma_semaphore, #tpu.memory_space<semaphore_mem>>)
      %dma_wait3A = arith.constant 0 : i32
      %dma_wait3A_72 = tpu.memref_slice %arg14[%add3A_19, %dma_wait3A] : memref<10240x128xf32, #tpu.memory_space<vmem_shared>> -> memref<64x128xf32, #tpu.memory_space<vmem_shared>>
      %dma_wait3A_73 = arith.constant 0 : i32
      %dma_wait3A_74 = tpu.memref_slice %arg14[%add3A_19, %dma_wait3A_73] : memref<10240x128xf32, #tpu.memory_space<vmem_shared>> -> memref<64x128xf32, #tpu.memory_space<vmem_shared>>
      tpu.wait_dma2 semaphore(%run_scoped3A : memref<!tpu.dma_semaphore, #tpu.memory_space<semaphore_mem>>) src(%arg11 : memref<64x128xf32, #tpu.memory_space<vmem>>) dst(%dma_wait3A_74 : memref<64x128xf32, #tpu.memory_space<vmem_shared>>)
      tpu.yield
    }) : () -> ()
    %barrier3A = arith.constant 0 : index
    tpu.barrier barrier_id(%barrier3A)
    %broadcast_in_dim3A = arith.constant 1.000000e+00 : f32
    %broadcast_in_dim3A_20 = vector.broadcast %broadcast_in_dim3A : f32 to vector<16xf32>
    %eq3A = arith.constant 0 : i32
    %eq3A_21 = arith.cmpi eq, %arg0, %eq3A : i32
    %convert_element_type3A = arith.extui %eq3A_21 : i1 to i32
    %cond3A = arith.constant 0 : i32
    %cond3A_22 = arith.cmpi ne, %convert_element_type3A, %cond3A : i32
    scf.if %cond3A_22 {
      %mul3A_69 = arith.constant 36 : i32
      %mul3A_70 = arith.muli %arg1, %mul3A_69 : i32
      %scan3A = arith.constant 0 : i32
      %scan3A_71 = arith.constant 0 : i32
      %scan3A_72 = arith.constant 36 : i32
      %scan3A_73 = arith.addi %scan3A_71, %scan3A_72 : i32
      %scan3A_74 = arith.constant 1 : i32
      scf.for %scan3A_76 = %scan3A_71 to %scan3A_73 step %scan3A_74  : i32 {
        %add3A_77 = arith.addi %mul3A_70, %scan3A_76 : i32
        "tpu.region"() ({
          %run_scoped3A_322 = tpu.sem_alloc : memref<!tpu.dma_semaphore, #tpu.memory_space<semaphore_mem>>
          %dma_start3A_323 = arith.constant 0 : i32
          %dma_start3A_324 = arith.constant 0 : i32
          %dma_start3A_325 = tpu.memref_slice %arg3[%add3A_77, %dma_start3A_323, %dma_start3A_324] : memref<640x8x64xi32, #tpu.memory_space<hbm>> -> memref<1x8x64xi32, #tpu.memory_space<hbm>>
          %dma_start3A_326 = tpu.memref_squeeze %dma_start3A_325 : memref<1x8x64xi32, #tpu.memory_space<hbm>> -> memref<8x64xi32, #tpu.memory_space<hbm>>
          %dma_start3A_327 = arith.constant 0 : i32
          %dma_start3A_328 = arith.constant 0 : i32
          %dma_start3A_329 = tpu.memref_slice %arg3[%add3A_77, %dma_start3A_327, %dma_start3A_328] : memref<640x8x64xi32, #tpu.memory_space<hbm>> -> memref<1x8x64xi32, #tpu.memory_space<hbm>>
          %dma_start3A_330 = tpu.memref_squeeze %dma_start3A_329 : memref<1x8x64xi32, #tpu.memory_space<hbm>> -> memref<8x64xi32, #tpu.memory_space<hbm>>
          tpu.enqueue_dma source(%dma_start3A_330 : memref<8x64xi32, #tpu.memory_space<hbm>>) target(%arg9 : memref<8x64xi32, #tpu.memory_space<vmem>>) target_semaphore(%run_scoped3A_322 : memref<!tpu.dma_semaphore, #tpu.memory_space<semaphore_mem>>)
          %dma_wait3A_331 = arith.constant 0 : i32
          %dma_wait3A_332 = arith.constant 0 : i32
          %dma_wait3A_333 = tpu.memref_slice %arg3[%add3A_77, %dma_wait3A_331, %dma_wait3A_332] : memref<640x8x64xi32, #tpu.memory_space<hbm>> -> memref<1x8x64xi32, #tpu.memory_space<hbm>>
          %dma_wait3A_334 = tpu.memref_squeeze %dma_wait3A_333 : memref<1x8x64xi32, #tpu.memory_space<hbm>> -> memref<8x64xi32, #tpu.memory_space<hbm>>
          %dma_wait3A_335 = arith.constant 0 : i32
          %dma_wait3A_336 = arith.constant 0 : i32
          %dma_wait3A_337 = tpu.memref_slice %arg3[%add3A_77, %dma_wait3A_335, %dma_wait3A_336] : memref<640x8x64xi32, #tpu.memory_space<hbm>> -> memref<1x8x64xi32, #tpu.memory_space<hbm>>
          %dma_wait3A_338 = tpu.memref_squeeze %dma_wait3A_337 : memref<1x8x64xi32, #tpu.memory_space<hbm>> -> memref<8x64xi32, #tpu.memory_space<hbm>>
          tpu.wait_dma2 semaphore(%run_scoped3A_322 : memref<!tpu.dma_semaphore, #tpu.memory_space<semaphore_mem>>) src(%dma_wait3A_338 : memref<8x64xi32, #tpu.memory_space<hbm>>) dst(%arg9 : memref<8x64xi32, #tpu.memory_space<vmem>>)
          tpu.yield
        }) : () -> ()
        "tpu.region"() ({
          %run_scoped3A_322 = tpu.sem_alloc : memref<!tpu.dma_semaphore, #tpu.memory_space<semaphore_mem>>
          %dma_start3A_323 = arith.constant 0 : i32
          %dma_start3A_324 = arith.constant 0 : i32
          %dma_start3A_325 = tpu.memref_slice %arg4[%add3A_77, %dma_start3A_323, %dma_start3A_324] : memref<640x8x64xi32, #tpu.memory_space<hbm>> -> memref<1x8x64xi32, #tpu.memory_space<hbm>>
          %dma_start3A_326 = tpu.memref_squeeze %dma_start3A_325 : memref<1x8x64xi32, #tpu.memory_space<hbm>> -> memref<8x64xi32, #tpu.memory_space<hbm>>
          %dma_start3A_327 = arith.constant 0 : i32
          %dma_start3A_328 = arith.constant 0 : i32
          %dma_start3A_329 = tpu.memref_slice %arg4[%add3A_77, %dma_start3A_327, %dma_start3A_328] : memref<640x8x64xi32, #tpu.memory_space<hbm>> -> memref<1x8x64xi32, #tpu.memory_space<hbm>>
          %dma_start3A_330 = tpu.memref_squeeze %dma_start3A_329 : memref<1x8x64xi32, #tpu.memory_space<hbm>> -> memref<8x64xi32, #tpu.memory_space<hbm>>
          tpu.enqueue_dma source(%dma_start3A_330 : memref<8x64xi32, #tpu.memory_space<hbm>>) target(%arg10 : memref<8x64xi32, #tpu.memory_space<vmem>>) target_semaphore(%run_scoped3A_322 : memref<!tpu.dma_semaphore, #tpu.memory_space<semaphore_mem>>)
          %dma_wait3A_331 = arith.constant 0 : i32
          %dma_wait3A_332 = arith.constant 0 : i32
          %dma_wait3A_333 = tpu.memref_slice %arg4[%add3A_77, %dma_wait3A_331, %dma_wait3A_332] : memref<640x8x64xi32, #tpu.memory_space<hbm>> -> memref<1x8x64xi32, #tpu.memory_space<hbm>>
          %dma_wait3A_334 = tpu.memref_squeeze %dma_wait3A_333 : memref<1x8x64xi32, #tpu.memory_space<hbm>> -> memref<8x64xi32, #tpu.memory_space<hbm>>
          %dma_wait3A_335 = arith.constant 0 : i32
          %dma_wait3A_336 = arith.constant 0 : i32
          %dma_wait3A_337 = tpu.memref_slice %arg4[%add3A_77, %dma_wait3A_335, %dma_wait3A_336] : memref<640x8x64xi32, #tpu.memory_space<hbm>> -> memref<1x8x64xi32, #tpu.memory_space<hbm>>
          %dma_wait3A_338 = tpu.memref_squeeze %dma_wait3A_337 : memref<1x8x64xi32, #tpu.memory_space<hbm>> -> memref<8x64xi32, #tpu.memory_space<hbm>>
          tpu.wait_dma2 semaphore(%run_scoped3A_322 : memref<!tpu.dma_semaphore, #tpu.memory_space<semaphore_mem>>) src(%dma_wait3A_338 : memref<8x64xi32, #tpu.memory_space<hbm>>) dst(%arg10 : memref<8x64xi32, #tpu.memory_space<vmem>>)
          tpu.yield
        }) : () -> ()
        %dma_start3A = arith.constant 0 : i32
        %dma_start3A_78 = arith.constant 0 : i32
        %dma_start3A_79 = tpu.memref_slice %arg9[%dma_start3A, %dma_start3A_78] : memref<8x64xi32, #tpu.memory_space<vmem>> -> memref<1x64xi32, #tpu.memory_space<vmem>>
        %dma_start3A_80 = tpu.memref_squeeze %dma_start3A_79 : memref<1x64xi32, #tpu.memory_space<vmem>> -> memref<64xi32, #tpu.memory_space<vmem>>
        %dma_start3A_81 = arith.constant 0 : i32
        %dma_start3A_82 = arith.constant 0 : i32
        %dma_start3A_83 = tpu.memref_slice %arg2[%dma_start3A_81, %dma_start3A_82] : memref<10000x128xf32, #tpu.memory_space<hbm>> -> memref<10000x128xf32, #tpu.memory_space<hbm>>
        tpu.enqueue_indirect_dma source(%dma_start3A_83 : memref<10000x128xf32, #tpu.memory_space<hbm>>) target(%arg11 : memref<64x128xf32, #tpu.memory_space<vmem>>) offsets(%dma_start3A_80 : memref<64xi32, #tpu.memory_space<vmem>>) semaphore(%arg15 : memref<!tpu.dma_semaphore, #tpu.memory_space<semaphore_mem>>)
        %dma_wait3A = arith.constant 0 : i32
        %dma_wait3A_84 = arith.constant 0 : i32
        %dma_wait3A_85 = tpu.memref_slice %arg9[%dma_wait3A, %dma_wait3A_84] : memref<8x64xi32, #tpu.memory_space<vmem>> -> memref<1x64xi32, #tpu.memory_space<vmem>>
        %dma_wait3A_86 = tpu.memref_squeeze %dma_wait3A_85 : memref<1x64xi32, #tpu.memory_space<vmem>> -> memref<64xi32, #tpu.memory_space<vmem>>
        %dma_wait3A_87 = arith.constant 0 : i32
        %dma_wait3A_88 = arith.constant 0 : i32
        %dma_wait3A_89 = tpu.memref_slice %arg2[%dma_wait3A_87, %dma_wait3A_88] : memref<10000x128xf32, #tpu.memory_space<hbm>> -> memref<10000x128xf32, #tpu.memory_space<hbm>>
        tpu.wait_indirect_dma semaphore(%arg15 : memref<!tpu.dma_semaphore, #tpu.memory_space<semaphore_mem>>) src(%dma_wait3A_89 : memref<10000x128xf32, #tpu.memory_space<hbm>>) dst(%arg11 : memref<64x128xf32, #tpu.memory_space<vmem>>)
        %dma_start3A_90 = arith.constant 1 : i32
        %dma_start3A_91 = arith.constant 0 : i32
        %dma_start3A_92 = tpu.memref_slice %arg9[%dma_start3A_90, %dma_start3A_91] : memref<8x64xi32, #tpu.memory_space<vmem>> -> memref<1x64xi32, #tpu.memory_space<vmem>>
        %dma_start3A_93 = tpu.memref_squeeze %dma_start3A_92 : memref<1x64xi32, #tpu.memory_space<vmem>> -> memref<64xi32, #tpu.memory_space<vmem>>
        %dma_start3A_94 = arith.constant 0 : i32
        %dma_start3A_95 = arith.constant 0 : i32
        %dma_start3A_96 = tpu.memref_slice %arg2[%dma_start3A_94, %dma_start3A_95] : memref<10000x128xf32, #tpu.memory_space<hbm>> -> memref<10000x128xf32, #tpu.memory_space<hbm>>
        tpu.enqueue_indirect_dma source(%dma_start3A_96 : memref<10000x128xf32, #tpu.memory_space<hbm>>) target(%arg12 : memref<64x128xf32, #tpu.memory_space<vmem>>) offsets(%dma_start3A_93 : memref<64xi32, #tpu.memory_space<vmem>>) semaphore(%arg16 : memref<!tpu.dma_semaphore, #tpu.memory_space<semaphore_mem>>)
        %run_scoped3A = arith.constant 0 : i32
        "tpu.region"() ({
          %run_scoped3A_322 = tpu.sem_alloc : memref<!tpu.dma_semaphore, #tpu.memory_space<semaphore_mem>>
          %dma_start3A_323 = arith.constant 0 : i32
          %dma_start3A_324 = tpu.memref_slice %arg10[%run_scoped3A, %dma_start3A_323] : memref<8x64xi32, #tpu.memory_space<vmem>> -> memref<1x64xi32, #tpu.memory_space<vmem>>
          %dma_start3A_325 = tpu.memref_squeeze %dma_start3A_324 : memref<1x64xi32, #tpu.memory_space<vmem>> -> memref<64xi32, #tpu.memory_space<vmem>>
          %dma_start3A_326 = arith.constant 0 : i32
          %dma_start3A_327 = arith.constant 0 : i32
          %dma_start3A_328 = tpu.memref_slice %arg14[%dma_start3A_326, %dma_start3A_327] : memref<10240x128xf32, #tpu.memory_space<vmem_shared>> -> memref<10240x128xf32, #tpu.memory_space<vmem_shared>>
          tpu.enqueue_indirect_dma source(%arg11 : memref<64x128xf32, #tpu.memory_space<vmem>>) target(%dma_start3A_328 : memref<10240x128xf32, #tpu.memory_space<vmem_shared>>) offsets(%dma_start3A_325 : memref<64xi32, #tpu.memory_space<vmem>>) semaphore(%run_scoped3A_322 : memref<!tpu.dma_semaphore, #tpu.memory_space<semaphore_mem>>) {add = true}
          %dma_wait3A_329 = arith.constant 0 : i32
          %dma_wait3A_330 = tpu.memref_slice %arg10[%run_scoped3A, %dma_wait3A_329] : memref<8x64xi32, #tpu.memory_space<vmem>> -> memref<1x64xi32, #tpu.memory_space<vmem>>
          %dma_wait3A_331 = tpu.memref_squeeze %dma_wait3A_330 : memref<1x64xi32, #tpu.memory_space<vmem>> -> memref<64xi32, #tpu.memory_space<vmem>>
          %dma_wait3A_332 = arith.constant 0 : i32
          %dma_wait3A_333 = arith.constant 0 : i32
          %dma_wait3A_334 = tpu.memref_slice %arg14[%dma_wait3A_332, %dma_wait3A_333] : memref<10240x128xf32, #tpu.memory_space<vmem_shared>> -> memref<10240x128xf32, #tpu.memory_space<vmem_shared>>
          tpu.wait_indirect_dma semaphore(%run_scoped3A_322 : memref<!tpu.dma_semaphore, #tpu.memory_space<semaphore_mem>>) src(%arg11 : memref<64x128xf32, #tpu.memory_space<vmem>>) dst(%dma_wait3A_334 : memref<10240x128xf32, #tpu.memory_space<vmem_shared>>)
          tpu.yield
        }) : () -> ()
        %get3A = arith.constant 0 : i32
        %get3A_97 = arith.index_cast %get3A : i32 to index
        %get3A_98 = arith.constant 0 : index
        %get3A_99 = tpu.vector_load %arg10[%get3A_97, %get3A_98] {strides = array<i32>} : memref<8x64xi32, #tpu.memory_space<vmem>>, vector<16xi32>,
        tpu.vector_store_idx %arg13[%get3A_99], %broadcast_in_dim3A_20 {add = true} : memref<10240xf32, #tpu.memory_space<vmem>>[vector<16xi32>], vector<16xf32>,
        %get3A_100 = arith.constant 0 : i32
        %get3A_101 = arith.index_cast %get3A_100 : i32 to index
        %get3A_102 = arith.constant 16 : index
        %get3A_103 = tpu.vector_load %arg10[%get3A_101, %get3A_102] {strides = array<i32>} : memref<8x64xi32, #tpu.memory_space<vmem>>, vector<16xi32>,
        tpu.vector_store_idx %arg13[%get3A_103], %broadcast_in_dim3A_20 {add = true} : memref<10240xf32, #tpu.memory_space<vmem>>[vector<16xi32>], vector<16xf32>,
        %get3A_104 = arith.constant 0 : i32
        %get3A_105 = arith.index_cast %get3A_104 : i32 to index
        %get3A_106 = arith.constant 32 : index
        %get3A_107 = tpu.vector_load %arg10[%get3A_105, %get3A_106] {strides = array<i32>} : memref<8x64xi32, #tpu.memory_space<vmem>>, vector<16xi32>,
        tpu.vector_store_idx %arg13[%get3A_107], %broadcast_in_dim3A_20 {add = true} : memref<10240xf32, #tpu.memory_space<vmem>>[vector<16xi32>], vector<16xf32>,
        %get3A_108 = arith.constant 0 : i32
        %get3A_109 = arith.index_cast %get3A_108 : i32 to index
        %get3A_110 = arith.constant 48 : index
        %get3A_111 = tpu.vector_load %arg10[%get3A_109, %get3A_110] {strides = array<i32>} : memref<8x64xi32, #tpu.memory_space<vmem>>, vector<16xi32>,
        tpu.vector_store_idx %arg13[%get3A_111], %broadcast_in_dim3A_20 {add = true} : memref<10240xf32, #tpu.memory_space<vmem>>[vector<16xi32>], vector<16xf32>,
        %dma_wait3A_112 = arith.constant 1 : i32
        %dma_wait3A_113 = arith.constant 0 : i32
        %dma_wait3A_114 = tpu.memref_slice %arg9[%dma_wait3A_112, %dma_wait3A_113] : memref<8x64xi32, #tpu.memory_space<vmem>> -> memref<1x64xi32, #tpu.memory_space<vmem>>
        %dma_wait3A_115 = tpu.memref_squeeze %dma_wait3A_114 : memref<1x64xi32, #tpu.memory_space<vmem>> -> memref<64xi32, #tpu.memory_space<vmem>>
        %dma_wait3A_116 = arith.constant 0 : i32
        %dma_wait3A_117 = arith.constant 0 : i32
        %dma_wait3A_118 = tpu.memref_slice %arg2[%dma_wait3A_116, %dma_wait3A_117] : memref<10000x128xf32, #tpu.memory_space<hbm>> -> memref<10000x128xf32, #tpu.memory_space<hbm>>
        tpu.wait_indirect_dma semaphore(%arg16 : memref<!tpu.dma_semaphore, #tpu.memory_space<semaphore_mem>>) src(%dma_wait3A_118 : memref<10000x128xf32, #tpu.memory_space<hbm>>) dst(%arg12 : memref<64x128xf32, #tpu.memory_space<vmem>>)
        %dma_start3A_119 = arith.constant 2 : i32
        %dma_start3A_120 = arith.constant 0 : i32
        %dma_start3A_121 = tpu.memref_slice %arg9[%dma_start3A_119, %dma_start3A_120] : memref<8x64xi32, #tpu.memory_space<vmem>> -> memref<1x64xi32, #tpu.memory_space<vmem>>
        %dma_start3A_122 = tpu.memref_squeeze %dma_start3A_121 : memref<1x64xi32, #tpu.memory_space<vmem>> -> memref<64xi32, #tpu.memory_space<vmem>>
        %dma_start3A_123 = arith.constant 0 : i32
        %dma_start3A_124 = arith.constant 0 : i32
        %dma_start3A_125 = tpu.memref_slice %arg2[%dma_start3A_123, %dma_start3A_124] : memref<10000x128xf32, #tpu.memory_space<hbm>> -> memref<10000x128xf32, #tpu.memory_space<hbm>>
        tpu.enqueue_indirect_dma source(%dma_start3A_125 : memref<10000x128xf32, #tpu.memory_space<hbm>>) target(%arg11 : memref<64x128xf32, #tpu.memory_space<vmem>>) offsets(%dma_start3A_122 : memref<64xi32, #tpu.memory_space<vmem>>) semaphore(%arg15 : memref<!tpu.dma_semaphore, #tpu.memory_space<semaphore_mem>>)
        %run_scoped3A_126 = arith.constant 1 : i32
        "tpu.region"() ({
          %run_scoped3A_322 = tpu.sem_alloc : memref<!tpu.dma_semaphore, #tpu.memory_space<semaphore_mem>>
          %dma_start3A_323 = arith.constant 0 : i32
          %dma_start3A_324 = tpu.memref_slice %arg10[%run_scoped3A_126, %dma_start3A_323] : memref<8x64xi32, #tpu.memory_space<vmem>> -> memref<1x64xi32, #tpu.memory_space<vmem>>
          %dma_start3A_325 = tpu.memref_squeeze %dma_start3A_324 : memref<1x64xi32, #tpu.memory_space<vmem>> -> memref<64xi32, #tpu.memory_space<vmem>>
          %dma_start3A_326 = arith.constant 0 : i32
          %dma_start3A_327 = arith.constant 0 : i32
          %dma_start3A_328 = tpu.memref_slice %arg14[%dma_start3A_326, %dma_start3A_327] : memref<10240x128xf32, #tpu.memory_space<vmem_shared>> -> memref<10240x128xf32, #tpu.memory_space<vmem_shared>>
          tpu.enqueue_indirect_dma source(%arg12 : memref<64x128xf32, #tpu.memory_space<vmem>>) target(%dma_start3A_328 : memref<10240x128xf32, #tpu.memory_space<vmem_shared>>) offsets(%dma_start3A_325 : memref<64xi32, #tpu.memory_space<vmem>>) semaphore(%run_scoped3A_322 : memref<!tpu.dma_semaphore, #tpu.memory_space<semaphore_mem>>) {add = true}
          %dma_wait3A_329 = arith.constant 0 : i32
          %dma_wait3A_330 = tpu.memref_slice %arg10[%run_scoped3A_126, %dma_wait3A_329] : memref<8x64xi32, #tpu.memory_space<vmem>> -> memref<1x64xi32, #tpu.memory_space<vmem>>
          %dma_wait3A_331 = tpu.memref_squeeze %dma_wait3A_330 : memref<1x64xi32, #tpu.memory_space<vmem>> -> memref<64xi32, #tpu.memory_space<vmem>>
          %dma_wait3A_332 = arith.constant 0 : i32
          %dma_wait3A_333 = arith.constant 0 : i32
          %dma_wait3A_334 = tpu.memref_slice %arg14[%dma_wait3A_332, %dma_wait3A_333] : memref<10240x128xf32, #tpu.memory_space<vmem_shared>> -> memref<10240x128xf32, #tpu.memory_space<vmem_shared>>
          tpu.wait_indirect_dma semaphore(%run_scoped3A_322 : memref<!tpu.dma_semaphore, #tpu.memory_space<semaphore_mem>>) src(%arg12 : memref<64x128xf32, #tpu.memory_space<vmem>>) dst(%dma_wait3A_334 : memref<10240x128xf32, #tpu.memory_space<vmem_shared>>)
          tpu.yield
        }) : () -> ()
        %get3A_127 = arith.constant 1 : i32
        %get3A_128 = arith.index_cast %get3A_127 : i32 to index
        %get3A_129 = arith.constant 0 : index
        %get3A_130 = tpu.vector_load %arg10[%get3A_128, %get3A_129] {strides = array<i32>} : memref<8x64xi32, #tpu.memory_space<vmem>>, vector<16xi32>,
        tpu.vector_store_idx %arg13[%get3A_130], %broadcast_in_dim3A_20 {add = true} : memref<10240xf32, #tpu.memory_space<vmem>>[vector<16xi32>], vector<16xf32>,
        %get3A_131 = arith.constant 1 : i32
        %get3A_132 = arith.index_cast %get3A_131 : i32 to index
        %get3A_133 = arith.constant 16 : index
        %get3A_134 = tpu.vector_load %arg10[%get3A_132, %get3A_133] {strides = array<i32>} : memref<8x64xi32, #tpu.memory_space<vmem>>, vector<16xi32>,
        tpu.vector_store_idx %arg13[%get3A_134], %broadcast_in_dim3A_20 {add = true} : memref<10240xf32, #tpu.memory_space<vmem>>[vector<16xi32>], vector<16xf32>,
        %get3A_135 = arith.constant 1 : i32
        %get3A_136 = arith.index_cast %get3A_135 : i32 to index
        %get3A_137 = arith.constant 32 : index
        %get3A_138 = tpu.vector_load %arg10[%get3A_136, %get3A_137] {strides = array<i32>} : memref<8x64xi32, #tpu.memory_space<vmem>>, vector<16xi32>,
        tpu.vector_store_idx %arg13[%get3A_138], %broadcast_in_dim3A_20 {add = true} : memref<10240xf32, #tpu.memory_space<vmem>>[vector<16xi32>], vector<16xf32>,
        %get3A_139 = arith.constant 1 : i32
        %get3A_140 = arith.index_cast %get3A_139 : i32 to index
        %get3A_141 = arith.constant 48 : index
        %get3A_142 = tpu.vector_load %arg10[%get3A_140, %get3A_141] {strides = array<i32>} : memref<8x64xi32, #tpu.memory_space<vmem>>, vector<16xi32>,
        tpu.vector_store_idx %arg13[%get3A_142], %broadcast_in_dim3A_20 {add = true} : memref<10240xf32, #tpu.memory_space<vmem>>[vector<16xi32>], vector<16xf32>,
        %dma_wait3A_143 = arith.constant 2 : i32
        %dma_wait3A_144 = arith.constant 0 : i32
        %dma_wait3A_145 = tpu.memref_slice %arg9[%dma_wait3A_143, %dma_wait3A_144] : memref<8x64xi32, #tpu.memory_space<vmem>> -> memref<1x64xi32, #tpu.memory_space<vmem>>
        %dma_wait3A_146 = tpu.memref_squeeze %dma_wait3A_145 : memref<1x64xi32, #tpu.memory_space<vmem>> -> memref<64xi32, #tpu.memory_space<vmem>>
        %dma_wait3A_147 = arith.constant 0 : i32
        %dma_wait3A_148 = arith.constant 0 : i32
        %dma_wait3A_149 = tpu.memref_slice %arg2[%dma_wait3A_147, %dma_wait3A_148] : memref<10000x128xf32, #tpu.memory_space<hbm>> -> memref<10000x128xf32, #tpu.memory_space<hbm>>
        tpu.wait_indirect_dma semaphore(%arg15 : memref<!tpu.dma_semaphore, #tpu.memory_space<semaphore_mem>>) src(%dma_wait3A_149 : memref<10000x128xf32, #tpu.memory_space<hbm>>) dst(%arg11 : memref<64x128xf32, #tpu.memory_space<vmem>>)
        %dma_start3A_150 = arith.constant 3 : i32
        %dma_start3A_151 = arith.constant 0 : i32
        %dma_start3A_152 = tpu.memref_slice %arg9[%dma_start3A_150, %dma_start3A_151] : memref<8x64xi32, #tpu.memory_space<vmem>> -> memref<1x64xi32, #tpu.memory_space<vmem>>
        %dma_start3A_153 = tpu.memref_squeeze %dma_start3A_152 : memref<1x64xi32, #tpu.memory_space<vmem>> -> memref<64xi32, #tpu.memory_space<vmem>>
        %dma_start3A_154 = arith.constant 0 : i32
        %dma_start3A_155 = arith.constant 0 : i32
        %dma_start3A_156 = tpu.memref_slice %arg2[%dma_start3A_154, %dma_start3A_155] : memref<10000x128xf32, #tpu.memory_space<hbm>> -> memref<10000x128xf32, #tpu.memory_space<hbm>>
        tpu.enqueue_indirect_dma source(%dma_start3A_156 : memref<10000x128xf32, #tpu.memory_space<hbm>>) target(%arg12 : memref<64x128xf32, #tpu.memory_space<vmem>>) offsets(%dma_start3A_153 : memref<64xi32, #tpu.memory_space<vmem>>) semaphore(%arg16 : memref<!tpu.dma_semaphore, #tpu.memory_space<semaphore_mem>>)
        %run_scoped3A_157 = arith.constant 2 : i32
        "tpu.region"() ({
          %run_scoped3A_322 = tpu.sem_alloc : memref<!tpu.dma_semaphore, #tpu.memory_space<semaphore_mem>>
          %dma_start3A_323 = arith.constant 0 : i32
          %dma_start3A_324 = tpu.memref_slice %arg10[%run_scoped3A_157, %dma_start3A_323] : memref<8x64xi32, #tpu.memory_space<vmem>> -> memref<1x64xi32, #tpu.memory_space<vmem>>
          %dma_start3A_325 = tpu.memref_squeeze %dma_start3A_324 : memref<1x64xi32, #tpu.memory_space<vmem>> -> memref<64xi32, #tpu.memory_space<vmem>>
          %dma_start3A_326 = arith.constant 0 : i32
          %dma_start3A_327 = arith.constant 0 : i32
          %dma_start3A_328 = tpu.memref_slice %arg14[%dma_start3A_326, %dma_start3A_327] : memref<10240x128xf32, #tpu.memory_space<vmem_shared>> -> memref<10240x128xf32, #tpu.memory_space<vmem_shared>>
          tpu.enqueue_indirect_dma source(%arg11 : memref<64x128xf32, #tpu.memory_space<vmem>>) target(%dma_start3A_328 : memref<10240x128xf32, #tpu.memory_space<vmem_shared>>) offsets(%dma_start3A_325 : memref<64xi32, #tpu.memory_space<vmem>>) semaphore(%run_scoped3A_322 : memref<!tpu.dma_semaphore, #tpu.memory_space<semaphore_mem>>) {add = true}
          %dma_wait3A_329 = arith.constant 0 : i32
          %dma_wait3A_330 = tpu.memref_slice %arg10[%run_scoped3A_157, %dma_wait3A_329] : memref<8x64xi32, #tpu.memory_space<vmem>> -> memref<1x64xi32, #tpu.memory_space<vmem>>
          %dma_wait3A_331 = tpu.memref_squeeze %dma_wait3A_330 : memref<1x64xi32, #tpu.memory_space<vmem>> -> memref<64xi32, #tpu.memory_space<vmem>>
          %dma_wait3A_332 = arith.constant 0 : i32
          %dma_wait3A_333 = arith.constant 0 : i32
          %dma_wait3A_334 = tpu.memref_slice %arg14[%dma_wait3A_332, %dma_wait3A_333] : memref<10240x128xf32, #tpu.memory_space<vmem_shared>> -> memref<10240x128xf32, #tpu.memory_space<vmem_shared>>
          tpu.wait_indirect_dma semaphore(%run_scoped3A_322 : memref<!tpu.dma_semaphore, #tpu.memory_space<semaphore_mem>>) src(%arg11 : memref<64x128xf32, #tpu.memory_space<vmem>>) dst(%dma_wait3A_334 : memref<10240x128xf32, #tpu.memory_space<vmem_shared>>)
          tpu.yield
        }) : () -> ()
        %get3A_158 = arith.constant 2 : i32
        %get3A_159 = arith.index_cast %get3A_158 : i32 to index
        %get3A_160 = arith.constant 0 : index
        %get3A_161 = tpu.vector_load %arg10[%get3A_159, %get3A_160] {strides = array<i32>} : memref<8x64xi32, #tpu.memory_space<vmem>>, vector<16xi32>,
        tpu.vector_store_idx %arg13[%get3A_161], %broadcast_in_dim3A_20 {add = true} : memref<10240xf32, #tpu.memory_space<vmem>>[vector<16xi32>], vector<16xf32>,
        %get3A_162 = arith.constant 2 : i32
        %get3A_163 = arith.index_cast %get3A_162 : i32 to index
        %get3A_164 = arith.constant 16 : index
        %get3A_165 = tpu.vector_load %arg10[%get3A_163, %get3A_164] {strides = array<i32>} : memref<8x64xi32, #tpu.memory_space<vmem>>, vector<16xi32>,
        tpu.vector_store_idx %arg13[%get3A_165], %broadcast_in_dim3A_20 {add = true} : memref<10240xf32, #tpu.memory_space<vmem>>[vector<16xi32>], vector<16xf32>,
        %get3A_166 = arith.constant 2 : i32
        %get3A_167 = arith.index_cast %get3A_166 : i32 to index
        %get3A_168 = arith.constant 32 : index
        %get3A_169 = tpu.vector_load %arg10[%get3A_167, %get3A_168] {strides = array<i32>} : memref<8x64xi32, #tpu.memory_space<vmem>>, vector<16xi32>,
        tpu.vector_store_idx %arg13[%get3A_169], %broadcast_in_dim3A_20 {add = true} : memref<10240xf32, #tpu.memory_space<vmem>>[vector<16xi32>], vector<16xf32>,
        %get3A_170 = arith.constant 2 : i32
        %get3A_171 = arith.index_cast %get3A_170 : i32 to index
        %get3A_172 = arith.constant 48 : index
        %get3A_173 = tpu.vector_load %arg10[%get3A_171, %get3A_172] {strides = array<i32>} : memref<8x64xi32, #tpu.memory_space<vmem>>, vector<16xi32>,
        tpu.vector_store_idx %arg13[%get3A_173], %broadcast_in_dim3A_20 {add = true} : memref<10240xf32, #tpu.memory_space<vmem>>[vector<16xi32>], vector<16xf32>,
        %dma_wait3A_174 = arith.constant 3 : i32
        %dma_wait3A_175 = arith.constant 0 : i32
        %dma_wait3A_176 = tpu.memref_slice %arg9[%dma_wait3A_174, %dma_wait3A_175] : memref<8x64xi32, #tpu.memory_space<vmem>> -> memref<1x64xi32, #tpu.memory_space<vmem>>
        %dma_wait3A_177 = tpu.memref_squeeze %dma_wait3A_176 : memref<1x64xi32, #tpu.memory_space<vmem>> -> memref<64xi32, #tpu.memory_space<vmem>>
        %dma_wait3A_178 = arith.constant 0 : i32
        %dma_wait3A_179 = arith.constant 0 : i32
        %dma_wait3A_180 = tpu.memref_slice %arg2[%dma_wait3A_178, %dma_wait3A_179] : memref<10000x128xf32, #tpu.memory_space<hbm>> -> memref<10000x128xf32, #tpu.memory_space<hbm>>
        tpu.wait_indirect_dma semaphore(%arg16 : memref<!tpu.dma_semaphore, #tpu.memory_space<semaphore_mem>>) src(%dma_wait3A_180 : memref<10000x128xf32, #tpu.memory_space<hbm>>) dst(%arg12 : memref<64x128xf32, #tpu.memory_space<vmem>>)
        %dma_start3A_181 = arith.constant 4 : i32
        %dma_start3A_182 = arith.constant 0 : i32
        %dma_start3A_183 = tpu.memref_slice %arg9[%dma_start3A_181, %dma_start3A_182] : memref<8x64xi32, #tpu.memory_space<vmem>> -> memref<1x64xi32, #tpu.memory_space<vmem>>
        %dma_start3A_184 = tpu.memref_squeeze %dma_start3A_183 : memref<1x64xi32, #tpu.memory_space<vmem>> -> memref<64xi32, #tpu.memory_space<vmem>>
        %dma_start3A_185 = arith.constant 0 : i32
        %dma_start3A_186 = arith.constant 0 : i32
        %dma_start3A_187 = tpu.memref_slice %arg2[%dma_start3A_185, %dma_start3A_186] : memref<10000x128xf32, #tpu.memory_space<hbm>> -> memref<10000x128xf32, #tpu.memory_space<hbm>>
        tpu.enqueue_indirect_dma source(%dma_start3A_187 : memref<10000x128xf32, #tpu.memory_space<hbm>>) target(%arg11 : memref<64x128xf32, #tpu.memory_space<vmem>>) offsets(%dma_start3A_184 : memref<64xi32, #tpu.memory_space<vmem>>) semaphore(%arg15 : memref<!tpu.dma_semaphore, #tpu.memory_space<semaphore_mem>>)
        %run_scoped3A_188 = arith.constant 3 : i32
        "tpu.region"() ({
          %run_scoped3A_322 = tpu.sem_alloc : memref<!tpu.dma_semaphore, #tpu.memory_space<semaphore_mem>>
          %dma_start3A_323 = arith.constant 0 : i32
          %dma_start3A_324 = tpu.memref_slice %arg10[%run_scoped3A_188, %dma_start3A_323] : memref<8x64xi32, #tpu.memory_space<vmem>> -> memref<1x64xi32, #tpu.memory_space<vmem>>
          %dma_start3A_325 = tpu.memref_squeeze %dma_start3A_324 : memref<1x64xi32, #tpu.memory_space<vmem>> -> memref<64xi32, #tpu.memory_space<vmem>>
          %dma_start3A_326 = arith.constant 0 : i32
          %dma_start3A_327 = arith.constant 0 : i32
          %dma_start3A_328 = tpu.memref_slice %arg14[%dma_start3A_326, %dma_start3A_327] : memref<10240x128xf32, #tpu.memory_space<vmem_shared>> -> memref<10240x128xf32, #tpu.memory_space<vmem_shared>>
          tpu.enqueue_indirect_dma source(%arg12 : memref<64x128xf32, #tpu.memory_space<vmem>>) target(%dma_start3A_328 : memref<10240x128xf32, #tpu.memory_space<vmem_shared>>) offsets(%dma_start3A_325 : memref<64xi32, #tpu.memory_space<vmem>>) semaphore(%run_scoped3A_322 : memref<!tpu.dma_semaphore, #tpu.memory_space<semaphore_mem>>) {add = true}
          %dma_wait3A_329 = arith.constant 0 : i32
          %dma_wait3A_330 = tpu.memref_slice %arg10[%run_scoped3A_188, %dma_wait3A_329] : memref<8x64xi32, #tpu.memory_space<vmem>> -> memref<1x64xi32, #tpu.memory_space<vmem>>
          %dma_wait3A_331 = tpu.memref_squeeze %dma_wait3A_330 : memref<1x64xi32, #tpu.memory_space<vmem>> -> memref<64xi32, #tpu.memory_space<vmem>>
          %dma_wait3A_332 = arith.constant 0 : i32
          %dma_wait3A_333 = arith.constant 0 : i32
          %dma_wait3A_334 = tpu.memref_slice %arg14[%dma_wait3A_332, %dma_wait3A_333] : memref<10240x128xf32, #tpu.memory_space<vmem_shared>> -> memref<10240x128xf32, #tpu.memory_space<vmem_shared>>
          tpu.wait_indirect_dma semaphore(%run_scoped3A_322 : memref<!tpu.dma_semaphore, #tpu.memory_space<semaphore_mem>>) src(%arg12 : memref<64x128xf32, #tpu.memory_space<vmem>>) dst(%dma_wait3A_334 : memref<10240x128xf32, #tpu.memory_space<vmem_shared>>)
          tpu.yield
        }) : () -> ()
        %get3A_189 = arith.constant 3 : i32
        %get3A_190 = arith.index_cast %get3A_189 : i32 to index
        %get3A_191 = arith.constant 0 : index
        %get3A_192 = tpu.vector_load %arg10[%get3A_190, %get3A_191] {strides = array<i32>} : memref<8x64xi32, #tpu.memory_space<vmem>>, vector<16xi32>,
        tpu.vector_store_idx %arg13[%get3A_192], %broadcast_in_dim3A_20 {add = true} : memref<10240xf32, #tpu.memory_space<vmem>>[vector<16xi32>], vector<16xf32>,
        %get3A_193 = arith.constant 3 : i32
        %get3A_194 = arith.index_cast %get3A_193 : i32 to index
        %get3A_195 = arith.constant 16 : index
        %get3A_196 = tpu.vector_load %arg10[%get3A_194, %get3A_195] {strides = array<i32>} : memref<8x64xi32, #tpu.memory_space<vmem>>, vector<16xi32>,
        tpu.vector_store_idx %arg13[%get3A_196], %broadcast_in_dim3A_20 {add = true} : memref<10240xf32, #tpu.memory_space<vmem>>[vector<16xi32>], vector<16xf32>,
        %get3A_197 = arith.constant 3 : i32
        %get3A_198 = arith.index_cast %get3A_197 : i32 to index
        %get3A_199 = arith.constant 32 : index
        %get3A_200 = tpu.vector_load %arg10[%get3A_198, %get3A_199] {strides = array<i32>} : memref<8x64xi32, #tpu.memory_space<vmem>>, vector<16xi32>,
        tpu.vector_store_idx %arg13[%get3A_200], %broadcast_in_dim3A_20 {add = true} : memref<10240xf32, #tpu.memory_space<vmem>>[vector<16xi32>], vector<16xf32>,
        %get3A_201 = arith.constant 3 : i32
        %get3A_202 = arith.index_cast %get3A_201 : i32 to index
        %get3A_203 = arith.constant 48 : index
        %get3A_204 = tpu.vector_load %arg10[%get3A_202, %get3A_203] {strides = array<i32>} : memref<8x64xi32, #tpu.memory_space<vmem>>, vector<16xi32>,
        tpu.vector_store_idx %arg13[%get3A_204], %broadcast_in_dim3A_20 {add = true} : memref<10240xf32, #tpu.memory_space<vmem>>[vector<16xi32>], vector<16xf32>,
        %dma_wait3A_205 = arith.constant 4 : i32
        %dma_wait3A_206 = arith.constant 0 : i32
        %dma_wait3A_207 = tpu.memref_slice %arg9[%dma_wait3A_205, %dma_wait3A_206] : memref<8x64xi32, #tpu.memory_space<vmem>> -> memref<1x64xi32, #tpu.memory_space<vmem>>
        %dma_wait3A_208 = tpu.memref_squeeze %dma_wait3A_207 : memref<1x64xi32, #tpu.memory_space<vmem>> -> memref<64xi32, #tpu.memory_space<vmem>>
        %dma_wait3A_209 = arith.constant 0 : i32
        %dma_wait3A_210 = arith.constant 0 : i32
        %dma_wait3A_211 = tpu.memref_slice %arg2[%dma_wait3A_209, %dma_wait3A_210] : memref<10000x128xf32, #tpu.memory_space<hbm>> -> memref<10000x128xf32, #tpu.memory_space<hbm>>
        tpu.wait_indirect_dma semaphore(%arg15 : memref<!tpu.dma_semaphore, #tpu.memory_space<semaphore_mem>>) src(%dma_wait3A_211 : memref<10000x128xf32, #tpu.memory_space<hbm>>) dst(%arg11 : memref<64x128xf32, #tpu.memory_space<vmem>>)
        %dma_start3A_212 = arith.constant 5 : i32
        %dma_start3A_213 = arith.constant 0 : i32
        %dma_start3A_214 = tpu.memref_slice %arg9[%dma_start3A_212, %dma_start3A_213] : memref<8x64xi32, #tpu.memory_space<vmem>> -> memref<1x64xi32, #tpu.memory_space<vmem>>
        %dma_start3A_215 = tpu.memref_squeeze %dma_start3A_214 : memref<1x64xi32, #tpu.memory_space<vmem>> -> memref<64xi32, #tpu.memory_space<vmem>>
        %dma_start3A_216 = arith.constant 0 : i32
        %dma_start3A_217 = arith.constant 0 : i32
        %dma_start3A_218 = tpu.memref_slice %arg2[%dma_start3A_216, %dma_start3A_217] : memref<10000x128xf32, #tpu.memory_space<hbm>> -> memref<10000x128xf32, #tpu.memory_space<hbm>>
        tpu.enqueue_indirect_dma source(%dma_start3A_218 : memref<10000x128xf32, #tpu.memory_space<hbm>>) target(%arg12 : memref<64x128xf32, #tpu.memory_space<vmem>>) offsets(%dma_start3A_215 : memref<64xi32, #tpu.memory_space<vmem>>) semaphore(%arg16 : memref<!tpu.dma_semaphore, #tpu.memory_space<semaphore_mem>>)
        %run_scoped3A_219 = arith.constant 4 : i32
        "tpu.region"() ({
          %run_scoped3A_322 = tpu.sem_alloc : memref<!tpu.dma_semaphore, #tpu.memory_space<semaphore_mem>>
          %dma_start3A_323 = arith.constant 0 : i32
          %dma_start3A_324 = tpu.memref_slice %arg10[%run_scoped3A_219, %dma_start3A_323] : memref<8x64xi32, #tpu.memory_space<vmem>> -> memref<1x64xi32, #tpu.memory_space<vmem>>
          %dma_start3A_325 = tpu.memref_squeeze %dma_start3A_324 : memref<1x64xi32, #tpu.memory_space<vmem>> -> memref<64xi32, #tpu.memory_space<vmem>>
          %dma_start3A_326 = arith.constant 0 : i32
          %dma_start3A_327 = arith.constant 0 : i32
          %dma_start3A_328 = tpu.memref_slice %arg14[%dma_start3A_326, %dma_start3A_327] : memref<10240x128xf32, #tpu.memory_space<vmem_shared>> -> memref<10240x128xf32, #tpu.memory_space<vmem_shared>>
          tpu.enqueue_indirect_dma source(%arg11 : memref<64x128xf32, #tpu.memory_space<vmem>>) target(%dma_start3A_328 : memref<10240x128xf32, #tpu.memory_space<vmem_shared>>) offsets(%dma_start3A_325 : memref<64xi32, #tpu.memory_space<vmem>>) semaphore(%run_scoped3A_322 : memref<!tpu.dma_semaphore, #tpu.memory_space<semaphore_mem>>) {add = true}
          %dma_wait3A_329 = arith.constant 0 : i32
          %dma_wait3A_330 = tpu.memref_slice %arg10[%run_scoped3A_219, %dma_wait3A_329] : memref<8x64xi32, #tpu.memory_space<vmem>> -> memref<1x64xi32, #tpu.memory_space<vmem>>
          %dma_wait3A_331 = tpu.memref_squeeze %dma_wait3A_330 : memref<1x64xi32, #tpu.memory_space<vmem>> -> memref<64xi32, #tpu.memory_space<vmem>>
          %dma_wait3A_332 = arith.constant 0 : i32
          %dma_wait3A_333 = arith.constant 0 : i32
          %dma_wait3A_334 = tpu.memref_slice %arg14[%dma_wait3A_332, %dma_wait3A_333] : memref<10240x128xf32, #tpu.memory_space<vmem_shared>> -> memref<10240x128xf32, #tpu.memory_space<vmem_shared>>
          tpu.wait_indirect_dma semaphore(%run_scoped3A_322 : memref<!tpu.dma_semaphore, #tpu.memory_space<semaphore_mem>>) src(%arg11 : memref<64x128xf32, #tpu.memory_space<vmem>>) dst(%dma_wait3A_334 : memref<10240x128xf32, #tpu.memory_space<vmem_shared>>)
          tpu.yield
        }) : () -> ()
        %get3A_220 = arith.constant 4 : i32
        %get3A_221 = arith.index_cast %get3A_220 : i32 to index
        %get3A_222 = arith.constant 0 : index
        %get3A_223 = tpu.vector_load %arg10[%get3A_221, %get3A_222] {strides = array<i32>} : memref<8x64xi32, #tpu.memory_space<vmem>>, vector<16xi32>,
        tpu.vector_store_idx %arg13[%get3A_223], %broadcast_in_dim3A_20 {add = true} : memref<10240xf32, #tpu.memory_space<vmem>>[vector<16xi32>], vector<16xf32>,
        %get3A_224 = arith.constant 4 : i32
        %get3A_225 = arith.index_cast %get3A_224 : i32 to index
        %get3A_226 = arith.constant 16 : index
        %get3A_227 = tpu.vector_load %arg10[%get3A_225, %get3A_226] {strides = array<i32>} : memref<8x64xi32, #tpu.memory_space<vmem>>, vector<16xi32>,
        tpu.vector_store_idx %arg13[%get3A_227], %broadcast_in_dim3A_20 {add = true} : memref<10240xf32, #tpu.memory_space<vmem>>[vector<16xi32>], vector<16xf32>,
        %get3A_228 = arith.constant 4 : i32
        %get3A_229 = arith.index_cast %get3A_228 : i32 to index
        %get3A_230 = arith.constant 32 : index
        %get3A_231 = tpu.vector_load %arg10[%get3A_229, %get3A_230] {strides = array<i32>} : memref<8x64xi32, #tpu.memory_space<vmem>>, vector<16xi32>,
        tpu.vector_store_idx %arg13[%get3A_231], %broadcast_in_dim3A_20 {add = true} : memref<10240xf32, #tpu.memory_space<vmem>>[vector<16xi32>], vector<16xf32>,
        %get3A_232 = arith.constant 4 : i32
        %get3A_233 = arith.index_cast %get3A_232 : i32 to index
        %get3A_234 = arith.constant 48 : index
        %get3A_235 = tpu.vector_load %arg10[%get3A_233, %get3A_234] {strides = array<i32>} : memref<8x64xi32, #tpu.memory_space<vmem>>, vector<16xi32>,
        tpu.vector_store_idx %arg13[%get3A_235], %broadcast_in_dim3A_20 {add = true} : memref<10240xf32, #tpu.memory_space<vmem>>[vector<16xi32>], vector<16xf32>,
        %dma_wait3A_236 = arith.constant 5 : i32
        %dma_wait3A_237 = arith.constant 0 : i32
        %dma_wait3A_238 = tpu.memref_slice %arg9[%dma_wait3A_236, %dma_wait3A_237] : memref<8x64xi32, #tpu.memory_space<vmem>> -> memref<1x64xi32, #tpu.memory_space<vmem>>
        %dma_wait3A_239 = tpu.memref_squeeze %dma_wait3A_238 : memref<1x64xi32, #tpu.memory_space<vmem>> -> memref<64xi32, #tpu.memory_space<vmem>>
        %dma_wait3A_240 = arith.constant 0 : i32
        %dma_wait3A_241 = arith.constant 0 : i32
        %dma_wait3A_242 = tpu.memref_slice %arg2[%dma_wait3A_240, %dma_wait3A_241] : memref<10000x128xf32, #tpu.memory_space<hbm>> -> memref<10000x128xf32, #tpu.memory_space<hbm>>
        tpu.wait_indirect_dma semaphore(%arg16 : memref<!tpu.dma_semaphore, #tpu.memory_space<semaphore_mem>>) src(%dma_wait3A_242 : memref<10000x128xf32, #tpu.memory_space<hbm>>) dst(%arg12 : memref<64x128xf32, #tpu.memory_space<vmem>>)
        %dma_start3A_243 = arith.constant 6 : i32
        %dma_start3A_244 = arith.constant 0 : i32
        %dma_start3A_245 = tpu.memref_slice %arg9[%dma_start3A_243, %dma_start3A_244] : memref<8x64xi32, #tpu.memory_space<vmem>> -> memref<1x64xi32, #tpu.memory_space<vmem>>
        %dma_start3A_246 = tpu.memref_squeeze %dma_start3A_245 : memref<1x64xi32, #tpu.memory_space<vmem>> -> memref<64xi32, #tpu.memory_space<vmem>>
        %dma_start3A_247 = arith.constant 0 : i32
        %dma_start3A_248 = arith.constant 0 : i32
        %dma_start3A_249 = tpu.memref_slice %arg2[%dma_start3A_247, %dma_start3A_248] : memref<10000x128xf32, #tpu.memory_space<hbm>> -> memref<10000x128xf32, #tpu.memory_space<hbm>>
        tpu.enqueue_indirect_dma source(%dma_start3A_249 : memref<10000x128xf32, #tpu.memory_space<hbm>>) target(%arg11 : memref<64x128xf32, #tpu.memory_space<vmem>>) offsets(%dma_start3A_246 : memref<64xi32, #tpu.memory_space<vmem>>) semaphore(%arg15 : memref<!tpu.dma_semaphore, #tpu.memory_space<semaphore_mem>>)
        %run_scoped3A_250 = arith.constant 5 : i32
        "tpu.region"() ({
          %run_scoped3A_322 = tpu.sem_alloc : memref<!tpu.dma_semaphore, #tpu.memory_space<semaphore_mem>>
          %dma_start3A_323 = arith.constant 0 : i32
          %dma_start3A_324 = tpu.memref_slice %arg10[%run_scoped3A_250, %dma_start3A_323] : memref<8x64xi32, #tpu.memory_space<vmem>> -> memref<1x64xi32, #tpu.memory_space<vmem>>
          %dma_start3A_325 = tpu.memref_squeeze %dma_start3A_324 : memref<1x64xi32, #tpu.memory_space<vmem>> -> memref<64xi32, #tpu.memory_space<vmem>>
          %dma_start3A_326 = arith.constant 0 : i32
          %dma_start3A_327 = arith.constant 0 : i32
          %dma_start3A_328 = tpu.memref_slice %arg14[%dma_start3A_326, %dma_start3A_327] : memref<10240x128xf32, #tpu.memory_space<vmem_shared>> -> memref<10240x128xf32, #tpu.memory_space<vmem_shared>>
          tpu.enqueue_indirect_dma source(%arg12 : memref<64x128xf32, #tpu.memory_space<vmem>>) target(%dma_start3A_328 : memref<10240x128xf32, #tpu.memory_space<vmem_shared>>) offsets(%dma_start3A_325 : memref<64xi32, #tpu.memory_space<vmem>>) semaphore(%run_scoped3A_322 : memref<!tpu.dma_semaphore, #tpu.memory_space<semaphore_mem>>) {add = true}
          %dma_wait3A_329 = arith.constant 0 : i32
          %dma_wait3A_330 = tpu.memref_slice %arg10[%run_scoped3A_250, %dma_wait3A_329] : memref<8x64xi32, #tpu.memory_space<vmem>> -> memref<1x64xi32, #tpu.memory_space<vmem>>
          %dma_wait3A_331 = tpu.memref_squeeze %dma_wait3A_330 : memref<1x64xi32, #tpu.memory_space<vmem>> -> memref<64xi32, #tpu.memory_space<vmem>>
          %dma_wait3A_332 = arith.constant 0 : i32
          %dma_wait3A_333 = arith.constant 0 : i32
          %dma_wait3A_334 = tpu.memref_slice %arg14[%dma_wait3A_332, %dma_wait3A_333] : memref<10240x128xf32, #tpu.memory_space<vmem_shared>> -> memref<10240x128xf32, #tpu.memory_space<vmem_shared>>
          tpu.wait_indirect_dma semaphore(%run_scoped3A_322 : memref<!tpu.dma_semaphore, #tpu.memory_space<semaphore_mem>>) src(%arg12 : memref<64x128xf32, #tpu.memory_space<vmem>>) dst(%dma_wait3A_334 : memref<10240x128xf32, #tpu.memory_space<vmem_shared>>)
          tpu.yield
        }) : () -> ()
        %get3A_251 = arith.constant 5 : i32
        %get3A_252 = arith.index_cast %get3A_251 : i32 to index
        %get3A_253 = arith.constant 0 : index
        %get3A_254 = tpu.vector_load %arg10[%get3A_252, %get3A_253] {strides = array<i32>} : memref<8x64xi32, #tpu.memory_space<vmem>>, vector<16xi32>,
        tpu.vector_store_idx %arg13[%get3A_254], %broadcast_in_dim3A_20 {add = true} : memref<10240xf32, #tpu.memory_space<vmem>>[vector<16xi32>], vector<16xf32>,
        %get3A_255 = arith.constant 5 : i32
        %get3A_256 = arith.index_cast %get3A_255 : i32 to index
        %get3A_257 = arith.constant 16 : index
        %get3A_258 = tpu.vector_load %arg10[%get3A_256, %get3A_257] {strides = array<i32>} : memref<8x64xi32, #tpu.memory_space<vmem>>, vector<16xi32>,
        tpu.vector_store_idx %arg13[%get3A_258], %broadcast_in_dim3A_20 {add = true} : memref<10240xf32, #tpu.memory_space<vmem>>[vector<16xi32>], vector<16xf32>,
        %get3A_259 = arith.constant 5 : i32
        %get3A_260 = arith.index_cast %get3A_259 : i32 to index
        %get3A_261 = arith.constant 32 : index
        %get3A_262 = tpu.vector_load %arg10[%get3A_260, %get3A_261] {strides = array<i32>} : memref<8x64xi32, #tpu.memory_space<vmem>>, vector<16xi32>,
        tpu.vector_store_idx %arg13[%get3A_262], %broadcast_in_dim3A_20 {add = true} : memref<10240xf32, #tpu.memory_space<vmem>>[vector<16xi32>], vector<16xf32>,
        %get3A_263 = arith.constant 5 : i32
        %get3A_264 = arith.index_cast %get3A_263 : i32 to index
        %get3A_265 = arith.constant 48 : index
        %get3A_266 = tpu.vector_load %arg10[%get3A_264, %get3A_265] {strides = array<i32>} : memref<8x64xi32, #tpu.memory_space<vmem>>, vector<16xi32>,
        tpu.vector_store_idx %arg13[%get3A_266], %broadcast_in_dim3A_20 {add = true} : memref<10240xf32, #tpu.memory_space<vmem>>[vector<16xi32>], vector<16xf32>,
        %dma_wait3A_267 = arith.constant 6 : i32
        %dma_wait3A_268 = arith.constant 0 : i32
        %dma_wait3A_269 = tpu.memref_slice %arg9[%dma_wait3A_267, %dma_wait3A_268] : memref<8x64xi32, #tpu.memory_space<vmem>> -> memref<1x64xi32, #tpu.memory_space<vmem>>
        %dma_wait3A_270 = tpu.memref_squeeze %dma_wait3A_269 : memref<1x64xi32, #tpu.memory_space<vmem>> -> memref<64xi32, #tpu.memory_space<vmem>>
        %dma_wait3A_271 = arith.constant 0 : i32
        %dma_wait3A_272 = arith.constant 0 : i32
        %dma_wait3A_273 = tpu.memref_slice %arg2[%dma_wait3A_271, %dma_wait3A_272] : memref<10000x128xf32, #tpu.memory_space<hbm>> -> memref<10000x128xf32, #tpu.memory_space<hbm>>
        tpu.wait_indirect_dma semaphore(%arg15 : memref<!tpu.dma_semaphore, #tpu.memory_space<semaphore_mem>>) src(%dma_wait3A_273 : memref<10000x128xf32, #tpu.memory_space<hbm>>) dst(%arg11 : memref<64x128xf32, #tpu.memory_space<vmem>>)
        %dma_start3A_274 = arith.constant 7 : i32
        %dma_start3A_275 = arith.constant 0 : i32
        %dma_start3A_276 = tpu.memref_slice %arg9[%dma_start3A_274, %dma_start3A_275] : memref<8x64xi32, #tpu.memory_space<vmem>> -> memref<1x64xi32, #tpu.memory_space<vmem>>
        %dma_start3A_277 = tpu.memref_squeeze %dma_start3A_276 : memref<1x64xi32, #tpu.memory_space<vmem>> -> memref<64xi32, #tpu.memory_space<vmem>>
        %dma_start3A_278 = arith.constant 0 : i32
        %dma_start3A_279 = arith.constant 0 : i32
        %dma_start3A_280 = tpu.memref_slice %arg2[%dma_start3A_278, %dma_start3A_279] : memref<10000x128xf32, #tpu.memory_space<hbm>> -> memref<10000x128xf32, #tpu.memory_space<hbm>>
        tpu.enqueue_indirect_dma source(%dma_start3A_280 : memref<10000x128xf32, #tpu.memory_space<hbm>>) target(%arg12 : memref<64x128xf32, #tpu.memory_space<vmem>>) offsets(%dma_start3A_277 : memref<64xi32, #tpu.memory_space<vmem>>) semaphore(%arg16 : memref<!tpu.dma_semaphore, #tpu.memory_space<semaphore_mem>>)
        %run_scoped3A_281 = arith.constant 6 : i32
        "tpu.region"() ({
          %run_scoped3A_322 = tpu.sem_alloc : memref<!tpu.dma_semaphore, #tpu.memory_space<semaphore_mem>>
          %dma_start3A_323 = arith.constant 0 : i32
          %dma_start3A_324 = tpu.memref_slice %arg10[%run_scoped3A_281, %dma_start3A_323] : memref<8x64xi32, #tpu.memory_space<vmem>> -> memref<1x64xi32, #tpu.memory_space<vmem>>
          %dma_start3A_325 = tpu.memref_squeeze %dma_start3A_324 : memref<1x64xi32, #tpu.memory_space<vmem>> -> memref<64xi32, #tpu.memory_space<vmem>>
          %dma_start3A_326 = arith.constant 0 : i32
          %dma_start3A_327 = arith.constant 0 : i32
          %dma_start3A_328 = tpu.memref_slice %arg14[%dma_start3A_326, %dma_start3A_327] : memref<10240x128xf32, #tpu.memory_space<vmem_shared>> -> memref<10240x128xf32, #tpu.memory_space<vmem_shared>>
          tpu.enqueue_indirect_dma source(%arg11 : memref<64x128xf32, #tpu.memory_space<vmem>>) target(%dma_start3A_328 : memref<10240x128xf32, #tpu.memory_space<vmem_shared>>) offsets(%dma_start3A_325 : memref<64xi32, #tpu.memory_space<vmem>>) semaphore(%run_scoped3A_322 : memref<!tpu.dma_semaphore, #tpu.memory_space<semaphore_mem>>) {add = true}
          %dma_wait3A_329 = arith.constant 0 : i32
          %dma_wait3A_330 = tpu.memref_slice %arg10[%run_scoped3A_281, %dma_wait3A_329] : memref<8x64xi32, #tpu.memory_space<vmem>> -> memref<1x64xi32, #tpu.memory_space<vmem>>
          %dma_wait3A_331 = tpu.memref_squeeze %dma_wait3A_330 : memref<1x64xi32, #tpu.memory_space<vmem>> -> memref<64xi32, #tpu.memory_space<vmem>>
          %dma_wait3A_332 = arith.constant 0 : i32
          %dma_wait3A_333 = arith.constant 0 : i32
          %dma_wait3A_334 = tpu.memref_slice %arg14[%dma_wait3A_332, %dma_wait3A_333] : memref<10240x128xf32, #tpu.memory_space<vmem_shared>> -> memref<10240x128xf32, #tpu.memory_space<vmem_shared>>
          tpu.wait_indirect_dma semaphore(%run_scoped3A_322 : memref<!tpu.dma_semaphore, #tpu.memory_space<semaphore_mem>>) src(%arg11 : memref<64x128xf32, #tpu.memory_space<vmem>>) dst(%dma_wait3A_334 : memref<10240x128xf32, #tpu.memory_space<vmem_shared>>)
          tpu.yield
        }) : () -> ()
        %get3A_282 = arith.constant 6 : i32
        %get3A_283 = arith.index_cast %get3A_282 : i32 to index
        %get3A_284 = arith.constant 0 : index
        %get3A_285 = tpu.vector_load %arg10[%get3A_283, %get3A_284] {strides = array<i32>} : memref<8x64xi32, #tpu.memory_space<vmem>>, vector<16xi32>,
        tpu.vector_store_idx %arg13[%get3A_285], %broadcast_in_dim3A_20 {add = true} : memref<10240xf32, #tpu.memory_space<vmem>>[vector<16xi32>], vector<16xf32>,
        %get3A_286 = arith.constant 6 : i32
        %get3A_287 = arith.index_cast %get3A_286 : i32 to index
        %get3A_288 = arith.constant 16 : index
        %get3A_289 = tpu.vector_load %arg10[%get3A_287, %get3A_288] {strides = array<i32>} : memref<8x64xi32, #tpu.memory_space<vmem>>, vector<16xi32>,
        tpu.vector_store_idx %arg13[%get3A_289], %broadcast_in_dim3A_20 {add = true} : memref<10240xf32, #tpu.memory_space<vmem>>[vector<16xi32>], vector<16xf32>,
        %get3A_290 = arith.constant 6 : i32
        %get3A_291 = arith.index_cast %get3A_290 : i32 to index
        %get3A_292 = arith.constant 32 : index
        %get3A_293 = tpu.vector_load %arg10[%get3A_291, %get3A_292] {strides = array<i32>} : memref<8x64xi32, #tpu.memory_space<vmem>>, vector<16xi32>,
        tpu.vector_store_idx %arg13[%get3A_293], %broadcast_in_dim3A_20 {add = true} : memref<10240xf32, #tpu.memory_space<vmem>>[vector<16xi32>], vector<16xf32>,
        %get3A_294 = arith.constant 6 : i32
        %get3A_295 = arith.index_cast %get3A_294 : i32 to index
        %get3A_296 = arith.constant 48 : index
        %get3A_297 = tpu.vector_load %arg10[%get3A_295, %get3A_296] {strides = array<i32>} : memref<8x64xi32, #tpu.memory_space<vmem>>, vector<16xi32>,
        tpu.vector_store_idx %arg13[%get3A_297], %broadcast_in_dim3A_20 {add = true} : memref<10240xf32, #tpu.memory_space<vmem>>[vector<16xi32>], vector<16xf32>,
        %dma_wait3A_298 = arith.constant 7 : i32
        %dma_wait3A_299 = arith.constant 0 : i32
        %dma_wait3A_300 = tpu.memref_slice %arg9[%dma_wait3A_298, %dma_wait3A_299] : memref<8x64xi32, #tpu.memory_space<vmem>> -> memref<1x64xi32, #tpu.memory_space<vmem>>
        %dma_wait3A_301 = tpu.memref_squeeze %dma_wait3A_300 : memref<1x64xi32, #tpu.memory_space<vmem>> -> memref<64xi32, #tpu.memory_space<vmem>>
        %dma_wait3A_302 = arith.constant 0 : i32
        %dma_wait3A_303 = arith.constant 0 : i32
        %dma_wait3A_304 = tpu.memref_slice %arg2[%dma_wait3A_302, %dma_wait3A_303] : memref<10000x128xf32, #tpu.memory_space<hbm>> -> memref<10000x128xf32, #tpu.memory_space<hbm>>
        tpu.wait_indirect_dma semaphore(%arg16 : memref<!tpu.dma_semaphore, #tpu.memory_space<semaphore_mem>>) src(%dma_wait3A_304 : memref<10000x128xf32, #tpu.memory_space<hbm>>) dst(%arg12 : memref<64x128xf32, #tpu.memory_space<vmem>>)
        %run_scoped3A_305 = arith.constant 7 : i32
        "tpu.region"() ({
          %run_scoped3A_322 = tpu.sem_alloc : memref<!tpu.dma_semaphore, #tpu.memory_space<semaphore_mem>>
          %dma_start3A_323 = arith.constant 0 : i32
          %dma_start3A_324 = tpu.memref_slice %arg10[%run_scoped3A_305, %dma_start3A_323] : memref<8x64xi32, #tpu.memory_space<vmem>> -> memref<1x64xi32, #tpu.memory_space<vmem>>
          %dma_start3A_325 = tpu.memref_squeeze %dma_start3A_324 : memref<1x64xi32, #tpu.memory_space<vmem>> -> memref<64xi32, #tpu.memory_space<vmem>>
          %dma_start3A_326 = arith.constant 0 : i32
          %dma_start3A_327 = arith.constant 0 : i32
          %dma_start3A_328 = tpu.memref_slice %arg14[%dma_start3A_326, %dma_start3A_327] : memref<10240x128xf32, #tpu.memory_space<vmem_shared>> -> memref<10240x128xf32, #tpu.memory_space<vmem_shared>>
          tpu.enqueue_indirect_dma source(%arg12 : memref<64x128xf32, #tpu.memory_space<vmem>>) target(%dma_start3A_328 : memref<10240x128xf32, #tpu.memory_space<vmem_shared>>) offsets(%dma_start3A_325 : memref<64xi32, #tpu.memory_space<vmem>>) semaphore(%run_scoped3A_322 : memref<!tpu.dma_semaphore, #tpu.memory_space<semaphore_mem>>) {add = true}
          %dma_wait3A_329 = arith.constant 0 : i32
          %dma_wait3A_330 = tpu.memref_slice %arg10[%run_scoped3A_305, %dma_wait3A_329] : memref<8x64xi32, #tpu.memory_space<vmem>> -> memref<1x64xi32, #tpu.memory_space<vmem>>
          %dma_wait3A_331 = tpu.memref_squeeze %dma_wait3A_330 : memref<1x64xi32, #tpu.memory_space<vmem>> -> memref<64xi32, #tpu.memory_space<vmem>>
          %dma_wait3A_332 = arith.constant 0 : i32
          %dma_wait3A_333 = arith.constant 0 : i32
          %dma_wait3A_334 = tpu.memref_slice %arg14[%dma_wait3A_332, %dma_wait3A_333] : memref<10240x128xf32, #tpu.memory_space<vmem_shared>> -> memref<10240x128xf32, #tpu.memory_space<vmem_shared>>
          tpu.wait_indirect_dma semaphore(%run_scoped3A_322 : memref<!tpu.dma_semaphore, #tpu.memory_space<semaphore_mem>>) src(%arg12 : memref<64x128xf32, #tpu.memory_space<vmem>>) dst(%dma_wait3A_334 : memref<10240x128xf32, #tpu.memory_space<vmem_shared>>)
          tpu.yield
        }) : () -> ()
        %get3A_306 = arith.constant 7 : i32
        %get3A_307 = arith.index_cast %get3A_306 : i32 to index
        %get3A_308 = arith.constant 0 : index
        %get3A_309 = tpu.vector_load %arg10[%get3A_307, %get3A_308] {strides = array<i32>} : memref<8x64xi32, #tpu.memory_space<vmem>>, vector<16xi32>,
        tpu.vector_store_idx %arg13[%get3A_309], %broadcast_in_dim3A_20 {add = true} : memref<10240xf32, #tpu.memory_space<vmem>>[vector<16xi32>], vector<16xf32>,
        %get3A_310 = arith.constant 7 : i32
        %get3A_311 = arith.index_cast %get3A_310 : i32 to index
        %get3A_312 = arith.constant 16 : index
        %get3A_313 = tpu.vector_load %arg10[%get3A_311, %get3A_312] {strides = array<i32>} : memref<8x64xi32, #tpu.memory_space<vmem>>, vector<16xi32>,
        tpu.vector_store_idx %arg13[%get3A_313], %broadcast_in_dim3A_20 {add = true} : memref<10240xf32, #tpu.memory_space<vmem>>[vector<16xi32>], vector<16xf32>,
        %get3A_314 = arith.constant 7 : i32
        %get3A_315 = arith.index_cast %get3A_314 : i32 to index
        %get3A_316 = arith.constant 32 : index
        %get3A_317 = tpu.vector_load %arg10[%get3A_315, %get3A_316] {strides = array<i32>} : memref<8x64xi32, #tpu.memory_space<vmem>>, vector<16xi32>,
        tpu.vector_store_idx %arg13[%get3A_317], %broadcast_in_dim3A_20 {add = true} : memref<10240xf32, #tpu.memory_space<vmem>>[vector<16xi32>], vector<16xf32>,
        %get3A_318 = arith.constant 7 : i32
        %get3A_319 = arith.index_cast %get3A_318 : i32 to index
        %get3A_320 = arith.constant 48 : index
        %get3A_321 = tpu.vector_load %arg10[%get3A_319, %get3A_320] {strides = array<i32>} : memref<8x64xi32, #tpu.memory_space<vmem>>, vector<16xi32>,
        tpu.vector_store_idx %arg13[%get3A_321], %broadcast_in_dim3A_20 {add = true} : memref<10240xf32, #tpu.memory_space<vmem>>[vector<16xi32>], vector<16xf32>,
      }
      %scan3A_75 = arith.constant 36 : i32
    } else {
    }
    %eq3A_23 = arith.constant 1 : i32
    %eq3A_24 = arith.cmpi eq, %arg0, %eq3A_23 : i32
    %convert_element_type3A_25 = arith.extui %eq3A_24 : i1 to i32
    %cond3A_26 = arith.constant 0 : i32
    %cond3A_27 = arith.cmpi ne, %convert_element_type3A_25, %cond3A_26 : i32
    scf.if %cond3A_27 {
      %mul3A_69 = arith.constant 4 : i32
      %mul3A_70 = arith.muli %arg1, %mul3A_69 : i32
      %add3A_71 = arith.constant 576 : i32
      %add3A_72 = arith.addi %add3A_71, %mul3A_70 : i32
      %scan3A = arith.constant 0 : i32
      %scan3A_73 = arith.constant 0 : i32
      %scan3A_74 = arith.constant 4 : i32
      %scan3A_75 = arith.addi %scan3A_73, %scan3A_74 : i32
      %scan3A_76 = arith.constant 1 : i32
      scf.for %scan3A_78 = %scan3A_73 to %scan3A_75 step %scan3A_76  : i32 {
        %add3A_79 = arith.addi %add3A_72, %scan3A_78 : i32
        "tpu.region"() ({
          %run_scoped3A_324 = tpu.sem_alloc : memref<!tpu.dma_semaphore, #tpu.memory_space<semaphore_mem>>
          %dma_start3A_325 = arith.constant 0 : i32
          %dma_start3A_326 = arith.constant 0 : i32
          %dma_start3A_327 = tpu.memref_slice %arg3[%add3A_79, %dma_start3A_325, %dma_start3A_326] : memref<640x8x64xi32, #tpu.memory_space<hbm>> -> memref<1x8x64xi32, #tpu.memory_space<hbm>>
          %dma_start3A_328 = tpu.memref_squeeze %dma_start3A_327 : memref<1x8x64xi32, #tpu.memory_space<hbm>> -> memref<8x64xi32, #tpu.memory_space<hbm>>
          %dma_start3A_329 = arith.constant 0 : i32
          %dma_start3A_330 = arith.constant 0 : i32
          %dma_start3A_331 = tpu.memref_slice %arg3[%add3A_79, %dma_start3A_329, %dma_start3A_330] : memref<640x8x64xi32, #tpu.memory_space<hbm>> -> memref<1x8x64xi32, #tpu.memory_space<hbm>>
          %dma_start3A_332 = tpu.memref_squeeze %dma_start3A_331 : memref<1x8x64xi32, #tpu.memory_space<hbm>> -> memref<8x64xi32, #tpu.memory_space<hbm>>
          tpu.enqueue_dma source(%dma_start3A_332 : memref<8x64xi32, #tpu.memory_space<hbm>>) target(%arg9 : memref<8x64xi32, #tpu.memory_space<vmem>>) target_semaphore(%run_scoped3A_324 : memref<!tpu.dma_semaphore, #tpu.memory_space<semaphore_mem>>)
          %dma_wait3A_333 = arith.constant 0 : i32
          %dma_wait3A_334 = arith.constant 0 : i32
          %dma_wait3A_335 = tpu.memref_slice %arg3[%add3A_79, %dma_wait3A_333, %dma_wait3A_334] : memref<640x8x64xi32, #tpu.memory_space<hbm>> -> memref<1x8x64xi32, #tpu.memory_space<hbm>>
          %dma_wait3A_336 = tpu.memref_squeeze %dma_wait3A_335 : memref<1x8x64xi32, #tpu.memory_space<hbm>> -> memref<8x64xi32, #tpu.memory_space<hbm>>
          %dma_wait3A_337 = arith.constant 0 : i32
          %dma_wait3A_338 = arith.constant 0 : i32
          %dma_wait3A_339 = tpu.memref_slice %arg3[%add3A_79, %dma_wait3A_337, %dma_wait3A_338] : memref<640x8x64xi32, #tpu.memory_space<hbm>> -> memref<1x8x64xi32, #tpu.memory_space<hbm>>
          %dma_wait3A_340 = tpu.memref_squeeze %dma_wait3A_339 : memref<1x8x64xi32, #tpu.memory_space<hbm>> -> memref<8x64xi32, #tpu.memory_space<hbm>>
          tpu.wait_dma2 semaphore(%run_scoped3A_324 : memref<!tpu.dma_semaphore, #tpu.memory_space<semaphore_mem>>) src(%dma_wait3A_340 : memref<8x64xi32, #tpu.memory_space<hbm>>) dst(%arg9 : memref<8x64xi32, #tpu.memory_space<vmem>>)
          tpu.yield
        }) : () -> ()
        "tpu.region"() ({
          %run_scoped3A_324 = tpu.sem_alloc : memref<!tpu.dma_semaphore, #tpu.memory_space<semaphore_mem>>
          %dma_start3A_325 = arith.constant 0 : i32
          %dma_start3A_326 = arith.constant 0 : i32
          %dma_start3A_327 = tpu.memref_slice %arg4[%add3A_79, %dma_start3A_325, %dma_start3A_326] : memref<640x8x64xi32, #tpu.memory_space<hbm>> -> memref<1x8x64xi32, #tpu.memory_space<hbm>>
          %dma_start3A_328 = tpu.memref_squeeze %dma_start3A_327 : memref<1x8x64xi32, #tpu.memory_space<hbm>> -> memref<8x64xi32, #tpu.memory_space<hbm>>
          %dma_start3A_329 = arith.constant 0 : i32
          %dma_start3A_330 = arith.constant 0 : i32
          %dma_start3A_331 = tpu.memref_slice %arg4[%add3A_79, %dma_start3A_329, %dma_start3A_330] : memref<640x8x64xi32, #tpu.memory_space<hbm>> -> memref<1x8x64xi32, #tpu.memory_space<hbm>>
          %dma_start3A_332 = tpu.memref_squeeze %dma_start3A_331 : memref<1x8x64xi32, #tpu.memory_space<hbm>> -> memref<8x64xi32, #tpu.memory_space<hbm>>
          tpu.enqueue_dma source(%dma_start3A_332 : memref<8x64xi32, #tpu.memory_space<hbm>>) target(%arg10 : memref<8x64xi32, #tpu.memory_space<vmem>>) target_semaphore(%run_scoped3A_324 : memref<!tpu.dma_semaphore, #tpu.memory_space<semaphore_mem>>)
          %dma_wait3A_333 = arith.constant 0 : i32
          %dma_wait3A_334 = arith.constant 0 : i32
          %dma_wait3A_335 = tpu.memref_slice %arg4[%add3A_79, %dma_wait3A_333, %dma_wait3A_334] : memref<640x8x64xi32, #tpu.memory_space<hbm>> -> memref<1x8x64xi32, #tpu.memory_space<hbm>>
          %dma_wait3A_336 = tpu.memref_squeeze %dma_wait3A_335 : memref<1x8x64xi32, #tpu.memory_space<hbm>> -> memref<8x64xi32, #tpu.memory_space<hbm>>
          %dma_wait3A_337 = arith.constant 0 : i32
          %dma_wait3A_338 = arith.constant 0 : i32
          %dma_wait3A_339 = tpu.memref_slice %arg4[%add3A_79, %dma_wait3A_337, %dma_wait3A_338] : memref<640x8x64xi32, #tpu.memory_space<hbm>> -> memref<1x8x64xi32, #tpu.memory_space<hbm>>
          %dma_wait3A_340 = tpu.memref_squeeze %dma_wait3A_339 : memref<1x8x64xi32, #tpu.memory_space<hbm>> -> memref<8x64xi32, #tpu.memory_space<hbm>>
          tpu.wait_dma2 semaphore(%run_scoped3A_324 : memref<!tpu.dma_semaphore, #tpu.memory_space<semaphore_mem>>) src(%dma_wait3A_340 : memref<8x64xi32, #tpu.memory_space<hbm>>) dst(%arg10 : memref<8x64xi32, #tpu.memory_space<vmem>>)
          tpu.yield
        }) : () -> ()
        %dma_start3A = arith.constant 0 : i32
        %dma_start3A_80 = arith.constant 0 : i32
        %dma_start3A_81 = tpu.memref_slice %arg9[%dma_start3A, %dma_start3A_80] : memref<8x64xi32, #tpu.memory_space<vmem>> -> memref<1x64xi32, #tpu.memory_space<vmem>>
        %dma_start3A_82 = tpu.memref_squeeze %dma_start3A_81 : memref<1x64xi32, #tpu.memory_space<vmem>> -> memref<64xi32, #tpu.memory_space<vmem>>
        %dma_start3A_83 = arith.constant 0 : i32
        %dma_start3A_84 = arith.constant 0 : i32
        %dma_start3A_85 = tpu.memref_slice %arg2[%dma_start3A_83, %dma_start3A_84] : memref<10000x128xf32, #tpu.memory_space<hbm>> -> memref<10000x128xf32, #tpu.memory_space<hbm>>
        tpu.enqueue_indirect_dma source(%dma_start3A_85 : memref<10000x128xf32, #tpu.memory_space<hbm>>) target(%arg11 : memref<64x128xf32, #tpu.memory_space<vmem>>) offsets(%dma_start3A_82 : memref<64xi32, #tpu.memory_space<vmem>>) semaphore(%arg15 : memref<!tpu.dma_semaphore, #tpu.memory_space<semaphore_mem>>)
        %dma_wait3A = arith.constant 0 : i32
        %dma_wait3A_86 = arith.constant 0 : i32
        %dma_wait3A_87 = tpu.memref_slice %arg9[%dma_wait3A, %dma_wait3A_86] : memref<8x64xi32, #tpu.memory_space<vmem>> -> memref<1x64xi32, #tpu.memory_space<vmem>>
        %dma_wait3A_88 = tpu.memref_squeeze %dma_wait3A_87 : memref<1x64xi32, #tpu.memory_space<vmem>> -> memref<64xi32, #tpu.memory_space<vmem>>
        %dma_wait3A_89 = arith.constant 0 : i32
        %dma_wait3A_90 = arith.constant 0 : i32
        %dma_wait3A_91 = tpu.memref_slice %arg2[%dma_wait3A_89, %dma_wait3A_90] : memref<10000x128xf32, #tpu.memory_space<hbm>> -> memref<10000x128xf32, #tpu.memory_space<hbm>>
        tpu.wait_indirect_dma semaphore(%arg15 : memref<!tpu.dma_semaphore, #tpu.memory_space<semaphore_mem>>) src(%dma_wait3A_91 : memref<10000x128xf32, #tpu.memory_space<hbm>>) dst(%arg11 : memref<64x128xf32, #tpu.memory_space<vmem>>)
        %dma_start3A_92 = arith.constant 1 : i32
        %dma_start3A_93 = arith.constant 0 : i32
        %dma_start3A_94 = tpu.memref_slice %arg9[%dma_start3A_92, %dma_start3A_93] : memref<8x64xi32, #tpu.memory_space<vmem>> -> memref<1x64xi32, #tpu.memory_space<vmem>>
        %dma_start3A_95 = tpu.memref_squeeze %dma_start3A_94 : memref<1x64xi32, #tpu.memory_space<vmem>> -> memref<64xi32, #tpu.memory_space<vmem>>
        %dma_start3A_96 = arith.constant 0 : i32
        %dma_start3A_97 = arith.constant 0 : i32
        %dma_start3A_98 = tpu.memref_slice %arg2[%dma_start3A_96, %dma_start3A_97] : memref<10000x128xf32, #tpu.memory_space<hbm>> -> memref<10000x128xf32, #tpu.memory_space<hbm>>
        tpu.enqueue_indirect_dma source(%dma_start3A_98 : memref<10000x128xf32, #tpu.memory_space<hbm>>) target(%arg12 : memref<64x128xf32, #tpu.memory_space<vmem>>) offsets(%dma_start3A_95 : memref<64xi32, #tpu.memory_space<vmem>>) semaphore(%arg16 : memref<!tpu.dma_semaphore, #tpu.memory_space<semaphore_mem>>)
        %run_scoped3A = arith.constant 0 : i32
        "tpu.region"() ({
          %run_scoped3A_324 = tpu.sem_alloc : memref<!tpu.dma_semaphore, #tpu.memory_space<semaphore_mem>>
          %dma_start3A_325 = arith.constant 0 : i32
          %dma_start3A_326 = tpu.memref_slice %arg10[%run_scoped3A, %dma_start3A_325] : memref<8x64xi32, #tpu.memory_space<vmem>> -> memref<1x64xi32, #tpu.memory_space<vmem>>
          %dma_start3A_327 = tpu.memref_squeeze %dma_start3A_326 : memref<1x64xi32, #tpu.memory_space<vmem>> -> memref<64xi32, #tpu.memory_space<vmem>>
          %dma_start3A_328 = arith.constant 0 : i32
          %dma_start3A_329 = arith.constant 0 : i32
          %dma_start3A_330 = tpu.memref_slice %arg14[%dma_start3A_328, %dma_start3A_329] : memref<10240x128xf32, #tpu.memory_space<vmem_shared>> -> memref<10240x128xf32, #tpu.memory_space<vmem_shared>>
          tpu.enqueue_indirect_dma source(%arg11 : memref<64x128xf32, #tpu.memory_space<vmem>>) target(%dma_start3A_330 : memref<10240x128xf32, #tpu.memory_space<vmem_shared>>) offsets(%dma_start3A_327 : memref<64xi32, #tpu.memory_space<vmem>>) semaphore(%run_scoped3A_324 : memref<!tpu.dma_semaphore, #tpu.memory_space<semaphore_mem>>) {add = true}
          %dma_wait3A_331 = arith.constant 0 : i32
          %dma_wait3A_332 = tpu.memref_slice %arg10[%run_scoped3A, %dma_wait3A_331] : memref<8x64xi32, #tpu.memory_space<vmem>> -> memref<1x64xi32, #tpu.memory_space<vmem>>
          %dma_wait3A_333 = tpu.memref_squeeze %dma_wait3A_332 : memref<1x64xi32, #tpu.memory_space<vmem>> -> memref<64xi32, #tpu.memory_space<vmem>>
          %dma_wait3A_334 = arith.constant 0 : i32
          %dma_wait3A_335 = arith.constant 0 : i32
          %dma_wait3A_336 = tpu.memref_slice %arg14[%dma_wait3A_334, %dma_wait3A_335] : memref<10240x128xf32, #tpu.memory_space<vmem_shared>> -> memref<10240x128xf32, #tpu.memory_space<vmem_shared>>
          tpu.wait_indirect_dma semaphore(%run_scoped3A_324 : memref<!tpu.dma_semaphore, #tpu.memory_space<semaphore_mem>>) src(%arg11 : memref<64x128xf32, #tpu.memory_space<vmem>>) dst(%dma_wait3A_336 : memref<10240x128xf32, #tpu.memory_space<vmem_shared>>)
          tpu.yield
        }) : () -> ()
        %get3A = arith.constant 0 : i32
        %get3A_99 = arith.index_cast %get3A : i32 to index
        %get3A_100 = arith.constant 0 : index
        %get3A_101 = tpu.vector_load %arg10[%get3A_99, %get3A_100] {strides = array<i32>} : memref<8x64xi32, #tpu.memory_space<vmem>>, vector<16xi32>,
        tpu.vector_store_idx %arg13[%get3A_101], %broadcast_in_dim3A_20 {add = true} : memref<10240xf32, #tpu.memory_space<vmem>>[vector<16xi32>], vector<16xf32>,
        %get3A_102 = arith.constant 0 : i32
        %get3A_103 = arith.index_cast %get3A_102 : i32 to index
        %get3A_104 = arith.constant 16 : index
        %get3A_105 = tpu.vector_load %arg10[%get3A_103, %get3A_104] {strides = array<i32>} : memref<8x64xi32, #tpu.memory_space<vmem>>, vector<16xi32>,
        tpu.vector_store_idx %arg13[%get3A_105], %broadcast_in_dim3A_20 {add = true} : memref<10240xf32, #tpu.memory_space<vmem>>[vector<16xi32>], vector<16xf32>,
        %get3A_106 = arith.constant 0 : i32
        %get3A_107 = arith.index_cast %get3A_106 : i32 to index
        %get3A_108 = arith.constant 32 : index
        %get3A_109 = tpu.vector_load %arg10[%get3A_107, %get3A_108] {strides = array<i32>} : memref<8x64xi32, #tpu.memory_space<vmem>>, vector<16xi32>,
        tpu.vector_store_idx %arg13[%get3A_109], %broadcast_in_dim3A_20 {add = true} : memref<10240xf32, #tpu.memory_space<vmem>>[vector<16xi32>], vector<16xf32>,
        %get3A_110 = arith.constant 0 : i32
        %get3A_111 = arith.index_cast %get3A_110 : i32 to index
        %get3A_112 = arith.constant 48 : index
        %get3A_113 = tpu.vector_load %arg10[%get3A_111, %get3A_112] {strides = array<i32>} : memref<8x64xi32, #tpu.memory_space<vmem>>, vector<16xi32>,
        tpu.vector_store_idx %arg13[%get3A_113], %broadcast_in_dim3A_20 {add = true} : memref<10240xf32, #tpu.memory_space<vmem>>[vector<16xi32>], vector<16xf32>,
        %dma_wait3A_114 = arith.constant 1 : i32
        %dma_wait3A_115 = arith.constant 0 : i32
        %dma_wait3A_116 = tpu.memref_slice %arg9[%dma_wait3A_114, %dma_wait3A_115] : memref<8x64xi32, #tpu.memory_space<vmem>> -> memref<1x64xi32, #tpu.memory_space<vmem>>
        %dma_wait3A_117 = tpu.memref_squeeze %dma_wait3A_116 : memref<1x64xi32, #tpu.memory_space<vmem>> -> memref<64xi32, #tpu.memory_space<vmem>>
        %dma_wait3A_118 = arith.constant 0 : i32
        %dma_wait3A_119 = arith.constant 0 : i32
        %dma_wait3A_120 = tpu.memref_slice %arg2[%dma_wait3A_118, %dma_wait3A_119] : memref<10000x128xf32, #tpu.memory_space<hbm>> -> memref<10000x128xf32, #tpu.memory_space<hbm>>
        tpu.wait_indirect_dma semaphore(%arg16 : memref<!tpu.dma_semaphore, #tpu.memory_space<semaphore_mem>>) src(%dma_wait3A_120 : memref<10000x128xf32, #tpu.memory_space<hbm>>) dst(%arg12 : memref<64x128xf32, #tpu.memory_space<vmem>>)
        %dma_start3A_121 = arith.constant 2 : i32
        %dma_start3A_122 = arith.constant 0 : i32
        %dma_start3A_123 = tpu.memref_slice %arg9[%dma_start3A_121, %dma_start3A_122] : memref<8x64xi32, #tpu.memory_space<vmem>> -> memref<1x64xi32, #tpu.memory_space<vmem>>
        %dma_start3A_124 = tpu.memref_squeeze %dma_start3A_123 : memref<1x64xi32, #tpu.memory_space<vmem>> -> memref<64xi32, #tpu.memory_space<vmem>>
        %dma_start3A_125 = arith.constant 0 : i32
        %dma_start3A_126 = arith.constant 0 : i32
        %dma_start3A_127 = tpu.memref_slice %arg2[%dma_start3A_125, %dma_start3A_126] : memref<10000x128xf32, #tpu.memory_space<hbm>> -> memref<10000x128xf32, #tpu.memory_space<hbm>>
        tpu.enqueue_indirect_dma source(%dma_start3A_127 : memref<10000x128xf32, #tpu.memory_space<hbm>>) target(%arg11 : memref<64x128xf32, #tpu.memory_space<vmem>>) offsets(%dma_start3A_124 : memref<64xi32, #tpu.memory_space<vmem>>) semaphore(%arg15 : memref<!tpu.dma_semaphore, #tpu.memory_space<semaphore_mem>>)
        %run_scoped3A_128 = arith.constant 1 : i32
        "tpu.region"() ({
          %run_scoped3A_324 = tpu.sem_alloc : memref<!tpu.dma_semaphore, #tpu.memory_space<semaphore_mem>>
          %dma_start3A_325 = arith.constant 0 : i32
          %dma_start3A_326 = tpu.memref_slice %arg10[%run_scoped3A_128, %dma_start3A_325] : memref<8x64xi32, #tpu.memory_space<vmem>> -> memref<1x64xi32, #tpu.memory_space<vmem>>
          %dma_start3A_327 = tpu.memref_squeeze %dma_start3A_326 : memref<1x64xi32, #tpu.memory_space<vmem>> -> memref<64xi32, #tpu.memory_space<vmem>>
          %dma_start3A_328 = arith.constant 0 : i32
          %dma_start3A_329 = arith.constant 0 : i32
          %dma_start3A_330 = tpu.memref_slice %arg14[%dma_start3A_328, %dma_start3A_329] : memref<10240x128xf32, #tpu.memory_space<vmem_shared>> -> memref<10240x128xf32, #tpu.memory_space<vmem_shared>>
          tpu.enqueue_indirect_dma source(%arg12 : memref<64x128xf32, #tpu.memory_space<vmem>>) target(%dma_start3A_330 : memref<10240x128xf32, #tpu.memory_space<vmem_shared>>) offsets(%dma_start3A_327 : memref<64xi32, #tpu.memory_space<vmem>>) semaphore(%run_scoped3A_324 : memref<!tpu.dma_semaphore, #tpu.memory_space<semaphore_mem>>) {add = true}
          %dma_wait3A_331 = arith.constant 0 : i32
          %dma_wait3A_332 = tpu.memref_slice %arg10[%run_scoped3A_128, %dma_wait3A_331] : memref<8x64xi32, #tpu.memory_space<vmem>> -> memref<1x64xi32, #tpu.memory_space<vmem>>
          %dma_wait3A_333 = tpu.memref_squeeze %dma_wait3A_332 : memref<1x64xi32, #tpu.memory_space<vmem>> -> memref<64xi32, #tpu.memory_space<vmem>>
          %dma_wait3A_334 = arith.constant 0 : i32
          %dma_wait3A_335 = arith.constant 0 : i32
          %dma_wait3A_336 = tpu.memref_slice %arg14[%dma_wait3A_334, %dma_wait3A_335] : memref<10240x128xf32, #tpu.memory_space<vmem_shared>> -> memref<10240x128xf32, #tpu.memory_space<vmem_shared>>
          tpu.wait_indirect_dma semaphore(%run_scoped3A_324 : memref<!tpu.dma_semaphore, #tpu.memory_space<semaphore_mem>>) src(%arg12 : memref<64x128xf32, #tpu.memory_space<vmem>>) dst(%dma_wait3A_336 : memref<10240x128xf32, #tpu.memory_space<vmem_shared>>)
          tpu.yield
        }) : () -> ()
        %get3A_129 = arith.constant 1 : i32
        %get3A_130 = arith.index_cast %get3A_129 : i32 to index
        %get3A_131 = arith.constant 0 : index
        %get3A_132 = tpu.vector_load %arg10[%get3A_130, %get3A_131] {strides = array<i32>} : memref<8x64xi32, #tpu.memory_space<vmem>>, vector<16xi32>,
        tpu.vector_store_idx %arg13[%get3A_132], %broadcast_in_dim3A_20 {add = true} : memref<10240xf32, #tpu.memory_space<vmem>>[vector<16xi32>], vector<16xf32>,
        %get3A_133 = arith.constant 1 : i32
        %get3A_134 = arith.index_cast %get3A_133 : i32 to index
        %get3A_135 = arith.constant 16 : index
        %get3A_136 = tpu.vector_load %arg10[%get3A_134, %get3A_135] {strides = array<i32>} : memref<8x64xi32, #tpu.memory_space<vmem>>, vector<16xi32>,
        tpu.vector_store_idx %arg13[%get3A_136], %broadcast_in_dim3A_20 {add = true} : memref<10240xf32, #tpu.memory_space<vmem>>[vector<16xi32>], vector<16xf32>,
        %get3A_137 = arith.constant 1 : i32
        %get3A_138 = arith.index_cast %get3A_137 : i32 to index
        %get3A_139 = arith.constant 32 : index
        %get3A_140 = tpu.vector_load %arg10[%get3A_138, %get3A_139] {strides = array<i32>} : memref<8x64xi32, #tpu.memory_space<vmem>>, vector<16xi32>,
        tpu.vector_store_idx %arg13[%get3A_140], %broadcast_in_dim3A_20 {add = true} : memref<10240xf32, #tpu.memory_space<vmem>>[vector<16xi32>], vector<16xf32>,
        %get3A_141 = arith.constant 1 : i32
        %get3A_142 = arith.index_cast %get3A_141 : i32 to index
        %get3A_143 = arith.constant 48 : index
        %get3A_144 = tpu.vector_load %arg10[%get3A_142, %get3A_143] {strides = array<i32>} : memref<8x64xi32, #tpu.memory_space<vmem>>, vector<16xi32>,
        tpu.vector_store_idx %arg13[%get3A_144], %broadcast_in_dim3A_20 {add = true} : memref<10240xf32, #tpu.memory_space<vmem>>[vector<16xi32>], vector<16xf32>,
        %dma_wait3A_145 = arith.constant 2 : i32
        %dma_wait3A_146 = arith.constant 0 : i32
        %dma_wait3A_147 = tpu.memref_slice %arg9[%dma_wait3A_145, %dma_wait3A_146] : memref<8x64xi32, #tpu.memory_space<vmem>> -> memref<1x64xi32, #tpu.memory_space<vmem>>
        %dma_wait3A_148 = tpu.memref_squeeze %dma_wait3A_147 : memref<1x64xi32, #tpu.memory_space<vmem>> -> memref<64xi32, #tpu.memory_space<vmem>>
        %dma_wait3A_149 = arith.constant 0 : i32
        %dma_wait3A_150 = arith.constant 0 : i32
        %dma_wait3A_151 = tpu.memref_slice %arg2[%dma_wait3A_149, %dma_wait3A_150] : memref<10000x128xf32, #tpu.memory_space<hbm>> -> memref<10000x128xf32, #tpu.memory_space<hbm>>
        tpu.wait_indirect_dma semaphore(%arg15 : memref<!tpu.dma_semaphore, #tpu.memory_space<semaphore_mem>>) src(%dma_wait3A_151 : memref<10000x128xf32, #tpu.memory_space<hbm>>) dst(%arg11 : memref<64x128xf32, #tpu.memory_space<vmem>>)
        %dma_start3A_152 = arith.constant 3 : i32
        %dma_start3A_153 = arith.constant 0 : i32
        %dma_start3A_154 = tpu.memref_slice %arg9[%dma_start3A_152, %dma_start3A_153] : memref<8x64xi32, #tpu.memory_space<vmem>> -> memref<1x64xi32, #tpu.memory_space<vmem>>
        %dma_start3A_155 = tpu.memref_squeeze %dma_start3A_154 : memref<1x64xi32, #tpu.memory_space<vmem>> -> memref<64xi32, #tpu.memory_space<vmem>>
        %dma_start3A_156 = arith.constant 0 : i32
        %dma_start3A_157 = arith.constant 0 : i32
        %dma_start3A_158 = tpu.memref_slice %arg2[%dma_start3A_156, %dma_start3A_157] : memref<10000x128xf32, #tpu.memory_space<hbm>> -> memref<10000x128xf32, #tpu.memory_space<hbm>>
        tpu.enqueue_indirect_dma source(%dma_start3A_158 : memref<10000x128xf32, #tpu.memory_space<hbm>>) target(%arg12 : memref<64x128xf32, #tpu.memory_space<vmem>>) offsets(%dma_start3A_155 : memref<64xi32, #tpu.memory_space<vmem>>) semaphore(%arg16 : memref<!tpu.dma_semaphore, #tpu.memory_space<semaphore_mem>>)
        %run_scoped3A_159 = arith.constant 2 : i32
        "tpu.region"() ({
          %run_scoped3A_324 = tpu.sem_alloc : memref<!tpu.dma_semaphore, #tpu.memory_space<semaphore_mem>>
          %dma_start3A_325 = arith.constant 0 : i32
          %dma_start3A_326 = tpu.memref_slice %arg10[%run_scoped3A_159, %dma_start3A_325] : memref<8x64xi32, #tpu.memory_space<vmem>> -> memref<1x64xi32, #tpu.memory_space<vmem>>
          %dma_start3A_327 = tpu.memref_squeeze %dma_start3A_326 : memref<1x64xi32, #tpu.memory_space<vmem>> -> memref<64xi32, #tpu.memory_space<vmem>>
          %dma_start3A_328 = arith.constant 0 : i32
          %dma_start3A_329 = arith.constant 0 : i32
          %dma_start3A_330 = tpu.memref_slice %arg14[%dma_start3A_328, %dma_start3A_329] : memref<10240x128xf32, #tpu.memory_space<vmem_shared>> -> memref<10240x128xf32, #tpu.memory_space<vmem_shared>>
          tpu.enqueue_indirect_dma source(%arg11 : memref<64x128xf32, #tpu.memory_space<vmem>>) target(%dma_start3A_330 : memref<10240x128xf32, #tpu.memory_space<vmem_shared>>) offsets(%dma_start3A_327 : memref<64xi32, #tpu.memory_space<vmem>>) semaphore(%run_scoped3A_324 : memref<!tpu.dma_semaphore, #tpu.memory_space<semaphore_mem>>) {add = true}
          %dma_wait3A_331 = arith.constant 0 : i32
          %dma_wait3A_332 = tpu.memref_slice %arg10[%run_scoped3A_159, %dma_wait3A_331] : memref<8x64xi32, #tpu.memory_space<vmem>> -> memref<1x64xi32, #tpu.memory_space<vmem>>
          %dma_wait3A_333 = tpu.memref_squeeze %dma_wait3A_332 : memref<1x64xi32, #tpu.memory_space<vmem>> -> memref<64xi32, #tpu.memory_space<vmem>>
          %dma_wait3A_334 = arith.constant 0 : i32
          %dma_wait3A_335 = arith.constant 0 : i32
          %dma_wait3A_336 = tpu.memref_slice %arg14[%dma_wait3A_334, %dma_wait3A_335] : memref<10240x128xf32, #tpu.memory_space<vmem_shared>> -> memref<10240x128xf32, #tpu.memory_space<vmem_shared>>
          tpu.wait_indirect_dma semaphore(%run_scoped3A_324 : memref<!tpu.dma_semaphore, #tpu.memory_space<semaphore_mem>>) src(%arg11 : memref<64x128xf32, #tpu.memory_space<vmem>>) dst(%dma_wait3A_336 : memref<10240x128xf32, #tpu.memory_space<vmem_shared>>)
          tpu.yield
        }) : () -> ()
        %get3A_160 = arith.constant 2 : i32
        %get3A_161 = arith.index_cast %get3A_160 : i32 to index
        %get3A_162 = arith.constant 0 : index
        %get3A_163 = tpu.vector_load %arg10[%get3A_161, %get3A_162] {strides = array<i32>} : memref<8x64xi32, #tpu.memory_space<vmem>>, vector<16xi32>,
        tpu.vector_store_idx %arg13[%get3A_163], %broadcast_in_dim3A_20 {add = true} : memref<10240xf32, #tpu.memory_space<vmem>>[vector<16xi32>], vector<16xf32>,
        %get3A_164 = arith.constant 2 : i32
        %get3A_165 = arith.index_cast %get3A_164 : i32 to index
        %get3A_166 = arith.constant 16 : index
        %get3A_167 = tpu.vector_load %arg10[%get3A_165, %get3A_166] {strides = array<i32>} : memref<8x64xi32, #tpu.memory_space<vmem>>, vector<16xi32>,
        tpu.vector_store_idx %arg13[%get3A_167], %broadcast_in_dim3A_20 {add = true} : memref<10240xf32, #tpu.memory_space<vmem>>[vector<16xi32>], vector<16xf32>,
        %get3A_168 = arith.constant 2 : i32
        %get3A_169 = arith.index_cast %get3A_168 : i32 to index
        %get3A_170 = arith.constant 32 : index
        %get3A_171 = tpu.vector_load %arg10[%get3A_169, %get3A_170] {strides = array<i32>} : memref<8x64xi32, #tpu.memory_space<vmem>>, vector<16xi32>,
        tpu.vector_store_idx %arg13[%get3A_171], %broadcast_in_dim3A_20 {add = true} : memref<10240xf32, #tpu.memory_space<vmem>>[vector<16xi32>], vector<16xf32>,
        %get3A_172 = arith.constant 2 : i32
        %get3A_173 = arith.index_cast %get3A_172 : i32 to index
        %get3A_174 = arith.constant 48 : index
        %get3A_175 = tpu.vector_load %arg10[%get3A_173, %get3A_174] {strides = array<i32>} : memref<8x64xi32, #tpu.memory_space<vmem>>, vector<16xi32>,
        tpu.vector_store_idx %arg13[%get3A_175], %broadcast_in_dim3A_20 {add = true} : memref<10240xf32, #tpu.memory_space<vmem>>[vector<16xi32>], vector<16xf32>,
        %dma_wait3A_176 = arith.constant 3 : i32
        %dma_wait3A_177 = arith.constant 0 : i32
        %dma_wait3A_178 = tpu.memref_slice %arg9[%dma_wait3A_176, %dma_wait3A_177] : memref<8x64xi32, #tpu.memory_space<vmem>> -> memref<1x64xi32, #tpu.memory_space<vmem>>
        %dma_wait3A_179 = tpu.memref_squeeze %dma_wait3A_178 : memref<1x64xi32, #tpu.memory_space<vmem>> -> memref<64xi32, #tpu.memory_space<vmem>>
        %dma_wait3A_180 = arith.constant 0 : i32
        %dma_wait3A_181 = arith.constant 0 : i32
        %dma_wait3A_182 = tpu.memref_slice %arg2[%dma_wait3A_180, %dma_wait3A_181] : memref<10000x128xf32, #tpu.memory_space<hbm>> -> memref<10000x128xf32, #tpu.memory_space<hbm>>
        tpu.wait_indirect_dma semaphore(%arg16 : memref<!tpu.dma_semaphore, #tpu.memory_space<semaphore_mem>>) src(%dma_wait3A_182 : memref<10000x128xf32, #tpu.memory_space<hbm>>) dst(%arg12 : memref<64x128xf32, #tpu.memory_space<vmem>>)
        %dma_start3A_183 = arith.constant 4 : i32
        %dma_start3A_184 = arith.constant 0 : i32
        %dma_start3A_185 = tpu.memref_slice %arg9[%dma_start3A_183, %dma_start3A_184] : memref<8x64xi32, #tpu.memory_space<vmem>> -> memref<1x64xi32, #tpu.memory_space<vmem>>
        %dma_start3A_186 = tpu.memref_squeeze %dma_start3A_185 : memref<1x64xi32, #tpu.memory_space<vmem>> -> memref<64xi32, #tpu.memory_space<vmem>>
        %dma_start3A_187 = arith.constant 0 : i32
        %dma_start3A_188 = arith.constant 0 : i32
        %dma_start3A_189 = tpu.memref_slice %arg2[%dma_start3A_187, %dma_start3A_188] : memref<10000x128xf32, #tpu.memory_space<hbm>> -> memref<10000x128xf32, #tpu.memory_space<hbm>>
        tpu.enqueue_indirect_dma source(%dma_start3A_189 : memref<10000x128xf32, #tpu.memory_space<hbm>>) target(%arg11 : memref<64x128xf32, #tpu.memory_space<vmem>>) offsets(%dma_start3A_186 : memref<64xi32, #tpu.memory_space<vmem>>) semaphore(%arg15 : memref<!tpu.dma_semaphore, #tpu.memory_space<semaphore_mem>>)
        %run_scoped3A_190 = arith.constant 3 : i32
        "tpu.region"() ({
          %run_scoped3A_324 = tpu.sem_alloc : memref<!tpu.dma_semaphore, #tpu.memory_space<semaphore_mem>>
          %dma_start3A_325 = arith.constant 0 : i32
          %dma_start3A_326 = tpu.memref_slice %arg10[%run_scoped3A_190, %dma_start3A_325] : memref<8x64xi32, #tpu.memory_space<vmem>> -> memref<1x64xi32, #tpu.memory_space<vmem>>
          %dma_start3A_327 = tpu.memref_squeeze %dma_start3A_326 : memref<1x64xi32, #tpu.memory_space<vmem>> -> memref<64xi32, #tpu.memory_space<vmem>>
          %dma_start3A_328 = arith.constant 0 : i32
          %dma_start3A_329 = arith.constant 0 : i32
          %dma_start3A_330 = tpu.memref_slice %arg14[%dma_start3A_328, %dma_start3A_329] : memref<10240x128xf32, #tpu.memory_space<vmem_shared>> -> memref<10240x128xf32, #tpu.memory_space<vmem_shared>>
          tpu.enqueue_indirect_dma source(%arg12 : memref<64x128xf32, #tpu.memory_space<vmem>>) target(%dma_start3A_330 : memref<10240x128xf32, #tpu.memory_space<vmem_shared>>) offsets(%dma_start3A_327 : memref<64xi32, #tpu.memory_space<vmem>>) semaphore(%run_scoped3A_324 : memref<!tpu.dma_semaphore, #tpu.memory_space<semaphore_mem>>) {add = true}
          %dma_wait3A_331 = arith.constant 0 : i32
          %dma_wait3A_332 = tpu.memref_slice %arg10[%run_scoped3A_190, %dma_wait3A_331] : memref<8x64xi32, #tpu.memory_space<vmem>> -> memref<1x64xi32, #tpu.memory_space<vmem>>
          %dma_wait3A_333 = tpu.memref_squeeze %dma_wait3A_332 : memref<1x64xi32, #tpu.memory_space<vmem>> -> memref<64xi32, #tpu.memory_space<vmem>>
          %dma_wait3A_334 = arith.constant 0 : i32
          %dma_wait3A_335 = arith.constant 0 : i32
          %dma_wait3A_336 = tpu.memref_slice %arg14[%dma_wait3A_334, %dma_wait3A_335] : memref<10240x128xf32, #tpu.memory_space<vmem_shared>> -> memref<10240x128xf32, #tpu.memory_space<vmem_shared>>
          tpu.wait_indirect_dma semaphore(%run_scoped3A_324 : memref<!tpu.dma_semaphore, #tpu.memory_space<semaphore_mem>>) src(%arg12 : memref<64x128xf32, #tpu.memory_space<vmem>>) dst(%dma_wait3A_336 : memref<10240x128xf32, #tpu.memory_space<vmem_shared>>)
          tpu.yield
        }) : () -> ()
        %get3A_191 = arith.constant 3 : i32
        %get3A_192 = arith.index_cast %get3A_191 : i32 to index
        %get3A_193 = arith.constant 0 : index
        %get3A_194 = tpu.vector_load %arg10[%get3A_192, %get3A_193] {strides = array<i32>} : memref<8x64xi32, #tpu.memory_space<vmem>>, vector<16xi32>,
        tpu.vector_store_idx %arg13[%get3A_194], %broadcast_in_dim3A_20 {add = true} : memref<10240xf32, #tpu.memory_space<vmem>>[vector<16xi32>], vector<16xf32>,
        %get3A_195 = arith.constant 3 : i32
        %get3A_196 = arith.index_cast %get3A_195 : i32 to index
        %get3A_197 = arith.constant 16 : index
        %get3A_198 = tpu.vector_load %arg10[%get3A_196, %get3A_197] {strides = array<i32>} : memref<8x64xi32, #tpu.memory_space<vmem>>, vector<16xi32>,
        tpu.vector_store_idx %arg13[%get3A_198], %broadcast_in_dim3A_20 {add = true} : memref<10240xf32, #tpu.memory_space<vmem>>[vector<16xi32>], vector<16xf32>,
        %get3A_199 = arith.constant 3 : i32
        %get3A_200 = arith.index_cast %get3A_199 : i32 to index
        %get3A_201 = arith.constant 32 : index
        %get3A_202 = tpu.vector_load %arg10[%get3A_200, %get3A_201] {strides = array<i32>} : memref<8x64xi32, #tpu.memory_space<vmem>>, vector<16xi32>,
        tpu.vector_store_idx %arg13[%get3A_202], %broadcast_in_dim3A_20 {add = true} : memref<10240xf32, #tpu.memory_space<vmem>>[vector<16xi32>], vector<16xf32>,
        %get3A_203 = arith.constant 3 : i32
        %get3A_204 = arith.index_cast %get3A_203 : i32 to index
        %get3A_205 = arith.constant 48 : index
        %get3A_206 = tpu.vector_load %arg10[%get3A_204, %get3A_205] {strides = array<i32>} : memref<8x64xi32, #tpu.memory_space<vmem>>, vector<16xi32>,
        tpu.vector_store_idx %arg13[%get3A_206], %broadcast_in_dim3A_20 {add = true} : memref<10240xf32, #tpu.memory_space<vmem>>[vector<16xi32>], vector<16xf32>,
        %dma_wait3A_207 = arith.constant 4 : i32
        %dma_wait3A_208 = arith.constant 0 : i32
        %dma_wait3A_209 = tpu.memref_slice %arg9[%dma_wait3A_207, %dma_wait3A_208] : memref<8x64xi32, #tpu.memory_space<vmem>> -> memref<1x64xi32, #tpu.memory_space<vmem>>
        %dma_wait3A_210 = tpu.memref_squeeze %dma_wait3A_209 : memref<1x64xi32, #tpu.memory_space<vmem>> -> memref<64xi32, #tpu.memory_space<vmem>>
        %dma_wait3A_211 = arith.constant 0 : i32
        %dma_wait3A_212 = arith.constant 0 : i32
        %dma_wait3A_213 = tpu.memref_slice %arg2[%dma_wait3A_211, %dma_wait3A_212] : memref<10000x128xf32, #tpu.memory_space<hbm>> -> memref<10000x128xf32, #tpu.memory_space<hbm>>
        tpu.wait_indirect_dma semaphore(%arg15 : memref<!tpu.dma_semaphore, #tpu.memory_space<semaphore_mem>>) src(%dma_wait3A_213 : memref<10000x128xf32, #tpu.memory_space<hbm>>) dst(%arg11 : memref<64x128xf32, #tpu.memory_space<vmem>>)
        %dma_start3A_214 = arith.constant 5 : i32
        %dma_start3A_215 = arith.constant 0 : i32
        %dma_start3A_216 = tpu.memref_slice %arg9[%dma_start3A_214, %dma_start3A_215] : memref<8x64xi32, #tpu.memory_space<vmem>> -> memref<1x64xi32, #tpu.memory_space<vmem>>
        %dma_start3A_217 = tpu.memref_squeeze %dma_start3A_216 : memref<1x64xi32, #tpu.memory_space<vmem>> -> memref<64xi32, #tpu.memory_space<vmem>>
        %dma_start3A_218 = arith.constant 0 : i32
        %dma_start3A_219 = arith.constant 0 : i32
        %dma_start3A_220 = tpu.memref_slice %arg2[%dma_start3A_218, %dma_start3A_219] : memref<10000x128xf32, #tpu.memory_space<hbm>> -> memref<10000x128xf32, #tpu.memory_space<hbm>>
        tpu.enqueue_indirect_dma source(%dma_start3A_220 : memref<10000x128xf32, #tpu.memory_space<hbm>>) target(%arg12 : memref<64x128xf32, #tpu.memory_space<vmem>>) offsets(%dma_start3A_217 : memref<64xi32, #tpu.memory_space<vmem>>) semaphore(%arg16 : memref<!tpu.dma_semaphore, #tpu.memory_space<semaphore_mem>>)
        %run_scoped3A_221 = arith.constant 4 : i32
        "tpu.region"() ({
          %run_scoped3A_324 = tpu.sem_alloc : memref<!tpu.dma_semaphore, #tpu.memory_space<semaphore_mem>>
          %dma_start3A_325 = arith.constant 0 : i32
          %dma_start3A_326 = tpu.memref_slice %arg10[%run_scoped3A_221, %dma_start3A_325] : memref<8x64xi32, #tpu.memory_space<vmem>> -> memref<1x64xi32, #tpu.memory_space<vmem>>
          %dma_start3A_327 = tpu.memref_squeeze %dma_start3A_326 : memref<1x64xi32, #tpu.memory_space<vmem>> -> memref<64xi32, #tpu.memory_space<vmem>>
          %dma_start3A_328 = arith.constant 0 : i32
          %dma_start3A_329 = arith.constant 0 : i32
          %dma_start3A_330 = tpu.memref_slice %arg14[%dma_start3A_328, %dma_start3A_329] : memref<10240x128xf32, #tpu.memory_space<vmem_shared>> -> memref<10240x128xf32, #tpu.memory_space<vmem_shared>>
          tpu.enqueue_indirect_dma source(%arg11 : memref<64x128xf32, #tpu.memory_space<vmem>>) target(%dma_start3A_330 : memref<10240x128xf32, #tpu.memory_space<vmem_shared>>) offsets(%dma_start3A_327 : memref<64xi32, #tpu.memory_space<vmem>>) semaphore(%run_scoped3A_324 : memref<!tpu.dma_semaphore, #tpu.memory_space<semaphore_mem>>) {add = true}
          %dma_wait3A_331 = arith.constant 0 : i32
          %dma_wait3A_332 = tpu.memref_slice %arg10[%run_scoped3A_221, %dma_wait3A_331] : memref<8x64xi32, #tpu.memory_space<vmem>> -> memref<1x64xi32, #tpu.memory_space<vmem>>
          %dma_wait3A_333 = tpu.memref_squeeze %dma_wait3A_332 : memref<1x64xi32, #tpu.memory_space<vmem>> -> memref<64xi32, #tpu.memory_space<vmem>>
          %dma_wait3A_334 = arith.constant 0 : i32
          %dma_wait3A_335 = arith.constant 0 : i32
          %dma_wait3A_336 = tpu.memref_slice %arg14[%dma_wait3A_334, %dma_wait3A_335] : memref<10240x128xf32, #tpu.memory_space<vmem_shared>> -> memref<10240x128xf32, #tpu.memory_space<vmem_shared>>
          tpu.wait_indirect_dma semaphore(%run_scoped3A_324 : memref<!tpu.dma_semaphore, #tpu.memory_space<semaphore_mem>>) src(%arg11 : memref<64x128xf32, #tpu.memory_space<vmem>>) dst(%dma_wait3A_336 : memref<10240x128xf32, #tpu.memory_space<vmem_shared>>)
          tpu.yield
        }) : () -> ()
        %get3A_222 = arith.constant 4 : i32
        %get3A_223 = arith.index_cast %get3A_222 : i32 to index
        %get3A_224 = arith.constant 0 : index
        %get3A_225 = tpu.vector_load %arg10[%get3A_223, %get3A_224] {strides = array<i32>} : memref<8x64xi32, #tpu.memory_space<vmem>>, vector<16xi32>,
        tpu.vector_store_idx %arg13[%get3A_225], %broadcast_in_dim3A_20 {add = true} : memref<10240xf32, #tpu.memory_space<vmem>>[vector<16xi32>], vector<16xf32>,
        %get3A_226 = arith.constant 4 : i32
        %get3A_227 = arith.index_cast %get3A_226 : i32 to index
        %get3A_228 = arith.constant 16 : index
        %get3A_229 = tpu.vector_load %arg10[%get3A_227, %get3A_228] {strides = array<i32>} : memref<8x64xi32, #tpu.memory_space<vmem>>, vector<16xi32>,
        tpu.vector_store_idx %arg13[%get3A_229], %broadcast_in_dim3A_20 {add = true} : memref<10240xf32, #tpu.memory_space<vmem>>[vector<16xi32>], vector<16xf32>,
        %get3A_230 = arith.constant 4 : i32
        %get3A_231 = arith.index_cast %get3A_230 : i32 to index
        %get3A_232 = arith.constant 32 : index
        %get3A_233 = tpu.vector_load %arg10[%get3A_231, %get3A_232] {strides = array<i32>} : memref<8x64xi32, #tpu.memory_space<vmem>>, vector<16xi32>,
        tpu.vector_store_idx %arg13[%get3A_233], %broadcast_in_dim3A_20 {add = true} : memref<10240xf32, #tpu.memory_space<vmem>>[vector<16xi32>], vector<16xf32>,
        %get3A_234 = arith.constant 4 : i32
        %get3A_235 = arith.index_cast %get3A_234 : i32 to index
        %get3A_236 = arith.constant 48 : index
        %get3A_237 = tpu.vector_load %arg10[%get3A_235, %get3A_236] {strides = array<i32>} : memref<8x64xi32, #tpu.memory_space<vmem>>, vector<16xi32>,
        tpu.vector_store_idx %arg13[%get3A_237], %broadcast_in_dim3A_20 {add = true} : memref<10240xf32, #tpu.memory_space<vmem>>[vector<16xi32>], vector<16xf32>,
        %dma_wait3A_238 = arith.constant 5 : i32
        %dma_wait3A_239 = arith.constant 0 : i32
        %dma_wait3A_240 = tpu.memref_slice %arg9[%dma_wait3A_238, %dma_wait3A_239] : memref<8x64xi32, #tpu.memory_space<vmem>> -> memref<1x64xi32, #tpu.memory_space<vmem>>
        %dma_wait3A_241 = tpu.memref_squeeze %dma_wait3A_240 : memref<1x64xi32, #tpu.memory_space<vmem>> -> memref<64xi32, #tpu.memory_space<vmem>>
        %dma_wait3A_242 = arith.constant 0 : i32
        %dma_wait3A_243 = arith.constant 0 : i32
        %dma_wait3A_244 = tpu.memref_slice %arg2[%dma_wait3A_242, %dma_wait3A_243] : memref<10000x128xf32, #tpu.memory_space<hbm>> -> memref<10000x128xf32, #tpu.memory_space<hbm>>
        tpu.wait_indirect_dma semaphore(%arg16 : memref<!tpu.dma_semaphore, #tpu.memory_space<semaphore_mem>>) src(%dma_wait3A_244 : memref<10000x128xf32, #tpu.memory_space<hbm>>) dst(%arg12 : memref<64x128xf32, #tpu.memory_space<vmem>>)
        %dma_start3A_245 = arith.constant 6 : i32
        %dma_start3A_246 = arith.constant 0 : i32
        %dma_start3A_247 = tpu.memref_slice %arg9[%dma_start3A_245, %dma_start3A_246] : memref<8x64xi32, #tpu.memory_space<vmem>> -> memref<1x64xi32, #tpu.memory_space<vmem>>
        %dma_start3A_248 = tpu.memref_squeeze %dma_start3A_247 : memref<1x64xi32, #tpu.memory_space<vmem>> -> memref<64xi32, #tpu.memory_space<vmem>>
        %dma_start3A_249 = arith.constant 0 : i32
        %dma_start3A_250 = arith.constant 0 : i32
        %dma_start3A_251 = tpu.memref_slice %arg2[%dma_start3A_249, %dma_start3A_250] : memref<10000x128xf32, #tpu.memory_space<hbm>> -> memref<10000x128xf32, #tpu.memory_space<hbm>>
        tpu.enqueue_indirect_dma source(%dma_start3A_251 : memref<10000x128xf32, #tpu.memory_space<hbm>>) target(%arg11 : memref<64x128xf32, #tpu.memory_space<vmem>>) offsets(%dma_start3A_248 : memref<64xi32, #tpu.memory_space<vmem>>) semaphore(%arg15 : memref<!tpu.dma_semaphore, #tpu.memory_space<semaphore_mem>>)
        %run_scoped3A_252 = arith.constant 5 : i32
        "tpu.region"() ({
          %run_scoped3A_324 = tpu.sem_alloc : memref<!tpu.dma_semaphore, #tpu.memory_space<semaphore_mem>>
          %dma_start3A_325 = arith.constant 0 : i32
          %dma_start3A_326 = tpu.memref_slice %arg10[%run_scoped3A_252, %dma_start3A_325] : memref<8x64xi32, #tpu.memory_space<vmem>> -> memref<1x64xi32, #tpu.memory_space<vmem>>
          %dma_start3A_327 = tpu.memref_squeeze %dma_start3A_326 : memref<1x64xi32, #tpu.memory_space<vmem>> -> memref<64xi32, #tpu.memory_space<vmem>>
          %dma_start3A_328 = arith.constant 0 : i32
          %dma_start3A_329 = arith.constant 0 : i32
          %dma_start3A_330 = tpu.memref_slice %arg14[%dma_start3A_328, %dma_start3A_329] : memref<10240x128xf32, #tpu.memory_space<vmem_shared>> -> memref<10240x128xf32, #tpu.memory_space<vmem_shared>>
          tpu.enqueue_indirect_dma source(%arg12 : memref<64x128xf32, #tpu.memory_space<vmem>>) target(%dma_start3A_330 : memref<10240x128xf32, #tpu.memory_space<vmem_shared>>) offsets(%dma_start3A_327 : memref<64xi32, #tpu.memory_space<vmem>>) semaphore(%run_scoped3A_324 : memref<!tpu.dma_semaphore, #tpu.memory_space<semaphore_mem>>) {add = true}
          %dma_wait3A_331 = arith.constant 0 : i32
          %dma_wait3A_332 = tpu.memref_slice %arg10[%run_scoped3A_252, %dma_wait3A_331] : memref<8x64xi32, #tpu.memory_space<vmem>> -> memref<1x64xi32, #tpu.memory_space<vmem>>
          %dma_wait3A_333 = tpu.memref_squeeze %dma_wait3A_332 : memref<1x64xi32, #tpu.memory_space<vmem>> -> memref<64xi32, #tpu.memory_space<vmem>>
          %dma_wait3A_334 = arith.constant 0 : i32
          %dma_wait3A_335 = arith.constant 0 : i32
          %dma_wait3A_336 = tpu.memref_slice %arg14[%dma_wait3A_334, %dma_wait3A_335] : memref<10240x128xf32, #tpu.memory_space<vmem_shared>> -> memref<10240x128xf32, #tpu.memory_space<vmem_shared>>
          tpu.wait_indirect_dma semaphore(%run_scoped3A_324 : memref<!tpu.dma_semaphore, #tpu.memory_space<semaphore_mem>>) src(%arg12 : memref<64x128xf32, #tpu.memory_space<vmem>>) dst(%dma_wait3A_336 : memref<10240x128xf32, #tpu.memory_space<vmem_shared>>)
          tpu.yield
        }) : () -> ()
        %get3A_253 = arith.constant 5 : i32
        %get3A_254 = arith.index_cast %get3A_253 : i32 to index
        %get3A_255 = arith.constant 0 : index
        %get3A_256 = tpu.vector_load %arg10[%get3A_254, %get3A_255] {strides = array<i32>} : memref<8x64xi32, #tpu.memory_space<vmem>>, vector<16xi32>,
        tpu.vector_store_idx %arg13[%get3A_256], %broadcast_in_dim3A_20 {add = true} : memref<10240xf32, #tpu.memory_space<vmem>>[vector<16xi32>], vector<16xf32>,
        %get3A_257 = arith.constant 5 : i32
        %get3A_258 = arith.index_cast %get3A_257 : i32 to index
        %get3A_259 = arith.constant 16 : index
        %get3A_260 = tpu.vector_load %arg10[%get3A_258, %get3A_259] {strides = array<i32>} : memref<8x64xi32, #tpu.memory_space<vmem>>, vector<16xi32>,
        tpu.vector_store_idx %arg13[%get3A_260], %broadcast_in_dim3A_20 {add = true} : memref<10240xf32, #tpu.memory_space<vmem>>[vector<16xi32>], vector<16xf32>,
        %get3A_261 = arith.constant 5 : i32
        %get3A_262 = arith.index_cast %get3A_261 : i32 to index
        %get3A_263 = arith.constant 32 : index
        %get3A_264 = tpu.vector_load %arg10[%get3A_262, %get3A_263] {strides = array<i32>} : memref<8x64xi32, #tpu.memory_space<vmem>>, vector<16xi32>,
        tpu.vector_store_idx %arg13[%get3A_264], %broadcast_in_dim3A_20 {add = true} : memref<10240xf32, #tpu.memory_space<vmem>>[vector<16xi32>], vector<16xf32>,
        %get3A_265 = arith.constant 5 : i32
        %get3A_266 = arith.index_cast %get3A_265 : i32 to index
        %get3A_267 = arith.constant 48 : index
        %get3A_268 = tpu.vector_load %arg10[%get3A_266, %get3A_267] {strides = array<i32>} : memref<8x64xi32, #tpu.memory_space<vmem>>, vector<16xi32>,
        tpu.vector_store_idx %arg13[%get3A_268], %broadcast_in_dim3A_20 {add = true} : memref<10240xf32, #tpu.memory_space<vmem>>[vector<16xi32>], vector<16xf32>,
        %dma_wait3A_269 = arith.constant 6 : i32
        %dma_wait3A_270 = arith.constant 0 : i32
        %dma_wait3A_271 = tpu.memref_slice %arg9[%dma_wait3A_269, %dma_wait3A_270] : memref<8x64xi32, #tpu.memory_space<vmem>> -> memref<1x64xi32, #tpu.memory_space<vmem>>
        %dma_wait3A_272 = tpu.memref_squeeze %dma_wait3A_271 : memref<1x64xi32, #tpu.memory_space<vmem>> -> memref<64xi32, #tpu.memory_space<vmem>>
        %dma_wait3A_273 = arith.constant 0 : i32
        %dma_wait3A_274 = arith.constant 0 : i32
        %dma_wait3A_275 = tpu.memref_slice %arg2[%dma_wait3A_273, %dma_wait3A_274] : memref<10000x128xf32, #tpu.memory_space<hbm>> -> memref<10000x128xf32, #tpu.memory_space<hbm>>
        tpu.wait_indirect_dma semaphore(%arg15 : memref<!tpu.dma_semaphore, #tpu.memory_space<semaphore_mem>>) src(%dma_wait3A_275 : memref<10000x128xf32, #tpu.memory_space<hbm>>) dst(%arg11 : memref<64x128xf32, #tpu.memory_space<vmem>>)
        %dma_start3A_276 = arith.constant 7 : i32
        %dma_start3A_277 = arith.constant 0 : i32
        %dma_start3A_278 = tpu.memref_slice %arg9[%dma_start3A_276, %dma_start3A_277] : memref<8x64xi32, #tpu.memory_space<vmem>> -> memref<1x64xi32, #tpu.memory_space<vmem>>
        %dma_start3A_279 = tpu.memref_squeeze %dma_start3A_278 : memref<1x64xi32, #tpu.memory_space<vmem>> -> memref<64xi32, #tpu.memory_space<vmem>>
        %dma_start3A_280 = arith.constant 0 : i32
        %dma_start3A_281 = arith.constant 0 : i32
        %dma_start3A_282 = tpu.memref_slice %arg2[%dma_start3A_280, %dma_start3A_281] : memref<10000x128xf32, #tpu.memory_space<hbm>> -> memref<10000x128xf32, #tpu.memory_space<hbm>>
        tpu.enqueue_indirect_dma source(%dma_start3A_282 : memref<10000x128xf32, #tpu.memory_space<hbm>>) target(%arg12 : memref<64x128xf32, #tpu.memory_space<vmem>>) offsets(%dma_start3A_279 : memref<64xi32, #tpu.memory_space<vmem>>) semaphore(%arg16 : memref<!tpu.dma_semaphore, #tpu.memory_space<semaphore_mem>>)
        %run_scoped3A_283 = arith.constant 6 : i32
        "tpu.region"() ({
          %run_scoped3A_324 = tpu.sem_alloc : memref<!tpu.dma_semaphore, #tpu.memory_space<semaphore_mem>>
          %dma_start3A_325 = arith.constant 0 : i32
          %dma_start3A_326 = tpu.memref_slice %arg10[%run_scoped3A_283, %dma_start3A_325] : memref<8x64xi32, #tpu.memory_space<vmem>> -> memref<1x64xi32, #tpu.memory_space<vmem>>
          %dma_start3A_327 = tpu.memref_squeeze %dma_start3A_326 : memref<1x64xi32, #tpu.memory_space<vmem>> -> memref<64xi32, #tpu.memory_space<vmem>>
          %dma_start3A_328 = arith.constant 0 : i32
          %dma_start3A_329 = arith.constant 0 : i32
          %dma_start3A_330 = tpu.memref_slice %arg14[%dma_start3A_328, %dma_start3A_329] : memref<10240x128xf32, #tpu.memory_space<vmem_shared>> -> memref<10240x128xf32, #tpu.memory_space<vmem_shared>>
          tpu.enqueue_indirect_dma source(%arg11 : memref<64x128xf32, #tpu.memory_space<vmem>>) target(%dma_start3A_330 : memref<10240x128xf32, #tpu.memory_space<vmem_shared>>) offsets(%dma_start3A_327 : memref<64xi32, #tpu.memory_space<vmem>>) semaphore(%run_scoped3A_324 : memref<!tpu.dma_semaphore, #tpu.memory_space<semaphore_mem>>) {add = true}
          %dma_wait3A_331 = arith.constant 0 : i32
          %dma_wait3A_332 = tpu.memref_slice %arg10[%run_scoped3A_283, %dma_wait3A_331] : memref<8x64xi32, #tpu.memory_space<vmem>> -> memref<1x64xi32, #tpu.memory_space<vmem>>
          %dma_wait3A_333 = tpu.memref_squeeze %dma_wait3A_332 : memref<1x64xi32, #tpu.memory_space<vmem>> -> memref<64xi32, #tpu.memory_space<vmem>>
          %dma_wait3A_334 = arith.constant 0 : i32
          %dma_wait3A_335 = arith.constant 0 : i32
          %dma_wait3A_336 = tpu.memref_slice %arg14[%dma_wait3A_334, %dma_wait3A_335] : memref<10240x128xf32, #tpu.memory_space<vmem_shared>> -> memref<10240x128xf32, #tpu.memory_space<vmem_shared>>
          tpu.wait_indirect_dma semaphore(%run_scoped3A_324 : memref<!tpu.dma_semaphore, #tpu.memory_space<semaphore_mem>>) src(%arg11 : memref<64x128xf32, #tpu.memory_space<vmem>>) dst(%dma_wait3A_336 : memref<10240x128xf32, #tpu.memory_space<vmem_shared>>)
          tpu.yield
        }) : () -> ()
        %get3A_284 = arith.constant 6 : i32
        %get3A_285 = arith.index_cast %get3A_284 : i32 to index
        %get3A_286 = arith.constant 0 : index
        %get3A_287 = tpu.vector_load %arg10[%get3A_285, %get3A_286] {strides = array<i32>} : memref<8x64xi32, #tpu.memory_space<vmem>>, vector<16xi32>,
        tpu.vector_store_idx %arg13[%get3A_287], %broadcast_in_dim3A_20 {add = true} : memref<10240xf32, #tpu.memory_space<vmem>>[vector<16xi32>], vector<16xf32>,
        %get3A_288 = arith.constant 6 : i32
        %get3A_289 = arith.index_cast %get3A_288 : i32 to index
        %get3A_290 = arith.constant 16 : index
        %get3A_291 = tpu.vector_load %arg10[%get3A_289, %get3A_290] {strides = array<i32>} : memref<8x64xi32, #tpu.memory_space<vmem>>, vector<16xi32>,
        tpu.vector_store_idx %arg13[%get3A_291], %broadcast_in_dim3A_20 {add = true} : memref<10240xf32, #tpu.memory_space<vmem>>[vector<16xi32>], vector<16xf32>,
        %get3A_292 = arith.constant 6 : i32
        %get3A_293 = arith.index_cast %get3A_292 : i32 to index
        %get3A_294 = arith.constant 32 : index
        %get3A_295 = tpu.vector_load %arg10[%get3A_293, %get3A_294] {strides = array<i32>} : memref<8x64xi32, #tpu.memory_space<vmem>>, vector<16xi32>,
        tpu.vector_store_idx %arg13[%get3A_295], %broadcast_in_dim3A_20 {add = true} : memref<10240xf32, #tpu.memory_space<vmem>>[vector<16xi32>], vector<16xf32>,
        %get3A_296 = arith.constant 6 : i32
        %get3A_297 = arith.index_cast %get3A_296 : i32 to index
        %get3A_298 = arith.constant 48 : index
        %get3A_299 = tpu.vector_load %arg10[%get3A_297, %get3A_298] {strides = array<i32>} : memref<8x64xi32, #tpu.memory_space<vmem>>, vector<16xi32>,
        tpu.vector_store_idx %arg13[%get3A_299], %broadcast_in_dim3A_20 {add = true} : memref<10240xf32, #tpu.memory_space<vmem>>[vector<16xi32>], vector<16xf32>,
        %dma_wait3A_300 = arith.constant 7 : i32
        %dma_wait3A_301 = arith.constant 0 : i32
        %dma_wait3A_302 = tpu.memref_slice %arg9[%dma_wait3A_300, %dma_wait3A_301] : memref<8x64xi32, #tpu.memory_space<vmem>> -> memref<1x64xi32, #tpu.memory_space<vmem>>
        %dma_wait3A_303 = tpu.memref_squeeze %dma_wait3A_302 : memref<1x64xi32, #tpu.memory_space<vmem>> -> memref<64xi32, #tpu.memory_space<vmem>>
        %dma_wait3A_304 = arith.constant 0 : i32
        %dma_wait3A_305 = arith.constant 0 : i32
        %dma_wait3A_306 = tpu.memref_slice %arg2[%dma_wait3A_304, %dma_wait3A_305] : memref<10000x128xf32, #tpu.memory_space<hbm>> -> memref<10000x128xf32, #tpu.memory_space<hbm>>
        tpu.wait_indirect_dma semaphore(%arg16 : memref<!tpu.dma_semaphore, #tpu.memory_space<semaphore_mem>>) src(%dma_wait3A_306 : memref<10000x128xf32, #tpu.memory_space<hbm>>) dst(%arg12 : memref<64x128xf32, #tpu.memory_space<vmem>>)
        %run_scoped3A_307 = arith.constant 7 : i32
        "tpu.region"() ({
          %run_scoped3A_324 = tpu.sem_alloc : memref<!tpu.dma_semaphore, #tpu.memory_space<semaphore_mem>>
          %dma_start3A_325 = arith.constant 0 : i32
          %dma_start3A_326 = tpu.memref_slice %arg10[%run_scoped3A_307, %dma_start3A_325] : memref<8x64xi32, #tpu.memory_space<vmem>> -> memref<1x64xi32, #tpu.memory_space<vmem>>
          %dma_start3A_327 = tpu.memref_squeeze %dma_start3A_326 : memref<1x64xi32, #tpu.memory_space<vmem>> -> memref<64xi32, #tpu.memory_space<vmem>>
          %dma_start3A_328 = arith.constant 0 : i32
          %dma_start3A_329 = arith.constant 0 : i32
          %dma_start3A_330 = tpu.memref_slice %arg14[%dma_start3A_328, %dma_start3A_329] : memref<10240x128xf32, #tpu.memory_space<vmem_shared>> -> memref<10240x128xf32, #tpu.memory_space<vmem_shared>>
          tpu.enqueue_indirect_dma source(%arg12 : memref<64x128xf32, #tpu.memory_space<vmem>>) target(%dma_start3A_330 : memref<10240x128xf32, #tpu.memory_space<vmem_shared>>) offsets(%dma_start3A_327 : memref<64xi32, #tpu.memory_space<vmem>>) semaphore(%run_scoped3A_324 : memref<!tpu.dma_semaphore, #tpu.memory_space<semaphore_mem>>) {add = true}
          %dma_wait3A_331 = arith.constant 0 : i32
          %dma_wait3A_332 = tpu.memref_slice %arg10[%run_scoped3A_307, %dma_wait3A_331] : memref<8x64xi32, #tpu.memory_space<vmem>> -> memref<1x64xi32, #tpu.memory_space<vmem>>
          %dma_wait3A_333 = tpu.memref_squeeze %dma_wait3A_332 : memref<1x64xi32, #tpu.memory_space<vmem>> -> memref<64xi32, #tpu.memory_space<vmem>>
          %dma_wait3A_334 = arith.constant 0 : i32
          %dma_wait3A_335 = arith.constant 0 : i32
          %dma_wait3A_336 = tpu.memref_slice %arg14[%dma_wait3A_334, %dma_wait3A_335] : memref<10240x128xf32, #tpu.memory_space<vmem_shared>> -> memref<10240x128xf32, #tpu.memory_space<vmem_shared>>
          tpu.wait_indirect_dma semaphore(%run_scoped3A_324 : memref<!tpu.dma_semaphore, #tpu.memory_space<semaphore_mem>>) src(%arg12 : memref<64x128xf32, #tpu.memory_space<vmem>>) dst(%dma_wait3A_336 : memref<10240x128xf32, #tpu.memory_space<vmem_shared>>)
          tpu.yield
        }) : () -> ()
        %get3A_308 = arith.constant 7 : i32
        %get3A_309 = arith.index_cast %get3A_308 : i32 to index
        %get3A_310 = arith.constant 0 : index
        %get3A_311 = tpu.vector_load %arg10[%get3A_309, %get3A_310] {strides = array<i32>} : memref<8x64xi32, #tpu.memory_space<vmem>>, vector<16xi32>,
        tpu.vector_store_idx %arg13[%get3A_311], %broadcast_in_dim3A_20 {add = true} : memref<10240xf32, #tpu.memory_space<vmem>>[vector<16xi32>], vector<16xf32>,
        %get3A_312 = arith.constant 7 : i32
        %get3A_313 = arith.index_cast %get3A_312 : i32 to index
        %get3A_314 = arith.constant 16 : index
        %get3A_315 = tpu.vector_load %arg10[%get3A_313, %get3A_314] {strides = array<i32>} : memref<8x64xi32, #tpu.memory_space<vmem>>, vector<16xi32>,
        tpu.vector_store_idx %arg13[%get3A_315], %broadcast_in_dim3A_20 {add = true} : memref<10240xf32, #tpu.memory_space<vmem>>[vector<16xi32>], vector<16xf32>,
        %get3A_316 = arith.constant 7 : i32
        %get3A_317 = arith.index_cast %get3A_316 : i32 to index
        %get3A_318 = arith.constant 32 : index
        %get3A_319 = tpu.vector_load %arg10[%get3A_317, %get3A_318] {strides = array<i32>} : memref<8x64xi32, #tpu.memory_space<vmem>>, vector<16xi32>,
        tpu.vector_store_idx %arg13[%get3A_319], %broadcast_in_dim3A_20 {add = true} : memref<10240xf32, #tpu.memory_space<vmem>>[vector<16xi32>], vector<16xf32>,
        %get3A_320 = arith.constant 7 : i32
        %get3A_321 = arith.index_cast %get3A_320 : i32 to index
        %get3A_322 = arith.constant 48 : index
        %get3A_323 = tpu.vector_load %arg10[%get3A_321, %get3A_322] {strides = array<i32>} : memref<8x64xi32, #tpu.memory_space<vmem>>, vector<16xi32>,
        tpu.vector_store_idx %arg13[%get3A_323], %broadcast_in_dim3A_20 {add = true} : memref<10240xf32, #tpu.memory_space<vmem>>[vector<16xi32>], vector<16xf32>,
      }
      %scan3A_77 = arith.constant 4 : i32
    } else {
    }
    %barrier3A_28 = arith.constant 0 : index
    tpu.barrier barrier_id(%barrier3A_28)
    %add3A_29 = arith.constant 0 : i32
    %add3A_30 = arith.addi %mul3A_0, %add3A_29 : i32
    "tpu.region"() ({
      %run_scoped3A = tpu.sem_alloc : memref<!tpu.dma_semaphore, #tpu.memory_space<semaphore_mem>>
      %dma_start3A = arith.constant 0 : i32
      %dma_start3A_69 = tpu.memref_slice %arg14[%add3A_30, %dma_start3A] : memref<10240x128xf32, #tpu.memory_space<vmem_shared>> -> memref<64x128xf32, #tpu.memory_space<vmem_shared>>
      %dma_start3A_70 = arith.constant 0 : i32
      %dma_start3A_71 = tpu.memref_slice %arg14[%add3A_30, %dma_start3A_70] : memref<10240x128xf32, #tpu.memory_space<vmem_shared>> -> memref<64x128xf32, #tpu.memory_space<vmem_shared>>
      tpu.enqueue_dma source(%dma_start3A_71 : memref<64x128xf32, #tpu.memory_space<vmem_shared>>) target(%arg11 : memref<64x128xf32, #tpu.memory_space<vmem>>) target_semaphore(%run_scoped3A : memref<!tpu.dma_semaphore, #tpu.memory_space<semaphore_mem>>)
      %dma_wait3A = arith.constant 0 : i32
      %dma_wait3A_72 = tpu.memref_slice %arg14[%add3A_30, %dma_wait3A] : memref<10240x128xf32, #tpu.memory_space<vmem_shared>> -> memref<64x128xf32, #tpu.memory_space<vmem_shared>>
      %dma_wait3A_73 = arith.constant 0 : i32
      %dma_wait3A_74 = tpu.memref_slice %arg14[%add3A_30, %dma_wait3A_73] : memref<10240x128xf32, #tpu.memory_space<vmem_shared>> -> memref<64x128xf32, #tpu.memory_space<vmem_shared>>
      tpu.wait_dma2 semaphore(%run_scoped3A : memref<!tpu.dma_semaphore, #tpu.memory_space<semaphore_mem>>) src(%dma_wait3A_74 : memref<64x128xf32, #tpu.memory_space<vmem_shared>>) dst(%arg11 : memref<64x128xf32, #tpu.memory_space<vmem>>)
      tpu.yield
    }) : () -> ()
    %add3A_31 = arith.constant 0 : i32
    %add3A_32 = arith.addi %mul3A_0, %add3A_31 : i32
    "tpu.region"() ({
      %run_scoped3A = tpu.sem_alloc : memref<!tpu.dma_semaphore, #tpu.memory_space<semaphore_mem>>
      %dma_start3A = arith.constant 0 : i32
      %dma_start3A_69 = tpu.memref_slice %arg7[%arg0, %add3A_32, %dma_start3A] : memref<2x10240x128xf32, #tpu.memory_space<hbm>> -> memref<1x64x128xf32, #tpu.memory_space<hbm>>
      %dma_start3A_70 = tpu.memref_squeeze %dma_start3A_69 : memref<1x64x128xf32, #tpu.memory_space<hbm>> -> memref<64x128xf32, #tpu.memory_space<hbm>>
      %dma_start3A_71 = arith.constant 0 : i32
      %dma_start3A_72 = tpu.memref_slice %arg7[%arg0, %add3A_32, %dma_start3A_71] : memref<2x10240x128xf32, #tpu.memory_space<hbm>> -> memref<1x64x128xf32, #tpu.memory_space<hbm>>
      %dma_start3A_73 = tpu.memref_squeeze %dma_start3A_72 : memref<1x64x128xf32, #tpu.memory_space<hbm>> -> memref<64x128xf32, #tpu.memory_space<hbm>>
      tpu.enqueue_dma source(%arg11 : memref<64x128xf32, #tpu.memory_space<vmem>>) target(%dma_start3A_73 : memref<64x128xf32, #tpu.memory_space<hbm>>) target_semaphore(%run_scoped3A : memref<!tpu.dma_semaphore, #tpu.memory_space<semaphore_mem>>)
      %dma_wait3A = arith.constant 0 : i32
      %dma_wait3A_74 = tpu.memref_slice %arg7[%arg0, %add3A_32, %dma_wait3A] : memref<2x10240x128xf32, #tpu.memory_space<hbm>> -> memref<1x64x128xf32, #tpu.memory_space<hbm>>
      %dma_wait3A_75 = tpu.memref_squeeze %dma_wait3A_74 : memref<1x64x128xf32, #tpu.memory_space<hbm>> -> memref<64x128xf32, #tpu.memory_space<hbm>>
      %dma_wait3A_76 = arith.constant 0 : i32
      %dma_wait3A_77 = tpu.memref_slice %arg7[%arg0, %add3A_32, %dma_wait3A_76] : memref<2x10240x128xf32, #tpu.memory_space<hbm>> -> memref<1x64x128xf32, #tpu.memory_space<hbm>>
      %dma_wait3A_78 = tpu.memref_squeeze %dma_wait3A_77 : memref<1x64x128xf32, #tpu.memory_space<hbm>> -> memref<64x128xf32, #tpu.memory_space<hbm>>
      tpu.wait_dma2 semaphore(%run_scoped3A : memref<!tpu.dma_semaphore, #tpu.memory_space<semaphore_mem>>) src(%arg11 : memref<64x128xf32, #tpu.memory_space<vmem>>) dst(%dma_wait3A_78 : memref<64x128xf32, #tpu.memory_space<hbm>>)
      tpu.yield
    }) : () -> ()
    %add3A_33 = arith.constant 64 : i32
    %add3A_34 = arith.addi %mul3A_0, %add3A_33 : i32
    "tpu.region"() ({
      %run_scoped3A = tpu.sem_alloc : memref<!tpu.dma_semaphore, #tpu.memory_space<semaphore_mem>>
      %dma_start3A = arith.constant 0 : i32
      %dma_start3A_69 = tpu.memref_slice %arg14[%add3A_34, %dma_start3A] : memref<10240x128xf32, #tpu.memory_space<vmem_shared>> -> memref<64x128xf32, #tpu.memory_space<vmem_shared>>
      %dma_start3A_70 = arith.constant 0 : i32
      %dma_start3A_71 = tpu.memref_slice %arg14[%add3A_34, %dma_start3A_70] : memref<10240x128xf32, #tpu.memory_space<vmem_shared>> -> memref<64x128xf32, #tpu.memory_space<vmem_shared>>
      tpu.enqueue_dma source(%dma_start3A_71 : memref<64x128xf32, #tpu.memory_space<vmem_shared>>) target(%arg11 : memref<64x128xf32, #tpu.memory_space<vmem>>) target_semaphore(%run_scoped3A : memref<!tpu.dma_semaphore, #tpu.memory_space<semaphore_mem>>)
      %dma_wait3A = arith.constant 0 : i32
      %dma_wait3A_72 = tpu.memref_slice %arg14[%add3A_34, %dma_wait3A] : memref<10240x128xf32, #tpu.memory_space<vmem_shared>> -> memref<64x128xf32, #tpu.memory_space<vmem_shared>>
      %dma_wait3A_73 = arith.constant 0 : i32
      %dma_wait3A_74 = tpu.memref_slice %arg14[%add3A_34, %dma_wait3A_73] : memref<10240x128xf32, #tpu.memory_space<vmem_shared>> -> memref<64x128xf32, #tpu.memory_space<vmem_shared>>
      tpu.wait_dma2 semaphore(%run_scoped3A : memref<!tpu.dma_semaphore, #tpu.memory_space<semaphore_mem>>) src(%dma_wait3A_74 : memref<64x128xf32, #tpu.memory_space<vmem_shared>>) dst(%arg11 : memref<64x128xf32, #tpu.memory_space<vmem>>)
      tpu.yield
    }) : () -> ()
    %add3A_35 = arith.constant 64 : i32
    %add3A_36 = arith.addi %mul3A_0, %add3A_35 : i32
    "tpu.region"() ({
      %run_scoped3A = tpu.sem_alloc : memref<!tpu.dma_semaphore, #tpu.memory_space<semaphore_mem>>
      %dma_start3A = arith.constant 0 : i32
      %dma_start3A_69 = tpu.memref_slice %arg7[%arg0, %add3A_36, %dma_start3A] : memref<2x10240x128xf32, #tpu.memory_space<hbm>> -> memref<1x64x128xf32, #tpu.memory_space<hbm>>
      %dma_start3A_70 = tpu.memref_squeeze %dma_start3A_69 : memref<1x64x128xf32, #tpu.memory_space<hbm>> -> memref<64x128xf32, #tpu.memory_space<hbm>>
      %dma_start3A_71 = arith.constant 0 : i32
      %dma_start3A_72 = tpu.memref_slice %arg7[%arg0, %add3A_36, %dma_start3A_71] : memref<2x10240x128xf32, #tpu.memory_space<hbm>> -> memref<1x64x128xf32, #tpu.memory_space<hbm>>
      %dma_start3A_73 = tpu.memref_squeeze %dma_start3A_72 : memref<1x64x128xf32, #tpu.memory_space<hbm>> -> memref<64x128xf32, #tpu.memory_space<hbm>>
      tpu.enqueue_dma source(%arg11 : memref<64x128xf32, #tpu.memory_space<vmem>>) target(%dma_start3A_73 : memref<64x128xf32, #tpu.memory_space<hbm>>) target_semaphore(%run_scoped3A : memref<!tpu.dma_semaphore, #tpu.memory_space<semaphore_mem>>)
      %dma_wait3A = arith.constant 0 : i32
      %dma_wait3A_74 = tpu.memref_slice %arg7[%arg0, %add3A_36, %dma_wait3A] : memref<2x10240x128xf32, #tpu.memory_space<hbm>> -> memref<1x64x128xf32, #tpu.memory_space<hbm>>
      %dma_wait3A_75 = tpu.memref_squeeze %dma_wait3A_74 : memref<1x64x128xf32, #tpu.memory_space<hbm>> -> memref<64x128xf32, #tpu.memory_space<hbm>>
      %dma_wait3A_76 = arith.constant 0 : i32
      %dma_wait3A_77 = tpu.memref_slice %arg7[%arg0, %add3A_36, %dma_wait3A_76] : memref<2x10240x128xf32, #tpu.memory_space<hbm>> -> memref<1x64x128xf32, #tpu.memory_space<hbm>>
      %dma_wait3A_78 = tpu.memref_squeeze %dma_wait3A_77 : memref<1x64x128xf32, #tpu.memory_space<hbm>> -> memref<64x128xf32, #tpu.memory_space<hbm>>
      tpu.wait_dma2 semaphore(%run_scoped3A : memref<!tpu.dma_semaphore, #tpu.memory_space<semaphore_mem>>) src(%arg11 : memref<64x128xf32, #tpu.memory_space<vmem>>) dst(%dma_wait3A_78 : memref<64x128xf32, #tpu.memory_space<hbm>>)
      tpu.yield
    }) : () -> ()
    %add3A_37 = arith.constant 128 : i32
    %add3A_38 = arith.addi %mul3A_0, %add3A_37 : i32
    "tpu.region"() ({
      %run_scoped3A = tpu.sem_alloc : memref<!tpu.dma_semaphore, #tpu.memory_space<semaphore_mem>>
      %dma_start3A = arith.constant 0 : i32
      %dma_start3A_69 = tpu.memref_slice %arg14[%add3A_38, %dma_start3A] : memref<10240x128xf32, #tpu.memory_space<vmem_shared>> -> memref<64x128xf32, #tpu.memory_space<vmem_shared>>
      %dma_start3A_70 = arith.constant 0 : i32
      %dma_start3A_71 = tpu.memref_slice %arg14[%add3A_38, %dma_start3A_70] : memref<10240x128xf32, #tpu.memory_space<vmem_shared>> -> memref<64x128xf32, #tpu.memory_space<vmem_shared>>
      tpu.enqueue_dma source(%dma_start3A_71 : memref<64x128xf32, #tpu.memory_space<vmem_shared>>) target(%arg11 : memref<64x128xf32, #tpu.memory_space<vmem>>) target_semaphore(%run_scoped3A : memref<!tpu.dma_semaphore, #tpu.memory_space<semaphore_mem>>)
      %dma_wait3A = arith.constant 0 : i32
      %dma_wait3A_72 = tpu.memref_slice %arg14[%add3A_38, %dma_wait3A] : memref<10240x128xf32, #tpu.memory_space<vmem_shared>> -> memref<64x128xf32, #tpu.memory_space<vmem_shared>>
      %dma_wait3A_73 = arith.constant 0 : i32
      %dma_wait3A_74 = tpu.memref_slice %arg14[%add3A_38, %dma_wait3A_73] : memref<10240x128xf32, #tpu.memory_space<vmem_shared>> -> memref<64x128xf32, #tpu.memory_space<vmem_shared>>
      tpu.wait_dma2 semaphore(%run_scoped3A : memref<!tpu.dma_semaphore, #tpu.memory_space<semaphore_mem>>) src(%dma_wait3A_74 : memref<64x128xf32, #tpu.memory_space<vmem_shared>>) dst(%arg11 : memref<64x128xf32, #tpu.memory_space<vmem>>)
      tpu.yield
    }) : () -> ()
    %add3A_39 = arith.constant 128 : i32
    %add3A_40 = arith.addi %mul3A_0, %add3A_39 : i32
    "tpu.region"() ({
      %run_scoped3A = tpu.sem_alloc : memref<!tpu.dma_semaphore, #tpu.memory_space<semaphore_mem>>
      %dma_start3A = arith.constant 0 : i32
      %dma_start3A_69 = tpu.memref_slice %arg7[%arg0, %add3A_40, %dma_start3A] : memref<2x10240x128xf32, #tpu.memory_space<hbm>> -> memref<1x64x128xf32, #tpu.memory_space<hbm>>
      %dma_start3A_70 = tpu.memref_squeeze %dma_start3A_69 : memref<1x64x128xf32, #tpu.memory_space<hbm>> -> memref<64x128xf32, #tpu.memory_space<hbm>>
      %dma_start3A_71 = arith.constant 0 : i32
      %dma_start3A_72 = tpu.memref_slice %arg7[%arg0, %add3A_40, %dma_start3A_71] : memref<2x10240x128xf32, #tpu.memory_space<hbm>> -> memref<1x64x128xf32, #tpu.memory_space<hbm>>
      %dma_start3A_73 = tpu.memref_squeeze %dma_start3A_72 : memref<1x64x128xf32, #tpu.memory_space<hbm>> -> memref<64x128xf32, #tpu.memory_space<hbm>>
      tpu.enqueue_dma source(%arg11 : memref<64x128xf32, #tpu.memory_space<vmem>>) target(%dma_start3A_73 : memref<64x128xf32, #tpu.memory_space<hbm>>) target_semaphore(%run_scoped3A : memref<!tpu.dma_semaphore, #tpu.memory_space<semaphore_mem>>)
      %dma_wait3A = arith.constant 0 : i32
      %dma_wait3A_74 = tpu.memref_slice %arg7[%arg0, %add3A_40, %dma_wait3A] : memref<2x10240x128xf32, #tpu.memory_space<hbm>> -> memref<1x64x128xf32, #tpu.memory_space<hbm>>
      %dma_wait3A_75 = tpu.memref_squeeze %dma_wait3A_74 : memref<1x64x128xf32, #tpu.memory_space<hbm>> -> memref<64x128xf32, #tpu.memory_space<hbm>>
      %dma_wait3A_76 = arith.constant 0 : i32
      %dma_wait3A_77 = tpu.memref_slice %arg7[%arg0, %add3A_40, %dma_wait3A_76] : memref<2x10240x128xf32, #tpu.memory_space<hbm>> -> memref<1x64x128xf32, #tpu.memory_space<hbm>>
      %dma_wait3A_78 = tpu.memref_squeeze %dma_wait3A_77 : memref<1x64x128xf32, #tpu.memory_space<hbm>> -> memref<64x128xf32, #tpu.memory_space<hbm>>
      tpu.wait_dma2 semaphore(%run_scoped3A : memref<!tpu.dma_semaphore, #tpu.memory_space<semaphore_mem>>) src(%arg11 : memref<64x128xf32, #tpu.memory_space<vmem>>) dst(%dma_wait3A_78 : memref<64x128xf32, #tpu.memory_space<hbm>>)
      tpu.yield
    }) : () -> ()
    %add3A_41 = arith.constant 192 : i32
    %add3A_42 = arith.addi %mul3A_0, %add3A_41 : i32
    "tpu.region"() ({
      %run_scoped3A = tpu.sem_alloc : memref<!tpu.dma_semaphore, #tpu.memory_space<semaphore_mem>>
      %dma_start3A = arith.constant 0 : i32
      %dma_start3A_69 = tpu.memref_slice %arg14[%add3A_42, %dma_start3A] : memref<10240x128xf32, #tpu.memory_space<vmem_shared>> -> memref<64x128xf32, #tpu.memory_space<vmem_shared>>
      %dma_start3A_70 = arith.constant 0 : i32
      %dma_start3A_71 = tpu.memref_slice %arg14[%add3A_42, %dma_start3A_70] : memref<10240x128xf32, #tpu.memory_space<vmem_shared>> -> memref<64x128xf32, #tpu.memory_space<vmem_shared>>
      tpu.enqueue_dma source(%dma_start3A_71 : memref<64x128xf32, #tpu.memory_space<vmem_shared>>) target(%arg11 : memref<64x128xf32, #tpu.memory_space<vmem>>) target_semaphore(%run_scoped3A : memref<!tpu.dma_semaphore, #tpu.memory_space<semaphore_mem>>)
      %dma_wait3A = arith.constant 0 : i32
      %dma_wait3A_72 = tpu.memref_slice %arg14[%add3A_42, %dma_wait3A] : memref<10240x128xf32, #tpu.memory_space<vmem_shared>> -> memref<64x128xf32, #tpu.memory_space<vmem_shared>>
      %dma_wait3A_73 = arith.constant 0 : i32
      %dma_wait3A_74 = tpu.memref_slice %arg14[%add3A_42, %dma_wait3A_73] : memref<10240x128xf32, #tpu.memory_space<vmem_shared>> -> memref<64x128xf32, #tpu.memory_space<vmem_shared>>
      tpu.wait_dma2 semaphore(%run_scoped3A : memref<!tpu.dma_semaphore, #tpu.memory_space<semaphore_mem>>) src(%dma_wait3A_74 : memref<64x128xf32, #tpu.memory_space<vmem_shared>>) dst(%arg11 : memref<64x128xf32, #tpu.memory_space<vmem>>)
      tpu.yield
    }) : () -> ()
    %add3A_43 = arith.constant 192 : i32
    %add3A_44 = arith.addi %mul3A_0, %add3A_43 : i32
    "tpu.region"() ({
      %run_scoped3A = tpu.sem_alloc : memref<!tpu.dma_semaphore, #tpu.memory_space<semaphore_mem>>
      %dma_start3A = arith.constant 0 : i32
      %dma_start3A_69 = tpu.memref_slice %arg7[%arg0, %add3A_44, %dma_start3A] : memref<2x10240x128xf32, #tpu.memory_space<hbm>> -> memref<1x64x128xf32, #tpu.memory_space<hbm>>
      %dma_start3A_70 = tpu.memref_squeeze %dma_start3A_69 : memref<1x64x128xf32, #tpu.memory_space<hbm>> -> memref<64x128xf32, #tpu.memory_space<hbm>>
      %dma_start3A_71 = arith.constant 0 : i32
      %dma_start3A_72 = tpu.memref_slice %arg7[%arg0, %add3A_44, %dma_start3A_71] : memref<2x10240x128xf32, #tpu.memory_space<hbm>> -> memref<1x64x128xf32, #tpu.memory_space<hbm>>
      %dma_start3A_73 = tpu.memref_squeeze %dma_start3A_72 : memref<1x64x128xf32, #tpu.memory_space<hbm>> -> memref<64x128xf32, #tpu.memory_space<hbm>>
      tpu.enqueue_dma source(%arg11 : memref<64x128xf32, #tpu.memory_space<vmem>>) target(%dma_start3A_73 : memref<64x128xf32, #tpu.memory_space<hbm>>) target_semaphore(%run_scoped3A : memref<!tpu.dma_semaphore, #tpu.memory_space<semaphore_mem>>)
      %dma_wait3A = arith.constant 0 : i32
      %dma_wait3A_74 = tpu.memref_slice %arg7[%arg0, %add3A_44, %dma_wait3A] : memref<2x10240x128xf32, #tpu.memory_space<hbm>> -> memref<1x64x128xf32, #tpu.memory_space<hbm>>
      %dma_wait3A_75 = tpu.memref_squeeze %dma_wait3A_74 : memref<1x64x128xf32, #tpu.memory_space<hbm>> -> memref<64x128xf32, #tpu.memory_space<hbm>>
      %dma_wait3A_76 = arith.constant 0 : i32
      %dma_wait3A_77 = tpu.memref_slice %arg7[%arg0, %add3A_44, %dma_wait3A_76] : memref<2x10240x128xf32, #tpu.memory_space<hbm>> -> memref<1x64x128xf32, #tpu.memory_space<hbm>>
      %dma_wait3A_78 = tpu.memref_squeeze %dma_wait3A_77 : memref<1x64x128xf32, #tpu.memory_space<hbm>> -> memref<64x128xf32, #tpu.memory_space<hbm>>
      tpu.wait_dma2 semaphore(%run_scoped3A : memref<!tpu.dma_semaphore, #tpu.memory_space<semaphore_mem>>) src(%arg11 : memref<64x128xf32, #tpu.memory_space<vmem>>) dst(%dma_wait3A_78 : memref<64x128xf32, #tpu.memory_space<hbm>>)
      tpu.yield
    }) : () -> ()
    %add3A_45 = arith.constant 256 : i32
    %add3A_46 = arith.addi %mul3A_0, %add3A_45 : i32
    "tpu.region"() ({
      %run_scoped3A = tpu.sem_alloc : memref<!tpu.dma_semaphore, #tpu.memory_space<semaphore_mem>>
      %dma_start3A = arith.constant 0 : i32
      %dma_start3A_69 = tpu.memref_slice %arg14[%add3A_46, %dma_start3A] : memref<10240x128xf32, #tpu.memory_space<vmem_shared>> -> memref<64x128xf32, #tpu.memory_space<vmem_shared>>
      %dma_start3A_70 = arith.constant 0 : i32
      %dma_start3A_71 = tpu.memref_slice %arg14[%add3A_46, %dma_start3A_70] : memref<10240x128xf32, #tpu.memory_space<vmem_shared>> -> memref<64x128xf32, #tpu.memory_space<vmem_shared>>
      tpu.enqueue_dma source(%dma_start3A_71 : memref<64x128xf32, #tpu.memory_space<vmem_shared>>) target(%arg11 : memref<64x128xf32, #tpu.memory_space<vmem>>) target_semaphore(%run_scoped3A : memref<!tpu.dma_semaphore, #tpu.memory_space<semaphore_mem>>)
      %dma_wait3A = arith.constant 0 : i32
      %dma_wait3A_72 = tpu.memref_slice %arg14[%add3A_46, %dma_wait3A] : memref<10240x128xf32, #tpu.memory_space<vmem_shared>> -> memref<64x128xf32, #tpu.memory_space<vmem_shared>>
      %dma_wait3A_73 = arith.constant 0 : i32
      %dma_wait3A_74 = tpu.memref_slice %arg14[%add3A_46, %dma_wait3A_73] : memref<10240x128xf32, #tpu.memory_space<vmem_shared>> -> memref<64x128xf32, #tpu.memory_space<vmem_shared>>
      tpu.wait_dma2 semaphore(%run_scoped3A : memref<!tpu.dma_semaphore, #tpu.memory_space<semaphore_mem>>) src(%dma_wait3A_74 : memref<64x128xf32, #tpu.memory_space<vmem_shared>>) dst(%arg11 : memref<64x128xf32, #tpu.memory_space<vmem>>)
      tpu.yield
    }) : () -> ()
    %add3A_47 = arith.constant 256 : i32
    %add3A_48 = arith.addi %mul3A_0, %add3A_47 : i32
    "tpu.region"() ({
      %run_scoped3A = tpu.sem_alloc : memref<!tpu.dma_semaphore, #tpu.memory_space<semaphore_mem>>
      %dma_start3A = arith.constant 0 : i32
      %dma_start3A_69 = tpu.memref_slice %arg7[%arg0, %add3A_48, %dma_start3A] : memref<2x10240x128xf32, #tpu.memory_space<hbm>> -> memref<1x64x128xf32, #tpu.memory_space<hbm>>
      %dma_start3A_70 = tpu.memref_squeeze %dma_start3A_69 : memref<1x64x128xf32, #tpu.memory_space<hbm>> -> memref<64x128xf32, #tpu.memory_space<hbm>>
      %dma_start3A_71 = arith.constant 0 : i32
      %dma_start3A_72 = tpu.memref_slice %arg7[%arg0, %add3A_48, %dma_start3A_71] : memref<2x10240x128xf32, #tpu.memory_space<hbm>> -> memref<1x64x128xf32, #tpu.memory_space<hbm>>
      %dma_start3A_73 = tpu.memref_squeeze %dma_start3A_72 : memref<1x64x128xf32, #tpu.memory_space<hbm>> -> memref<64x128xf32, #tpu.memory_space<hbm>>
      tpu.enqueue_dma source(%arg11 : memref<64x128xf32, #tpu.memory_space<vmem>>) target(%dma_start3A_73 : memref<64x128xf32, #tpu.memory_space<hbm>>) target_semaphore(%run_scoped3A : memref<!tpu.dma_semaphore, #tpu.memory_space<semaphore_mem>>)
      %dma_wait3A = arith.constant 0 : i32
      %dma_wait3A_74 = tpu.memref_slice %arg7[%arg0, %add3A_48, %dma_wait3A] : memref<2x10240x128xf32, #tpu.memory_space<hbm>> -> memref<1x64x128xf32, #tpu.memory_space<hbm>>
      %dma_wait3A_75 = tpu.memref_squeeze %dma_wait3A_74 : memref<1x64x128xf32, #tpu.memory_space<hbm>> -> memref<64x128xf32, #tpu.memory_space<hbm>>
      %dma_wait3A_76 = arith.constant 0 : i32
      %dma_wait3A_77 = tpu.memref_slice %arg7[%arg0, %add3A_48, %dma_wait3A_76] : memref<2x10240x128xf32, #tpu.memory_space<hbm>> -> memref<1x64x128xf32, #tpu.memory_space<hbm>>
      %dma_wait3A_78 = tpu.memref_squeeze %dma_wait3A_77 : memref<1x64x128xf32, #tpu.memory_space<hbm>> -> memref<64x128xf32, #tpu.memory_space<hbm>>
      tpu.wait_dma2 semaphore(%run_scoped3A : memref<!tpu.dma_semaphore, #tpu.memory_space<semaphore_mem>>) src(%arg11 : memref<64x128xf32, #tpu.memory_space<vmem>>) dst(%dma_wait3A_78 : memref<64x128xf32, #tpu.memory_space<hbm>>)
      tpu.yield
    }) : () -> ()
    %add3A_49 = arith.constant 320 : i32
    %add3A_50 = arith.addi %mul3A_0, %add3A_49 : i32
    "tpu.region"() ({
      %run_scoped3A = tpu.sem_alloc : memref<!tpu.dma_semaphore, #tpu.memory_space<semaphore_mem>>
      %dma_start3A = arith.constant 0 : i32
      %dma_start3A_69 = tpu.memref_slice %arg14[%add3A_50, %dma_start3A] : memref<10240x128xf32, #tpu.memory_space<vmem_shared>> -> memref<64x128xf32, #tpu.memory_space<vmem_shared>>
      %dma_start3A_70 = arith.constant 0 : i32
      %dma_start3A_71 = tpu.memref_slice %arg14[%add3A_50, %dma_start3A_70] : memref<10240x128xf32, #tpu.memory_space<vmem_shared>> -> memref<64x128xf32, #tpu.memory_space<vmem_shared>>
      tpu.enqueue_dma source(%dma_start3A_71 : memref<64x128xf32, #tpu.memory_space<vmem_shared>>) target(%arg11 : memref<64x128xf32, #tpu.memory_space<vmem>>) target_semaphore(%run_scoped3A : memref<!tpu.dma_semaphore, #tpu.memory_space<semaphore_mem>>)
      %dma_wait3A = arith.constant 0 : i32
      %dma_wait3A_72 = tpu.memref_slice %arg14[%add3A_50, %dma_wait3A] : memref<10240x128xf32, #tpu.memory_space<vmem_shared>> -> memref<64x128xf32, #tpu.memory_space<vmem_shared>>
      %dma_wait3A_73 = arith.constant 0 : i32
      %dma_wait3A_74 = tpu.memref_slice %arg14[%add3A_50, %dma_wait3A_73] : memref<10240x128xf32, #tpu.memory_space<vmem_shared>> -> memref<64x128xf32, #tpu.memory_space<vmem_shared>>
      tpu.wait_dma2 semaphore(%run_scoped3A : memref<!tpu.dma_semaphore, #tpu.memory_space<semaphore_mem>>) src(%dma_wait3A_74 : memref<64x128xf32, #tpu.memory_space<vmem_shared>>) dst(%arg11 : memref<64x128xf32, #tpu.memory_space<vmem>>)
      tpu.yield
    }) : () -> ()
    %add3A_51 = arith.constant 320 : i32
    %add3A_52 = arith.addi %mul3A_0, %add3A_51 : i32
    "tpu.region"() ({
      %run_scoped3A = tpu.sem_alloc : memref<!tpu.dma_semaphore, #tpu.memory_space<semaphore_mem>>
      %dma_start3A = arith.constant 0 : i32
      %dma_start3A_69 = tpu.memref_slice %arg7[%arg0, %add3A_52, %dma_start3A] : memref<2x10240x128xf32, #tpu.memory_space<hbm>> -> memref<1x64x128xf32, #tpu.memory_space<hbm>>
      %dma_start3A_70 = tpu.memref_squeeze %dma_start3A_69 : memref<1x64x128xf32, #tpu.memory_space<hbm>> -> memref<64x128xf32, #tpu.memory_space<hbm>>
      %dma_start3A_71 = arith.constant 0 : i32
      %dma_start3A_72 = tpu.memref_slice %arg7[%arg0, %add3A_52, %dma_start3A_71] : memref<2x10240x128xf32, #tpu.memory_space<hbm>> -> memref<1x64x128xf32, #tpu.memory_space<hbm>>
      %dma_start3A_73 = tpu.memref_squeeze %dma_start3A_72 : memref<1x64x128xf32, #tpu.memory_space<hbm>> -> memref<64x128xf32, #tpu.memory_space<hbm>>
      tpu.enqueue_dma source(%arg11 : memref<64x128xf32, #tpu.memory_space<vmem>>) target(%dma_start3A_73 : memref<64x128xf32, #tpu.memory_space<hbm>>) target_semaphore(%run_scoped3A : memref<!tpu.dma_semaphore, #tpu.memory_space<semaphore_mem>>)
      %dma_wait3A = arith.constant 0 : i32
      %dma_wait3A_74 = tpu.memref_slice %arg7[%arg0, %add3A_52, %dma_wait3A] : memref<2x10240x128xf32, #tpu.memory_space<hbm>> -> memref<1x64x128xf32, #tpu.memory_space<hbm>>
      %dma_wait3A_75 = tpu.memref_squeeze %dma_wait3A_74 : memref<1x64x128xf32, #tpu.memory_space<hbm>> -> memref<64x128xf32, #tpu.memory_space<hbm>>
      %dma_wait3A_76 = arith.constant 0 : i32
      %dma_wait3A_77 = tpu.memref_slice %arg7[%arg0, %add3A_52, %dma_wait3A_76] : memref<2x10240x128xf32, #tpu.memory_space<hbm>> -> memref<1x64x128xf32, #tpu.memory_space<hbm>>
      %dma_wait3A_78 = tpu.memref_squeeze %dma_wait3A_77 : memref<1x64x128xf32, #tpu.memory_space<hbm>> -> memref<64x128xf32, #tpu.memory_space<hbm>>
      tpu.wait_dma2 semaphore(%run_scoped3A : memref<!tpu.dma_semaphore, #tpu.memory_space<semaphore_mem>>) src(%arg11 : memref<64x128xf32, #tpu.memory_space<vmem>>) dst(%dma_wait3A_78 : memref<64x128xf32, #tpu.memory_space<hbm>>)
      tpu.yield
    }) : () -> ()
    %add3A_53 = arith.constant 384 : i32
    %add3A_54 = arith.addi %mul3A_0, %add3A_53 : i32
    "tpu.region"() ({
      %run_scoped3A = tpu.sem_alloc : memref<!tpu.dma_semaphore, #tpu.memory_space<semaphore_mem>>
      %dma_start3A = arith.constant 0 : i32
      %dma_start3A_69 = tpu.memref_slice %arg14[%add3A_54, %dma_start3A] : memref<10240x128xf32, #tpu.memory_space<vmem_shared>> -> memref<64x128xf32, #tpu.memory_space<vmem_shared>>
      %dma_start3A_70 = arith.constant 0 : i32
      %dma_start3A_71 = tpu.memref_slice %arg14[%add3A_54, %dma_start3A_70] : memref<10240x128xf32, #tpu.memory_space<vmem_shared>> -> memref<64x128xf32, #tpu.memory_space<vmem_shared>>
      tpu.enqueue_dma source(%dma_start3A_71 : memref<64x128xf32, #tpu.memory_space<vmem_shared>>) target(%arg11 : memref<64x128xf32, #tpu.memory_space<vmem>>) target_semaphore(%run_scoped3A : memref<!tpu.dma_semaphore, #tpu.memory_space<semaphore_mem>>)
      %dma_wait3A = arith.constant 0 : i32
      %dma_wait3A_72 = tpu.memref_slice %arg14[%add3A_54, %dma_wait3A] : memref<10240x128xf32, #tpu.memory_space<vmem_shared>> -> memref<64x128xf32, #tpu.memory_space<vmem_shared>>
      %dma_wait3A_73 = arith.constant 0 : i32
      %dma_wait3A_74 = tpu.memref_slice %arg14[%add3A_54, %dma_wait3A_73] : memref<10240x128xf32, #tpu.memory_space<vmem_shared>> -> memref<64x128xf32, #tpu.memory_space<vmem_shared>>
      tpu.wait_dma2 semaphore(%run_scoped3A : memref<!tpu.dma_semaphore, #tpu.memory_space<semaphore_mem>>) src(%dma_wait3A_74 : memref<64x128xf32, #tpu.memory_space<vmem_shared>>) dst(%arg11 : memref<64x128xf32, #tpu.memory_space<vmem>>)
      tpu.yield
    }) : () -> ()
    %add3A_55 = arith.constant 384 : i32
    %add3A_56 = arith.addi %mul3A_0, %add3A_55 : i32
    "tpu.region"() ({
      %run_scoped3A = tpu.sem_alloc : memref<!tpu.dma_semaphore, #tpu.memory_space<semaphore_mem>>
      %dma_start3A = arith.constant 0 : i32
      %dma_start3A_69 = tpu.memref_slice %arg7[%arg0, %add3A_56, %dma_start3A] : memref<2x10240x128xf32, #tpu.memory_space<hbm>> -> memref<1x64x128xf32, #tpu.memory_space<hbm>>
      %dma_start3A_70 = tpu.memref_squeeze %dma_start3A_69 : memref<1x64x128xf32, #tpu.memory_space<hbm>> -> memref<64x128xf32, #tpu.memory_space<hbm>>
      %dma_start3A_71 = arith.constant 0 : i32
      %dma_start3A_72 = tpu.memref_slice %arg7[%arg0, %add3A_56, %dma_start3A_71] : memref<2x10240x128xf32, #tpu.memory_space<hbm>> -> memref<1x64x128xf32, #tpu.memory_space<hbm>>
      %dma_start3A_73 = tpu.memref_squeeze %dma_start3A_72 : memref<1x64x128xf32, #tpu.memory_space<hbm>> -> memref<64x128xf32, #tpu.memory_space<hbm>>
      tpu.enqueue_dma source(%arg11 : memref<64x128xf32, #tpu.memory_space<vmem>>) target(%dma_start3A_73 : memref<64x128xf32, #tpu.memory_space<hbm>>) target_semaphore(%run_scoped3A : memref<!tpu.dma_semaphore, #tpu.memory_space<semaphore_mem>>)
      %dma_wait3A = arith.constant 0 : i32
      %dma_wait3A_74 = tpu.memref_slice %arg7[%arg0, %add3A_56, %dma_wait3A] : memref<2x10240x128xf32, #tpu.memory_space<hbm>> -> memref<1x64x128xf32, #tpu.memory_space<hbm>>
      %dma_wait3A_75 = tpu.memref_squeeze %dma_wait3A_74 : memref<1x64x128xf32, #tpu.memory_space<hbm>> -> memref<64x128xf32, #tpu.memory_space<hbm>>
      %dma_wait3A_76 = arith.constant 0 : i32
      %dma_wait3A_77 = tpu.memref_slice %arg7[%arg0, %add3A_56, %dma_wait3A_76] : memref<2x10240x128xf32, #tpu.memory_space<hbm>> -> memref<1x64x128xf32, #tpu.memory_space<hbm>>
      %dma_wait3A_78 = tpu.memref_squeeze %dma_wait3A_77 : memref<1x64x128xf32, #tpu.memory_space<hbm>> -> memref<64x128xf32, #tpu.memory_space<hbm>>
      tpu.wait_dma2 semaphore(%run_scoped3A : memref<!tpu.dma_semaphore, #tpu.memory_space<semaphore_mem>>) src(%arg11 : memref<64x128xf32, #tpu.memory_space<vmem>>) dst(%dma_wait3A_78 : memref<64x128xf32, #tpu.memory_space<hbm>>)
      tpu.yield
    }) : () -> ()
    %add3A_57 = arith.constant 448 : i32
    %add3A_58 = arith.addi %mul3A_0, %add3A_57 : i32
    "tpu.region"() ({
      %run_scoped3A = tpu.sem_alloc : memref<!tpu.dma_semaphore, #tpu.memory_space<semaphore_mem>>
      %dma_start3A = arith.constant 0 : i32
      %dma_start3A_69 = tpu.memref_slice %arg14[%add3A_58, %dma_start3A] : memref<10240x128xf32, #tpu.memory_space<vmem_shared>> -> memref<64x128xf32, #tpu.memory_space<vmem_shared>>
      %dma_start3A_70 = arith.constant 0 : i32
      %dma_start3A_71 = tpu.memref_slice %arg14[%add3A_58, %dma_start3A_70] : memref<10240x128xf32, #tpu.memory_space<vmem_shared>> -> memref<64x128xf32, #tpu.memory_space<vmem_shared>>
      tpu.enqueue_dma source(%dma_start3A_71 : memref<64x128xf32, #tpu.memory_space<vmem_shared>>) target(%arg11 : memref<64x128xf32, #tpu.memory_space<vmem>>) target_semaphore(%run_scoped3A : memref<!tpu.dma_semaphore, #tpu.memory_space<semaphore_mem>>)
      %dma_wait3A = arith.constant 0 : i32
      %dma_wait3A_72 = tpu.memref_slice %arg14[%add3A_58, %dma_wait3A] : memref<10240x128xf32, #tpu.memory_space<vmem_shared>> -> memref<64x128xf32, #tpu.memory_space<vmem_shared>>
      %dma_wait3A_73 = arith.constant 0 : i32
      %dma_wait3A_74 = tpu.memref_slice %arg14[%add3A_58, %dma_wait3A_73] : memref<10240x128xf32, #tpu.memory_space<vmem_shared>> -> memref<64x128xf32, #tpu.memory_space<vmem_shared>>
      tpu.wait_dma2 semaphore(%run_scoped3A : memref<!tpu.dma_semaphore, #tpu.memory_space<semaphore_mem>>) src(%dma_wait3A_74 : memref<64x128xf32, #tpu.memory_space<vmem_shared>>) dst(%arg11 : memref<64x128xf32, #tpu.memory_space<vmem>>)
      tpu.yield
    }) : () -> ()
    %add3A_59 = arith.constant 448 : i32
    %add3A_60 = arith.addi %mul3A_0, %add3A_59 : i32
    "tpu.region"() ({
      %run_scoped3A = tpu.sem_alloc : memref<!tpu.dma_semaphore, #tpu.memory_space<semaphore_mem>>
      %dma_start3A = arith.constant 0 : i32
      %dma_start3A_69 = tpu.memref_slice %arg7[%arg0, %add3A_60, %dma_start3A] : memref<2x10240x128xf32, #tpu.memory_space<hbm>> -> memref<1x64x128xf32, #tpu.memory_space<hbm>>
      %dma_start3A_70 = tpu.memref_squeeze %dma_start3A_69 : memref<1x64x128xf32, #tpu.memory_space<hbm>> -> memref<64x128xf32, #tpu.memory_space<hbm>>
      %dma_start3A_71 = arith.constant 0 : i32
      %dma_start3A_72 = tpu.memref_slice %arg7[%arg0, %add3A_60, %dma_start3A_71] : memref<2x10240x128xf32, #tpu.memory_space<hbm>> -> memref<1x64x128xf32, #tpu.memory_space<hbm>>
      %dma_start3A_73 = tpu.memref_squeeze %dma_start3A_72 : memref<1x64x128xf32, #tpu.memory_space<hbm>> -> memref<64x128xf32, #tpu.memory_space<hbm>>
      tpu.enqueue_dma source(%arg11 : memref<64x128xf32, #tpu.memory_space<vmem>>) target(%dma_start3A_73 : memref<64x128xf32, #tpu.memory_space<hbm>>) target_semaphore(%run_scoped3A : memref<!tpu.dma_semaphore, #tpu.memory_space<semaphore_mem>>)
      %dma_wait3A = arith.constant 0 : i32
      %dma_wait3A_74 = tpu.memref_slice %arg7[%arg0, %add3A_60, %dma_wait3A] : memref<2x10240x128xf32, #tpu.memory_space<hbm>> -> memref<1x64x128xf32, #tpu.memory_space<hbm>>
      %dma_wait3A_75 = tpu.memref_squeeze %dma_wait3A_74 : memref<1x64x128xf32, #tpu.memory_space<hbm>> -> memref<64x128xf32, #tpu.memory_space<hbm>>
      %dma_wait3A_76 = arith.constant 0 : i32
      %dma_wait3A_77 = tpu.memref_slice %arg7[%arg0, %add3A_60, %dma_wait3A_76] : memref<2x10240x128xf32, #tpu.memory_space<hbm>> -> memref<1x64x128xf32, #tpu.memory_space<hbm>>
      %dma_wait3A_78 = tpu.memref_squeeze %dma_wait3A_77 : memref<1x64x128xf32, #tpu.memory_space<hbm>> -> memref<64x128xf32, #tpu.memory_space<hbm>>
      tpu.wait_dma2 semaphore(%run_scoped3A : memref<!tpu.dma_semaphore, #tpu.memory_space<semaphore_mem>>) src(%arg11 : memref<64x128xf32, #tpu.memory_space<vmem>>) dst(%dma_wait3A_78 : memref<64x128xf32, #tpu.memory_space<hbm>>)
      tpu.yield
    }) : () -> ()
    %add3A_61 = arith.constant 512 : i32
    %add3A_62 = arith.addi %mul3A_0, %add3A_61 : i32
    "tpu.region"() ({
      %run_scoped3A = tpu.sem_alloc : memref<!tpu.dma_semaphore, #tpu.memory_space<semaphore_mem>>
      %dma_start3A = arith.constant 0 : i32
      %dma_start3A_69 = tpu.memref_slice %arg14[%add3A_62, %dma_start3A] : memref<10240x128xf32, #tpu.memory_space<vmem_shared>> -> memref<64x128xf32, #tpu.memory_space<vmem_shared>>
      %dma_start3A_70 = arith.constant 0 : i32
      %dma_start3A_71 = tpu.memref_slice %arg14[%add3A_62, %dma_start3A_70] : memref<10240x128xf32, #tpu.memory_space<vmem_shared>> -> memref<64x128xf32, #tpu.memory_space<vmem_shared>>
      tpu.enqueue_dma source(%dma_start3A_71 : memref<64x128xf32, #tpu.memory_space<vmem_shared>>) target(%arg11 : memref<64x128xf32, #tpu.memory_space<vmem>>) target_semaphore(%run_scoped3A : memref<!tpu.dma_semaphore, #tpu.memory_space<semaphore_mem>>)
      %dma_wait3A = arith.constant 0 : i32
      %dma_wait3A_72 = tpu.memref_slice %arg14[%add3A_62, %dma_wait3A] : memref<10240x128xf32, #tpu.memory_space<vmem_shared>> -> memref<64x128xf32, #tpu.memory_space<vmem_shared>>
      %dma_wait3A_73 = arith.constant 0 : i32
      %dma_wait3A_74 = tpu.memref_slice %arg14[%add3A_62, %dma_wait3A_73] : memref<10240x128xf32, #tpu.memory_space<vmem_shared>> -> memref<64x128xf32, #tpu.memory_space<vmem_shared>>
      tpu.wait_dma2 semaphore(%run_scoped3A : memref<!tpu.dma_semaphore, #tpu.memory_space<semaphore_mem>>) src(%dma_wait3A_74 : memref<64x128xf32, #tpu.memory_space<vmem_shared>>) dst(%arg11 : memref<64x128xf32, #tpu.memory_space<vmem>>)
      tpu.yield
    }) : () -> ()
    %add3A_63 = arith.constant 512 : i32
    %add3A_64 = arith.addi %mul3A_0, %add3A_63 : i32
    "tpu.region"() ({
      %run_scoped3A = tpu.sem_alloc : memref<!tpu.dma_semaphore, #tpu.memory_space<semaphore_mem>>
      %dma_start3A = arith.constant 0 : i32
      %dma_start3A_69 = tpu.memref_slice %arg7[%arg0, %add3A_64, %dma_start3A] : memref<2x10240x128xf32, #tpu.memory_space<hbm>> -> memref<1x64x128xf32, #tpu.memory_space<hbm>>
      %dma_start3A_70 = tpu.memref_squeeze %dma_start3A_69 : memref<1x64x128xf32, #tpu.memory_space<hbm>> -> memref<64x128xf32, #tpu.memory_space<hbm>>
      %dma_start3A_71 = arith.constant 0 : i32
      %dma_start3A_72 = tpu.memref_slice %arg7[%arg0, %add3A_64, %dma_start3A_71] : memref<2x10240x128xf32, #tpu.memory_space<hbm>> -> memref<1x64x128xf32, #tpu.memory_space<hbm>>
      %dma_start3A_73 = tpu.memref_squeeze %dma_start3A_72 : memref<1x64x128xf32, #tpu.memory_space<hbm>> -> memref<64x128xf32, #tpu.memory_space<hbm>>
      tpu.enqueue_dma source(%arg11 : memref<64x128xf32, #tpu.memory_space<vmem>>) target(%dma_start3A_73 : memref<64x128xf32, #tpu.memory_space<hbm>>) target_semaphore(%run_scoped3A : memref<!tpu.dma_semaphore, #tpu.memory_space<semaphore_mem>>)
      %dma_wait3A = arith.constant 0 : i32
      %dma_wait3A_74 = tpu.memref_slice %arg7[%arg0, %add3A_64, %dma_wait3A] : memref<2x10240x128xf32, #tpu.memory_space<hbm>> -> memref<1x64x128xf32, #tpu.memory_space<hbm>>
      %dma_wait3A_75 = tpu.memref_squeeze %dma_wait3A_74 : memref<1x64x128xf32, #tpu.memory_space<hbm>> -> memref<64x128xf32, #tpu.memory_space<hbm>>
      %dma_wait3A_76 = arith.constant 0 : i32
      %dma_wait3A_77 = tpu.memref_slice %arg7[%arg0, %add3A_64, %dma_wait3A_76] : memref<2x10240x128xf32, #tpu.memory_space<hbm>> -> memref<1x64x128xf32, #tpu.memory_space<hbm>>
      %dma_wait3A_78 = tpu.memref_squeeze %dma_wait3A_77 : memref<1x64x128xf32, #tpu.memory_space<hbm>> -> memref<64x128xf32, #tpu.memory_space<hbm>>
      tpu.wait_dma2 semaphore(%run_scoped3A : memref<!tpu.dma_semaphore, #tpu.memory_space<semaphore_mem>>) src(%arg11 : memref<64x128xf32, #tpu.memory_space<vmem>>) dst(%dma_wait3A_78 : memref<64x128xf32, #tpu.memory_space<hbm>>)
      tpu.yield
    }) : () -> ()
    %add3A_65 = arith.constant 576 : i32
    %add3A_66 = arith.addi %mul3A_0, %add3A_65 : i32
    "tpu.region"() ({
      %run_scoped3A = tpu.sem_alloc : memref<!tpu.dma_semaphore, #tpu.memory_space<semaphore_mem>>
      %dma_start3A = arith.constant 0 : i32
      %dma_start3A_69 = tpu.memref_slice %arg14[%add3A_66, %dma_start3A] : memref<10240x128xf32, #tpu.memory_space<vmem_shared>> -> memref<64x128xf32, #tpu.memory_space<vmem_shared>>
      %dma_start3A_70 = arith.constant 0 : i32
      %dma_start3A_71 = tpu.memref_slice %arg14[%add3A_66, %dma_start3A_70] : memref<10240x128xf32, #tpu.memory_space<vmem_shared>> -> memref<64x128xf32, #tpu.memory_space<vmem_shared>>
      tpu.enqueue_dma source(%dma_start3A_71 : memref<64x128xf32, #tpu.memory_space<vmem_shared>>) target(%arg11 : memref<64x128xf32, #tpu.memory_space<vmem>>) target_semaphore(%run_scoped3A : memref<!tpu.dma_semaphore, #tpu.memory_space<semaphore_mem>>)
      %dma_wait3A = arith.constant 0 : i32
      %dma_wait3A_72 = tpu.memref_slice %arg14[%add3A_66, %dma_wait3A] : memref<10240x128xf32, #tpu.memory_space<vmem_shared>> -> memref<64x128xf32, #tpu.memory_space<vmem_shared>>
      %dma_wait3A_73 = arith.constant 0 : i32
      %dma_wait3A_74 = tpu.memref_slice %arg14[%add3A_66, %dma_wait3A_73] : memref<10240x128xf32, #tpu.memory_space<vmem_shared>> -> memref<64x128xf32, #tpu.memory_space<vmem_shared>>
      tpu.wait_dma2 semaphore(%run_scoped3A : memref<!tpu.dma_semaphore, #tpu.memory_space<semaphore_mem>>) src(%dma_wait3A_74 : memref<64x128xf32, #tpu.memory_space<vmem_shared>>) dst(%arg11 : memref<64x128xf32, #tpu.memory_space<vmem>>)
      tpu.yield
    }) : () -> ()
    %add3A_67 = arith.constant 576 : i32
    %add3A_68 = arith.addi %mul3A_0, %add3A_67 : i32
    "tpu.region"() ({
      %run_scoped3A = tpu.sem_alloc : memref<!tpu.dma_semaphore, #tpu.memory_space<semaphore_mem>>
      %dma_start3A = arith.constant 0 : i32
      %dma_start3A_69 = tpu.memref_slice %arg7[%arg0, %add3A_68, %dma_start3A] : memref<2x10240x128xf32, #tpu.memory_space<hbm>> -> memref<1x64x128xf32, #tpu.memory_space<hbm>>
      %dma_start3A_70 = tpu.memref_squeeze %dma_start3A_69 : memref<1x64x128xf32, #tpu.memory_space<hbm>> -> memref<64x128xf32, #tpu.memory_space<hbm>>
      %dma_start3A_71 = arith.constant 0 : i32
      %dma_start3A_72 = tpu.memref_slice %arg7[%arg0, %add3A_68, %dma_start3A_71] : memref<2x10240x128xf32, #tpu.memory_space<hbm>> -> memref<1x64x128xf32, #tpu.memory_space<hbm>>
      %dma_start3A_73 = tpu.memref_squeeze %dma_start3A_72 : memref<1x64x128xf32, #tpu.memory_space<hbm>> -> memref<64x128xf32, #tpu.memory_space<hbm>>
      tpu.enqueue_dma source(%arg11 : memref<64x128xf32, #tpu.memory_space<vmem>>) target(%dma_start3A_73 : memref<64x128xf32, #tpu.memory_space<hbm>>) target_semaphore(%run_scoped3A : memref<!tpu.dma_semaphore, #tpu.memory_space<semaphore_mem>>)
      %dma_wait3A = arith.constant 0 : i32
      %dma_wait3A_74 = tpu.memref_slice %arg7[%arg0, %add3A_68, %dma_wait3A] : memref<2x10240x128xf32, #tpu.memory_space<hbm>> -> memref<1x64x128xf32, #tpu.memory_space<hbm>>
      %dma_wait3A_75 = tpu.memref_squeeze %dma_wait3A_74 : memref<1x64x128xf32, #tpu.memory_space<hbm>> -> memref<64x128xf32, #tpu.memory_space<hbm>>
      %dma_wait3A_76 = arith.constant 0 : i32
      %dma_wait3A_77 = tpu.memref_slice %arg7[%arg0, %add3A_68, %dma_wait3A_76] : memref<2x10240x128xf32, #tpu.memory_space<hbm>> -> memref<1x64x128xf32, #tpu.memory_space<hbm>>
      %dma_wait3A_78 = tpu.memref_squeeze %dma_wait3A_77 : memref<1x64x128xf32, #tpu.memory_space<hbm>> -> memref<64x128xf32, #tpu.memory_space<hbm>>
      tpu.wait_dma2 semaphore(%run_scoped3A : memref<!tpu.dma_semaphore, #tpu.memory_space<semaphore_mem>>) src(%arg11 : memref<64x128xf32, #tpu.memory_space<vmem>>) dst(%dma_wait3A_78 : memref<64x128xf32, #tpu.memory_space<hbm>>)
      tpu.yield
    }) : () -> ()
    "tpu.region"() ({
      %run_scoped3A = tpu.sem_alloc : memref<!tpu.dma_semaphore, #tpu.memory_space<semaphore_mem>>
      %dma_start3A = arith.constant 0 : i32
      %dma_start3A_69 = tpu.memref_slice %arg8[%arg0, %arg1, %dma_start3A] : memref<2x16x10240xf32, #tpu.memory_space<hbm>> -> memref<1x1x10240xf32, #tpu.memory_space<hbm>>
      %dma_start3A_70 = tpu.memref_squeeze %dma_start3A_69 : memref<1x1x10240xf32, #tpu.memory_space<hbm>> -> memref<10240xf32, #tpu.memory_space<hbm>>
      %dma_start3A_71 = arith.constant 0 : i32
      %dma_start3A_72 = tpu.memref_slice %arg8[%arg0, %arg1, %dma_start3A_71] : memref<2x16x10240xf32, #tpu.memory_space<hbm>> -> memref<1x1x10240xf32, #tpu.memory_space<hbm>>
      %dma_start3A_73 = tpu.memref_squeeze %dma_start3A_72 : memref<1x1x10240xf32, #tpu.memory_space<hbm>> -> memref<10240xf32, #tpu.memory_space<hbm>>
      tpu.enqueue_dma source(%arg13 : memref<10240xf32, #tpu.memory_space<vmem>>) target(%dma_start3A_73 : memref<10240xf32, #tpu.memory_space<hbm>>) target_semaphore(%run_scoped3A : memref<!tpu.dma_semaphore, #tpu.memory_space<semaphore_mem>>)
      %dma_wait3A = arith.constant 0 : i32
      %dma_wait3A_74 = tpu.memref_slice %arg8[%arg0, %arg1, %dma_wait3A] : memref<2x16x10240xf32, #tpu.memory_space<hbm>> -> memref<1x1x10240xf32, #tpu.memory_space<hbm>>
      %dma_wait3A_75 = tpu.memref_squeeze %dma_wait3A_74 : memref<1x1x10240xf32, #tpu.memory_space<hbm>> -> memref<10240xf32, #tpu.memory_space<hbm>>
      %dma_wait3A_76 = arith.constant 0 : i32
      %dma_wait3A_77 = tpu.memref_slice %arg8[%arg0, %arg1, %dma_wait3A_76] : memref<2x16x10240xf32, #tpu.memory_space<hbm>> -> memref<1x1x10240xf32, #tpu.memory_space<hbm>>
      %dma_wait3A_78 = tpu.memref_squeeze %dma_wait3A_77 : memref<1x1x10240xf32, #tpu.memory_space<hbm>> -> memref<10240xf32, #tpu.memory_space<hbm>>
      tpu.wait_dma2 semaphore(%run_scoped3A : memref<!tpu.dma_semaphore, #tpu.memory_space<semaphore_mem>>) src(%arg13 : memref<10240xf32, #tpu.memory_space<vmem>>) dst(%dma_wait3A_78 : memref<10240xf32, #tpu.memory_space<hbm>>)
      tpu.yield
    }) : () -> ()
    return
  }
}

module attributes {stable_mosaic.version = 14 : i64} {
  func.func @_tc_body(%arg0: i32, %arg1: memref<1000x128xf32, #tpu.memory_space<vmem>>, %arg2: memref<1000x128xf32, #tpu.memory_space<vmem>>, %arg3: memref<1000x128xf32, #tpu.memory_space<vmem>>, %arg4: memref<1000x32xf32, #tpu.memory_space<vmem>>, %arg5: memref<128x128xf32, #tpu.memory_space<vmem>>, %arg6: memref<128x128xf32, #tpu.memory_space<vmem>>, %arg7: memref<1x128xf32, #tpu.memory_space<vmem>>, %arg8: memref<1000x128xf32, #tpu.memory_space<vmem>>) attributes {dimension_semantics = [#tpu.dimension_semantics<arbitrary>], iteration_bounds = array<i64: 10>, scalar_prefetch = 0 : i64, scratch_operands = 0 : i64, tpu.core_type = #tpu.core_type<tc>, window_params = [{transform_indices = @transform_0, window_bounds = array<i64: 1000, 128>}, {transform_indices = @transform_1, window_bounds = array<i64: 1000, 128>}, {transform_indices = @transform_2, window_bounds = array<i64: 1000, 128>}, {transform_indices = @transform_3, window_bounds = array<i64: 1000, 32>}, {pipeline_mode = #tpu.pipeline_mode<synchronous>, transform_indices = @transform_4, window_bounds = array<i64: 128, 128>}, {pipeline_mode = #tpu.pipeline_mode<synchronous>, transform_indices = @transform_5, window_bounds = array<i64: 128, 128>}, {pipeline_mode = #tpu.pipeline_mode<synchronous>, transform_indices = @transform_6, window_bounds = array<i64: 1, 128>}, {transform_indices = @transform_7, window_bounds = array<i64: 1000, 128>}]} {
    %get3A = arith.constant 0 : index
    %get3A_0 = arith.constant 0 : index
    %get3A_1 = vector.load %arg2[%get3A, %get3A_0] : memref<1000x128xf32, #tpu.memory_space<vmem>>, vector<1000x128xf32>
    %get3A_2 = arith.constant 0 : index
    %get3A_3 = arith.constant 0 : index
    %get3A_4 = vector.load %arg3[%get3A_2, %get3A_3] : memref<1000x128xf32, #tpu.memory_space<vmem>>, vector<1000x128xf32>
    %add3A = arith.addf %get3A_1, %get3A_4 : vector<1000x128xf32>
    %get3A_5 = arith.constant 0 : index
    %get3A_6 = arith.constant 0 : index
    %get3A_7 = vector.load %arg4[%get3A_5, %get3A_6] : memref<1000x32xf32, #tpu.memory_space<vmem>>, vector<1000x32xf32>
    %reduce_sum3A = arith.constant dense<0.000000e+00> : vector<1000xf32>
    %reduce_sum3A_8 = vector.multi_reduction <add>, %get3A_7, %reduce_sum3A [1] : vector<1000x32xf32> to vector<1000xf32>
    %broadcast_in_dim3A = vector.shape_cast %reduce_sum3A_8 : vector<1000xf32> to vector<1000x1xf32>
    %max3A = arith.constant 1.000000e+00 : f32
    %max3A_9 = vector.broadcast %max3A : f32 to vector<1000x1xf32>
    %max3A_10 = arith.maximumf %broadcast_in_dim3A, %max3A_9 : vector<1000x1xf32>
    %div3A = vector.broadcast %max3A_10 : vector<1000x1xf32> to vector<1000x128xf32>
    %div3A_11 = arith.divf %add3A, %div3A : vector<1000x128xf32>
    %get3A_12 = arith.constant 0 : index
    %get3A_13 = arith.constant 0 : index
    %get3A_14 = vector.load %arg1[%get3A_12, %get3A_13] : memref<1000x128xf32, #tpu.memory_space<vmem>>, vector<1000x128xf32>
    %get3A_15 = arith.constant 0 : index
    %get3A_16 = arith.constant 0 : index
    %get3A_17 = vector.load %arg5[%get3A_15, %get3A_16] : memref<128x128xf32, #tpu.memory_space<vmem>>, vector<128x128xf32>
    %dot_general3A = arith.constant dense<0.000000e+00> : vector<1000x128xf32>
    %dot_general3A_18 = tpu.matmul %get3A_14, %get3A_17, %dot_general3A {dimension_numbers = #tpu.dot_dimension_numbers<[1], [0], [0], [1], [0, 0, 1, 1], [], []>, precision = #tpu.contract_precision<fp32>, transpose_lhs_hint = false} : vector<1000x128xf32>, vector<128x128xf32>, vector<1000x128xf32> -> vector<1000x128xf32>
    %get3A_19 = arith.constant 0 : index
    %get3A_20 = arith.constant 0 : index
    %get3A_21 = vector.load %arg6[%get3A_19, %get3A_20] : memref<128x128xf32, #tpu.memory_space<vmem>>, vector<128x128xf32>
    %dot_general3A_22 = arith.constant dense<0.000000e+00> : vector<1000x128xf32>
    %dot_general3A_23 = tpu.matmul %div3A_11, %get3A_21, %dot_general3A_22 {dimension_numbers = #tpu.dot_dimension_numbers<[1], [0], [0], [1], [0, 0, 1, 1], [], []>, precision = #tpu.contract_precision<fp32>, transpose_lhs_hint = false} : vector<1000x128xf32>, vector<128x128xf32>, vector<1000x128xf32> -> vector<1000x128xf32>
    %sub3A = arith.subf %dot_general3A_18, %dot_general3A_23 : vector<1000x128xf32>
    %get3A_24 = arith.constant 0 : index
    %get3A_25 = arith.constant 0 : index
    %get3A_26 = vector.load %arg7[%get3A_24, %get3A_25] : memref<1x128xf32, #tpu.memory_space<vmem>>, vector<1x128xf32>
    %add3A_27 = vector.broadcast %get3A_26 : vector<1x128xf32> to vector<1000x128xf32>
    %add3A_28 = arith.addf %sub3A, %add3A_27 : vector<1000x128xf32>
    %swap3A = arith.constant 0 : index
    %swap3A_29 = arith.constant 0 : index
    %swap3A_30 = vector.load %arg8[%swap3A, %swap3A_29] : memref<1000x128xf32, #tpu.memory_space<vmem>>, vector<1000x128xf32>
    tpu.vector_store %arg8[%swap3A, %swap3A_29], %add3A_28 {strides = array<i32>} : memref<1000x128xf32, #tpu.memory_space<vmem>>, vector<1000x128xf32>,
    return
  }
  func.func @transform_0(%arg0: i32) -> (i32, i32) {
    %c0_i32 = arith.constant 0 : i32
    %c0_i32_0 = arith.constant 0 : i32
    return %arg0, %c0_i32 : i32, i32
  }
  func.func @transform_1(%arg0: i32) -> (i32, i32) {
    %c0_i32 = arith.constant 0 : i32
    %c0_i32_0 = arith.constant 0 : i32
    return %arg0, %c0_i32 : i32, i32
  }
  func.func @transform_2(%arg0: i32) -> (i32, i32) {
    %c0_i32 = arith.constant 0 : i32
    %c0_i32_0 = arith.constant 0 : i32
    return %arg0, %c0_i32 : i32, i32
  }
  func.func @transform_3(%arg0: i32) -> (i32, i32) {
    %c0_i32 = arith.constant 0 : i32
    %c0_i32_0 = arith.constant 0 : i32
    return %arg0, %c0_i32 : i32, i32
  }
  func.func @transform_4(%arg0: i32) -> (i32, i32) {
    %c0_i32 = arith.constant 0 : i32
    %c0_i32_0 = arith.constant 0 : i32
    %c0_i32_1 = arith.constant 0 : i32
    return %c0_i32, %c0_i32_0 : i32, i32
  }
  func.func @transform_5(%arg0: i32) -> (i32, i32) {
    %c0_i32 = arith.constant 0 : i32
    %c0_i32_0 = arith.constant 0 : i32
    %c0_i32_1 = arith.constant 0 : i32
    return %c0_i32, %c0_i32_0 : i32, i32
  }
  func.func @transform_6(%arg0: i32) -> (i32, i32) {
    %c0_i32 = arith.constant 0 : i32
    %c0_i32_0 = arith.constant 0 : i32
    %c0_i32_1 = arith.constant 0 : i32
    return %c0_i32, %c0_i32_0 : i32, i32
  }
  func.func @transform_7(%arg0: i32) -> (i32, i32) {
    %c0_i32 = arith.constant 0 : i32
    %c0_i32_0 = arith.constant 0 : i32
    return %arg0, %c0_i32 : i32, i32
  }
}

</mosaic_0001>

<sc_bundles>
// kernel: kernel.4.cloned.1.call-start
scs
__scs_entry_jumppad:
0x0: {  	(pc) =	sbr.rel $0x88, $3  }
0x1: {  	(tag) =	ssettag $0x0;
	lr =	simm.s32 $0x1  }
0x2: {  	[smem:$0x3F9B] =	sst lr;
	_ =	strace $0xD0000000  }
0x3: {  	_ = 	snop  }
0x4: {  	_ = 	snop  }
0x5: {  	_ = 	snop  }
0x6: {  	_ = 	snop  }
0x7: {  	_ = 	snop  }
__scs_overlays_trampoline_lowered:
0x8: {  	[smem:$0x3FAA] =	sst s0  }
0x9: {  	[smem:$0x3FAB] =	sst s1  }
0xa: {  	[smem:$0x3FAC] =	sst s2  }
0xb: {  	[smem:$0x3FAD] =	sst s3  }
0xc: {  	[smem:$0x3FAE] =	sst s4  }
0xd: {  	[smem:$0x3FAF] =	sst s5  }
0xe: {  	[smem:$0x3FB0] =	sst s6  }
0xf: {  	[smem:$0x3FB1] =	sst s7  }
0x10: {  	[smem:$0x3FB2] =	sst s8  }
0x11: {  	[smem:$0x3FB3] =	sst s9;
	s0 =	simm.s32 @!p0 $0x0  }
0x12: {  	s1 =	sld [smem:$0x3F99];
	s0 =	simm.s32 @p0 $0x1  }
0x13: {  	[smem:$0x3FB4] =	sst s0;
	s0 =	simm.s32 @!p1 $0x0  }
0x14: {  	s2 =	sld [smem:$0x3F98];
	s0 =	simm.s32 @p1 $0x1  }
0x15: {  	[smem:$0x3FB5] =	sst s0;
	s0 =	simm.s32 @!p2 $0x0  }
0x16: {  	s3 =	sld [smem:$0x3FDB];
	s0 =	simm.s32 @p2 $0x1  }
0x17: {  	s4 =	simm.s32 $0x1BF5;
	[smem:$0x3FB7] =	sst s0  }
0x18: {  	s0 =	sld [smem:$0x3F9A];
	_ =	swait.ge [sflag:s4], $0x0  }
0x19: {  	s7 =	sld [smem:$0x3F9B]  }
0x1a: {  	s8 =	sadd.s32 $0xFFFFE003, lr  }
0x1b: {  	s9 =	sadd.s32 $0xFFFFFEF7, lr;
	s5 =	simm.s32 $0xFFFFFFFF;
	p2 =	slt.u32 s8, $0xFFFFF086  }
0x1c: {  	p1 =	slt.u32 s9, $0xF7A;
	s5 =	simm.s32 @!p2 $0x0  }
0x1d: {  	s5 =	simm.s32 @p1 $0x1;
	p0 =	seq.s32 s7, s2  }
0x1e: {  	s7 =	smul.u32 @!p0 $0xF7A, s2;
	p2 =	seq.s32 @!p0 s5, $0x0  }
0x1f: {  	s9 =	smul.u32 $0xF7A, s1;
	s8 =	simm.s32 @!p0 $0x1BF5;
	p2 =	por !p2, p0  }
0x20: {  	[sflag:s8] =	ssyncset.s32 @!p0 $0xFFFFF086;
	s6 =	sadd.s32 @!p0 s3, s7;
	s7 =	simm.s32 @!p0 $0x108  }
0x21: {  	s3 =	sadd.s32 s3, s9;
	s6 =	sadd.s32 @!p0 $0x88, s6;
	s7 =	simm.s32 @p2 $0x1082  }
0x22: {  	[simem:s7], [sflag:s8] =	dma.local @!p0 [hbm:s6], $0xF7A  }
0x23: {  	s9 =	sor.u32 $0xD0000000, s2;
	s6 =	simm.s32 $0x108;
	_ =	swait.ge @!p0 [sflag:s8], $0x0  }
0x24: {  	s3 =	sadd.s32 $0x88, s3;
	s6 =	simm.s32 @!p1 $0x1082;
	[sflag:s4] =	ssyncset.s32 $0xFFFFF086  }
0x25: {  	[simem:s6], [sflag:s4] =	dma.local [hbm:s3], $0xF7A  }
0x26: {  	[smem:$0x3F9B] =	sst s1;
	(tag) =	ssettag s2;
	_ =	strace s9  }
0x27: {  	s1 =	sld [smem:$0x3FAB]  }
0x28: {  	s2 =	sld [smem:$0x3FAC]  }
0x29: {  	s4 =	sld [smem:$0x3FAE]  }
0x2a: {  	p0 =	seq.s32 s5, $0x0;
	s5 =	sld [smem:$0x3FAF]  }
0x2b: {  	s6 =	sld [smem:$0x3FB0]  }
0x2c: {  	s7 =	sld [smem:$0x3FB1]  }
0x2d: {  	s3 =	simm.s32 $0x108;
	s8 =	sld [smem:$0x3FB2]  }
0x2e: {  	s3 =	simm.s32 @!p0 $0x1082;
	s9 =	sld [smem:$0x3FB3]  }
0x2f: {  	lr =	sadd.s32 s0, s3;
	s0 =	sld [smem:$0x3FAA]  }
0x30: {  	s3 =	sld [smem:$0x3FAD]  }
0x31: {  	[smem:$0x3FB6] =	sst s10  }
0x32: {  	s10 =	sld [smem:$0x3FB4];
	_ =	sdelay $0x3  }
0x33: {  	p0 =	seq.s32 s10, $0x1;
	s10 =	sld [smem:$0x3FB6];
	_ =	sdelay $0x3  }
0x34: {  	[smem:$0x3FB6] =	sst s10  }
0x35: {  	s10 =	sld [smem:$0x3FB5];
	_ =	sdelay $0x3  }
0x36: {  	p1 =	seq.s32 s10, $0x1;
	s10 =	sld [smem:$0x3FB6];
	_ =	sdelay $0x3  }
0x37: {  	[smem:$0x3FB6] =	sst s10  }
0x38: {  	s10 =	sld [smem:$0x3FB7]  }
0x39: {  	_ = 	snop;
	(pc) =	sbr.ind lr, $3  }
0x3a: {  	_ = 	snop  }
0x3b: {  	_ = 	snop  }
0x3c: {  	p2 =	seq.s32 s10, $0x1;
	s10 =	sld [smem:$0x3FB6]  }
0x3d: {  	_ =	shalt  }
0x3e: {  	_ =	shalt  }
0x3f: {  	_ =	shalt  }
0x40: {  	_ =	shalt  }
0x41: {  	_ =	shalt  }
0x42: {  	_ =	shalt  }
0x43: {  	_ =	shalt  }
0x44: {  	_ =	shalt  }
0x45: {  	_ =	shalt  }
0x46: {  	_ =	shalt  }
0x47: {  	_ =	shalt  }
0x48: {  	_ =	shalt  }
0x49: {  	_ =	shalt  }
0x4a: {  	_ =	shalt  }
0x4b: {  	_ =	shalt  }
0x4c: {  	_ =	shalt  }
0x4d: {  	_ =	shalt  }
0x4e: {  	_ =	shalt  }
0x4f: {  	_ =	shalt  }
0x50: {  	_ =	shalt  }
0x51: {  	_ =	shalt  }
0x52: {  	_ =	shalt  }
0x53: {  	_ =	shalt  }
0x54: {  	_ =	shalt  }
0x55: {  	_ =	shalt  }
0x56: {  	_ =	shalt  }
0x57: {  	_ =	shalt  }
0x58: {  	_ =	shalt  }
0x59: {  	_ =	shalt  }
0x5a: {  	_ =	shalt  }
0x5b: {  	_ =	shalt  }
0x5c: {  	_ =	shalt  }
0x5d: {  	_ =	shalt  }
0x5e: {  	_ =	shalt  }
0x5f: {  	_ =	shalt  }
0x60: {  	_ =	shalt  }
0x61: {  	_ =	shalt  }
0x62: {  	_ =	shalt  }
0x63: {  	_ =	shalt  }
0x64: {  	_ =	shalt  }
0x65: {  	_ =	shalt  }
0x66: {  	_ =	shalt  }
0x67: {  	_ =	shalt  }
0x68: {  	_ =	shalt  }
0x69: {  	_ =	shalt  }
0x6a: {  	_ =	shalt  }
0x6b: {  	_ =	shalt  }
0x6c: {  	_ =	shalt  }
0x6d: {  	_ =	shalt  }
0x6e: {  	_ =	shalt  }
0x6f: {  	_ =	shalt  }
0x70: {  	_ =	shalt  }
0x71: {  	_ =	shalt  }
0x72: {  	_ =	shalt  }
0x73: {  	_ =	shalt  }
0x74: {  	_ =	shalt  }
0x75: {  	_ =	shalt  }
0x76: {  	_ =	shalt  }
0x77: {  	_ =	shalt  }
0x78: {  	_ =	shalt  }
0x79: {  	_ =	shalt  }
0x7a: {  	_ =	shalt  }
0x7b: {  	_ =	shalt  }
0x7c: {  	_ =	shalt  }
0x7d: {  	_ =	shalt  }
0x7e: {  	_ =	shalt  }
0x7f: {  	_ =	shalt  }
0x80: {  	_ =	shalt  }
0x81: {  	_ =	shalt  }
0x82: {  	_ =	shalt  }
0x83: {  	_ =	shalt  }
0x84: {  	_ =	shalt  }
0x85: {  	_ =	shalt  }
0x86: {  	_ =	shalt  }
0x87: {  	_ =	shalt  }
.Lfunc_end0:
.L_simem_size_0:
called_computation_lowered:
.L_overlay_start_0:
0x88: {  	s2 =	sld [smem:$0x3FD9]  }
0x89: {  	s3 =	sld [smem:$0x3FFE];
	_ =	sdelay $0x1  }
0x8a: {  	s1 =	srdreg.scid  }
0x8b: {  	s0 =	sand.u32 $0x1, s1  }
0x8c: {  	s17 =	sshll.u32 s0, $0xA;
	s2 =	sadd.s32 s3, s2  }
0x8d: {  	s2 =	sadd.s32 s2, s17  }
0x8e: {  	[smem:$0x3FC2] =	sst s2  }
0x8f: {  	_ = 	snop  }
0x90: {  	s2 =	sld [smem:$0x3FC9]  }
0x91: {  	s18 =	sld [smem:$0x3FD0];
	(tm) =	ssettm $0x1  }
0x92: {  	s4 =	sld [smem:$0x3FFB];
	_ =	sdelay $0x3  }
0x93: {  	_ =	strace s4  }
0x94: {  	s4 =	sld [smem:$0x3FFC];
	_ =	sdelay $0x3  }
0x95: {  	_ =	strace s4  }
0x96: {  	s4 =	sld [smem:$0x3FFD];
	_ =	sdelay $0x3  }
0x97: {  	_ =	strace s4  }
0x98: {  	_ =	strace $0x8FFFFFFF  }
0x99: {  	s19 =	sld [smem:$0x3FDB];
	_ =	sdelay $0x1  }
0x9a: {  	s5 =	simm.s32 $_scs_section_size  }
0x9b: {  	s6 =	simm.s32 $_size__tile_overlayer_lowered;
	s7 =	simm.s32 $_tile_overlayer_lowered  }
0x9c: {  	s22 =	simm.s32 $0x1BFF;
	s21 =	sshll.u32 s7, $0x1;
	s4 =	sadd.s32 s5, s19  }
0x9d: {  	s8 =	simm.s32 $0x0;
	s20 =	sshll.u32 s6, $0x1;
	s6 =	sadd.s32 s21, s4  }
0x9e: {  	[timem:s8], [sflag:s22] =	dma.local [hbm:s6], s20  }
0x9f: {  	_ =	swait.ge [sflag:s22], s20  }
0xa0: {  	s5 =	ssub.s32 $0x0, s20;
	[sflag:s22] =	ssyncset.done $0x0  }
0xa1: {  	[sflag:s22] =	ssyncadd.s32 s5;
	_ =	sdelay $0x1  }
0xa2: {  	s23 =	simm.s32 $0x1B8B  }
0xa3: {  	_ =	swait.ge [sflag:s23], $0x1  }
0xa4: {  	[sflag:s23] =	ssyncset.done $0x0  }
0xa5: {  	s25 =	simm.s32 $0x1B8E;
	s24 =	sld [smem:$0x3FFE];
	[sflag:s23] =	ssyncadd.s32 $0xFFFFFFFF  }
0xa6: {  	s26 =	simm.s32 $execute0_lowered;
	[smem:$0x3FD2] =	sst s25  }
0xa7: {  	s6 =	sshll.u32 s26, $0x1;
	_ =	strace $0x80000046;
	[dreg:$0x1] =	wrdreg $0xFFFFFFFF  }
0xa8: {  	s28 =	simm.s32 $_size_execute0_lowered;
	s4 =	sadd.s32 s4, s6;
	[dreg:$0x0] =	wrdreg $0x0  }
0xa9: {  	s6 =	sshll.u32 s28, $0x1;
	[dreg:$0x2] =	wrdreg s4  }
0xaa: {  	[dreg:$0x3] =	wrdreg s6  }
0xab: {  	[dreg:$0x4] =	wrdreg $0xC0  }
0xac: {  	_ =	task [dreg:s8], $0x5FFFF  }
0xad: {  	[dreg:$0x1] =	wrdreg $0xFFFFFFFF  }
0xae: {  	[dreg:$0x0] =	wrdreg $0x60  }
0xaf: {  	[dreg:$0x2] =	wrdreg s2  }
0xb0: {  	[dreg:$0x3] =	wrdreg s18  }
0xb1: {  	[dreg:$0x4] =	wrdreg s24  }
0xb2: {  	[dreg:$0x5] =	wrdreg $0x70000  }
0xb3: {  	[dreg:$0x6] =	wrdreg $0x9  }
0xb4: {  	_ =	task.clear_ibuf [dreg:s8], $0x7FFFF;
	_ =	strace $0x90000046  }
0xb5: {  	s29 =	simm.s32 $0x9;
	_ =	strace $0x80000048  }
0xb6: {  	_ =	swait.ge [sflag:s29], $0x1  }
0xb7: {  	[sflag:s29] =	ssyncadd.s32 $0xFFFFFFFF  }
0xb8: {  	_ =	strace $0x90000048  }
0xb9: {  	_ =	sfence  }
0xba: {  	s30 =	sld [smem:$0x0];
	_ =	sdelay $0x2  }
0xbb: {  	s31 =	sshll.u32 s1, $0xD;
	s1 =	sshrl.u32 s1, $0x2  }
0xbc: {  	s3 =	sand.u32 $0x4000, s31;
	s1 =	sadd.s32 s1, s30  }
0xbd: {  	s0 =	sor.u32 s3, s0;
	s1 =	sshll.u32 s1, $0x11  }
0xbe: {  	s0 =	sor.u32 s1, s0  }
0xbf: {  	s0 =	sadd.s32 $0x8F2B, s0  }
0xc0: {  	[sflag:s0] =	ssyncadd.remote.s32 $0x1  }
0xc1: {  	_ =	sfence.sel $0xFFFF  }
0xc2: {  	[dreg:$0x0] =	wrdreg $0xFFFFFFFF;
	(pc) =	sbr.abs _section_cstart, $3  }
0xc3: {  	[dreg:$0x1] =	wrdreg $0xFFFFFFFF  }
0xc4: {  	_ =	task.clear_ibuf [dreg:s8], $0x2FFFF;
	_ =	strace $0x9FFFFFFF  }
0xc5: {  	(tm) =	ssettm $0x7FFFFFFF  }
tec
execute0_lowered:
.L_overlay_start_1:
0x0: {  	(tag) =	ssettag $0x1  }
0x1: {  	s1 =	rddreg [dreg:$0x0]  }
0x2: {  	s2 =	rddreg [dreg:$0x1]  }
0x3: {  	s0 =	rddreg [dreg:$0x2]  }
0x4: {  	s3 =	rddreg [dreg:$0x3]  }
0x5: {  	s4 =	srdreg.scid;
	s22 =	stileid.u32;
	s29 =	simm.s32 $0x580  }
0x6: {  	s30 =	simm.s32 $0x280;
	s6 =	sand.u32 $0x1, s4;
	s10 =	smul.u32 $0x14000, s22  }
0x7: {  	s4 =	simm.s32 $0x0;
	s7 =	sshrl.u32 s22, $0x3;
	s5 =	smul.u32 $0x28000, s6  }
0x8: {  	s21 =	sshll.u32 s22, $0x7;
	s11 =	sadd.s32 $0x15E00, s0;
	s7 =	smul.u32 $0x14000, s7  }
0x9: {  	[smem:$0x7FF] =	sst s4;
	s8 =	ssub.s32 $0x2, s6;
	s15 =	smul.u32 $0x140000, s6  }
0xa: {  	p0 =	seq.s32 s6, $0x1;
	_ =	strace $0x80000047;
	s9 =	sshrl.u32 s8, $0x1  }
0xb: {  	s12 =	sadd.s32 $0x6000, s10;
	s13 =	sadd.s32 $0x8000, s10;
	s14 =	sadd.s32 $0xA000, s10  }
0xc: {  	s16 =	sadd.s32 $0xC000, s10;
	s17 =	sadd.s32 $0xE000, s10;
	s18 =	sadd.s32 $0x10000, s10  }
0xd: {  	s19 =	sadd.s32 $0x12000, s10;
	s5 =	sadd.s32 s5, s7;
	s7 =	sand.u32 $0x380, s21  }
0xe: {  	s23 =	sadd.s32 s10, s15;
	s21 =	sadd.s32 s15, s12;
	s31 =	sadd.s32 s13, s3  }
0xf: {  	s28 =	sadd.s32 s16, s3;
	s7 =	sor.u32 s7, s5;
	s5 =	ssub.s32 s8, s9  }
0x10: {  	s8 =	sor.u32 $0x2000, s10;
	s9 =	sadd.s32 $0x4000, s10;
	s6 =	sshrl.u32 s23, $0x3  }
0x11: {  	s23 =	sadd.s32 s15, s13;
	s13 =	sadd.s32 s17, s3;
	[dreg:$0x17] =	wrdreg s31  }
0x12: {  	[dreg:$0x19] =	wrdreg s28;
	s24 =	sadd.s32 s15, s8;
	s20 =	sadd.s32 s15, s9  }
0x13: {  	s6 =	sadd.s32 s11, s6;
	s7 =	sshrl.u32 s7, $0x3;
	[dreg:$0x1b] =	wrdreg s13  }
0x14: {  	[dreg:$0x7] =	wrdreg s6;
	s25 =	sshrl.u32 s24, $0x3;
	s26 =	sshrl.u32 s20, $0x3  }
0x15: {  	s24 =	sadd.s32 s15, s14;
	s6 =	sadd.s32 s11, s25;
	s20 =	sadd.s32 s11, s26  }
0x16: {  	s25 =	sshrl.u32 s23, $0x3;
	s26 =	sshrl.u32 s24, $0x3;
	s23 =	sadd.s32 s15, s17  }
0x17: {  	s24 =	sadd.s32 s15, s18;
	s17 =	simm.s32 $0x200;
	[dreg:$0x8] =	wrdreg s6  }
0x18: {  	[dreg:$0x9] =	wrdreg s20;
	s6 =	sshrl.u32 s21, $0x3;
	s20 =	sadd.s32 s11, s26  }
0x19: {  	s21 =	sadd.s32 s15, s16;
	s26 =	sshrl.u32 s24, $0x3;
	s24 =	sshll.u32 s22, $0x9  }
0x1a: {  	s16 =	sadd.s32 s19, s3;
	s6 =	sadd.s32 s11, s6;
	[dreg:$0xc] =	wrdreg s20  }
0x1b: {  	s10 =	sadd.s32 s11, s26;
	s20 =	smul.u32 $0x1200, s22;
	[dreg:$0x1d] =	wrdreg s16  }
0x1c: {  	s26 =	smul.u32 $0x50000, s22;
	[dreg:$0xa] =	wrdreg s6;
	s6 =	sadd.s32 s11, s25  }
0x1d: {  	s25 =	sshrl.u32 s23, $0x3;
	[dreg:$0xf] =	wrdreg s10;
	s23 =	sadd.s32 $0x1400, s0  }
0x1e: {  	[dreg:$0xb] =	wrdreg s6;
	s6 =	sshrl.u32 s21, $0x3;
	s21 =	sadd.s32 s15, s19  }
0x1f: {  	s15 =	sadd.s32 s24, s23;
	s19 =	simm.s32 $0x300;
	s6 =	sadd.s32 s11, s6  }
0x20: {  	s10 =	sshrl.u32 s21, $0x3;
	s21 =	sadd.s32 s20, s23;
	[dreg:$0xd] =	wrdreg s6  }
0x21: {  	s23 =	smax.u32 s5, $0x1;
	s5 =	simm.s32 $0x4800;
	[dreg:$0x5] =	wrdreg s21  }
0x22: {  	s6 =	sadd.s32 s11, s25;
	s10 =	sadd.s32 s11, s10;
	[dreg:$0x1f] =	wrdreg s23  }
0x23: {  	s25 =	sadd.s32 $0x12000, s15;
	s11 =	sadd.s32 s7, s0;
	[dreg:$0xe] =	wrdreg s6  }
0x24: {  	s15 =	sadd.s32 $0x15A00, s0;
	s0 =	sadd.s32 $0x15400, s0;
	[dreg:$0x10] =	wrdreg s10  }
0x25: {  	s21 =	sadd.s32 s8, s3;
	s7 =	simm.s32 $0x40;
	[dreg:$0x6] =	wrdreg s25  }
0x26: {  	s8 =	simm.s32 $0x1;
	s23 =	simm.s32 $0x780;
	[dreg:$0x11] =	wrdreg s15  }
0x27: {  	s6 =	sadd.s32 s20, s2;
	s2 =	sadd.s32 s24, s2;
	[dreg:$0x12] =	wrdreg s0  }
0x28: {  	s20 =	sshrl.u32 s26, $0x2;
	[dreg:$0x13] =	wrdreg s21;
	s24 =	sadd.s32 s9, s3  }
0x29: {  	s15 =	sadd.s32 s12, s3;
	s22 =	sadd.s32 $0x65E00, s11;
	[dreg:$0x16] =	wrdreg s6  }
0x2a: {  	s12 =	sadd.s32 s14, s3;
	s14 =	sadd.s32 s18, s3;
	[dreg:$0x1e] =	wrdreg s22  }
0x2b: {  	s0 =	simm.s32 $0x800;
	s9 =	simm.s32 $0x80;
	[dreg:$0x14] =	wrdreg s24  }
0x2c: {  	s10 =	simm.s32 $0x2800;
	s11 =	simm.s32 $0x2;
	[dreg:$0x15] =	wrdreg s15  }
.Ltmp0:
0x2d: {  	s18 =	simm.s32 $0x600;
	[dreg:$0x18] =	wrdreg s12;
	(pc) =	sbr.rel .LBB2_1-.Ltmp0, $4  }
0x2e: {  	s21 =	simm.s32 $0x380;
	s25 =	sadd.s32 $0x12000, s2;
	[dreg:$0x1c] =	wrdreg s14  }
0x2f: {  	s26 =	sadd.s32 s20, s3;
	s2 =	simm.s32 $0x3;
	[smem:$0x7FC] =	sst s25  }
0x30: {  	s6 =	simm.s32 $0x400;
	s25 =	simm.s32 $0x0;
	[dreg:$0x1a] =	wrdreg s26  }
0x31: {  	v0 =	vimm.f32 $1.000000000e+00;
	s20 =	simm.s32 $0x680;
	s22 =	simm.s32 $0x700;
	[smem:$0x7FD] =	sst s25  }
.LBB2_4:
0x32: {  	[bflag:$0x0] =	sbarrier.arrive $0xFFFF  }
0x33: {  	s26 =	rddreg [dreg:$0x1a]  }
0x34: {  	[tilespmem:s0], [sflag:$0x3] =	stream.linear.gather [spmem:s26], $0x2000, $0x38;
	[tilespmem:$0x1B000] =	vst v63  }
0x35: {  	_ =	swait.ge [sflag:s2], $0x2000  }
0x36: {  	[sflag:s2] =	ssyncset.done $0x0  }
0x37: {  	s25 =	rddreg [dreg:$0x7];
	[sflag:s2] =	ssyncadd.s32 $0xFFFFE000  }
0x38: {  	[hbm4b:s25+s4] =	stream.linear.scatter [tilespmem:s0], [sflag:$0x3], $0x2000, $0x38;
	[tilespmem:$0x1B000] =	vst v63  }
0x39: {  	_ =	swait.ge [sflag:s2], $0x2000  }
0x3a: {  	[sflag:s2] =	ssyncset.done $0x0  }
0x3b: {  	s12 =	rddreg [dreg:$0x13];
	[sflag:s2] =	ssyncadd.s32 $0xFFFFE000  }
0x3c: {  	[tilespmem:s0], [sflag:$0x3] =	stream.linear.gather [spmem:s12], $0x2000, $0x38;
	[tilespmem:$0x1B000] =	vst v63  }
0x3d: {  	_ =	swait.ge [sflag:s2], $0x2000  }
0x3e: {  	[sflag:s2] =	ssyncset.done $0x0  }
0x3f: {  	s12 =	rddreg [dreg:$0x8];
	[sflag:s2] =	ssyncadd.s32 $0xFFFFE000  }
0x40: {  	[hbm4b:s12+s4] =	stream.linear.scatter [tilespmem:s0], [sflag:$0x3], $0x2000, $0x38;
	[tilespmem:$0x1B000] =	vst v63  }
0x41: {  	_ =	swait.ge [sflag:s2], $0x2000  }
0x42: {  	[sflag:s2] =	ssyncset.done $0x0  }
0x43: {  	s24 =	rddreg [dreg:$0x14];
	[sflag:s2] =	ssyncadd.s32 $0xFFFFE000  }
0x44: {  	[tilespmem:s0], [sflag:$0x3] =	stream.linear.gather [spmem:s24], $0x2000, $0x38;
	[tilespmem:$0x1B000] =	vst v63  }
0x45: {  	_ =	swait.ge [sflag:s2], $0x2000  }
0x46: {  	[sflag:s2] =	ssyncset.done $0x0  }
0x47: {  	s13 =	rddreg [dreg:$0x9];
	[sflag:s2] =	ssyncadd.s32 $0xFFFFE000  }
0x48: {  	[hbm4b:s13+s4] =	stream.linear.scatter [tilespmem:s0], [sflag:$0x3], $0x2000, $0x38;
	[tilespmem:$0x1B000] =	vst v63  }
0x49: {  	_ =	swait.ge [sflag:s2], $0x2000  }
0x4a: {  	[sflag:s2] =	ssyncset.done $0x0  }
0x4b: {  	s15 =	rddreg [dreg:$0x15];
	[sflag:s2] =	ssyncadd.s32 $0xFFFFE000  }
0x4c: {  	[tilespmem:s0], [sflag:$0x3] =	stream.linear.gather [spmem:s15], $0x2000, $0x38;
	[tilespmem:$0x1B000] =	vst v63  }
0x4d: {  	_ =	swait.ge [sflag:s2], $0x2000  }
0x4e: {  	[sflag:s2] =	ssyncset.done $0x0  }
0x4f: {  	s14 =	rddreg [dreg:$0xa];
	[sflag:s2] =	ssyncadd.s32 $0xFFFFE000  }
0x50: {  	[hbm4b:s14+s4] =	stream.linear.scatter [tilespmem:s0], [sflag:$0x3], $0x2000, $0x38;
	[tilespmem:$0x1B000] =	vst v63  }
0x51: {  	_ =	swait.ge [sflag:s2], $0x2000  }
0x52: {  	[sflag:s2] =	ssyncset.done $0x0  }
0x53: {  	s31 =	rddreg [dreg:$0x17];
	[sflag:s2] =	ssyncadd.s32 $0xFFFFE000  }
0x54: {  	[tilespmem:s0], [sflag:$0x3] =	stream.linear.gather [spmem:s31], $0x2000, $0x38;
	[tilespmem:$0x1B000] =	vst v63  }
0x55: {  	_ =	swait.ge [sflag:s2], $0x2000  }
0x56: {  	[sflag:s2] =	ssyncset.done $0x0  }
0x57: {  	s16 =	rddreg [dreg:$0xb];
	[sflag:s2] =	ssyncadd.s32 $0xFFFFE000  }
0x58: {  	[hbm4b:s16+s4] =	stream.linear.scatter [tilespmem:s0], [sflag:$0x3], $0x2000, $0x38;
	[tilespmem:$0x1B000] =	vst v63  }
0x59: {  	_ =	swait.ge [sflag:s2], $0x2000  }
0x5a: {  	[sflag:s2] =	ssyncset.done $0x0  }
0x5b: {  	s12 =	rddreg [dreg:$0x18];
	[sflag:s2] =	ssyncadd.s32 $0xFFFFE000  }
0x5c: {  	[tilespmem:s0], [sflag:$0x3] =	stream.linear.gather [spmem:s12], $0x2000, $0x38;
	[tilespmem:$0x1B000] =	vst v63  }
0x5d: {  	_ =	swait.ge [sflag:s2], $0x2000  }
0x5e: {  	[sflag:s2] =	ssyncset.done $0x0  }
0x5f: {  	s17 =	rddreg [dreg:$0xc];
	[sflag:s2] =	ssyncadd.s32 $0xFFFFE000  }
0x60: {  	[hbm4b:s17+s4] =	stream.linear.scatter [tilespmem:s0], [sflag:$0x3], $0x2000, $0x38;
	[tilespmem:$0x1B000] =	vst v63  }
0x61: {  	_ =	swait.ge [sflag:s2], $0x2000  }
0x62: {  	[sflag:s2] =	ssyncset.done $0x0  }
0x63: {  	s28 =	rddreg [dreg:$0x19];
	[sflag:s2] =	ssyncadd.s32 $0xFFFFE000  }
0x64: {  	[tilespmem:s0], [sflag:$0x3] =	stream.linear.gather [spmem:s28], $0x2000, $0x38;
	[tilespmem:$0x1B000] =	vst v63  }
0x65: {  	_ =	swait.ge [sflag:s2], $0x2000  }
0x66: {  	[sflag:s2] =	ssyncset.done $0x0  }
0x67: {  	s13 =	rddreg [dreg:$0xd];
	[sflag:s2] =	ssyncadd.s32 $0xFFFFE000  }
0x68: {  	[hbm4b:s13+s4] =	stream.linear.scatter [tilespmem:s0], [sflag:$0x3], $0x2000, $0x38;
	[tilespmem:$0x1B000] =	vst v63  }
0x69: {  	_ =	swait.ge [sflag:s2], $0x2000  }
0x6a: {  	[sflag:s2] =	ssyncset.done $0x0  }
0x6b: {  	s13 =	rddreg [dreg:$0x1b];
	[sflag:s2] =	ssyncadd.s32 $0xFFFFE000  }
0x6c: {  	[tilespmem:s0], [sflag:$0x3] =	stream.linear.gather [spmem:s13], $0x2000, $0x38;
	[tilespmem:$0x1B000] =	vst v63  }
0x6d: {  	_ =	swait.ge [sflag:s2], $0x2000  }
0x6e: {  	[sflag:s2] =	ssyncset.done $0x0  }
0x6f: {  	s14 =	rddreg [dreg:$0xe];
	[sflag:s2] =	ssyncadd.s32 $0xFFFFE000  }
0x70: {  	[hbm4b:s14+s4] =	stream.linear.scatter [tilespmem:s0], [sflag:$0x3], $0x2000, $0x38;
	[tilespmem:$0x1B000] =	vst v63  }
0x71: {  	_ =	swait.ge [sflag:s2], $0x2000  }
0x72: {  	[sflag:s2] =	ssyncset.done $0x0  }
0x73: {  	s14 =	rddreg [dreg:$0x1c];
	[sflag:s2] =	ssyncadd.s32 $0xFFFFE000  }
0x74: {  	[tilespmem:s0], [sflag:$0x3] =	stream.linear.gather [spmem:s14], $0x2000, $0x38;
	[tilespmem:$0x1B000] =	vst v63  }
0x75: {  	_ =	swait.ge [sflag:s2], $0x2000  }
0x76: {  	[sflag:s2] =	ssyncset.done $0x0  }
0x77: {  	s16 =	rddreg [dreg:$0xf];
	[sflag:s2] =	ssyncadd.s32 $0xFFFFE000  }
0x78: {  	[hbm4b:s16+s4] =	stream.linear.scatter [tilespmem:s0], [sflag:$0x3], $0x2000, $0x38;
	[tilespmem:$0x1B000] =	vst v63  }
0x79: {  	_ =	swait.ge [sflag:s2], $0x2000  }
0x7a: {  	[sflag:s2] =	ssyncset.done $0x0  }
0x7b: {  	s16 =	rddreg [dreg:$0x1d];
	[sflag:s2] =	ssyncadd.s32 $0xFFFFE000  }
0x7c: {  	[tilespmem:s0], [sflag:$0x3] =	stream.linear.gather [spmem:s16], $0x2000, $0x38;
	[tilespmem:$0x1B000] =	vst v63  }
0x7d: {  	_ =	swait.ge [sflag:s2], $0x2000  }
0x7e: {  	[sflag:s2] =	ssyncset.done $0x0  }
0x7f: {  	s17 =	rddreg [dreg:$0x10];
	[sflag:s2] =	ssyncadd.s32 $0xFFFFE000  }
0x80: {  	[hbm4b:s17+s4] =	stream.linear.scatter [tilespmem:s0], [sflag:$0x3], $0x2000, $0x38;
	[tilespmem:$0x1B000] =	vst v63  }
0x81: {  	_ =	swait.ge [sflag:s2], $0x2000  }
0x82: {  	[sflag:s2] =	ssyncset.done $0x0  }
0x83: {  	s17 =	rddreg [dreg:$0x1e];
	[sflag:s2] =	ssyncadd.s32 $0xFFFFE000  }
0x84: {  	[hbm4b:s17+s9] =	stream.strided.scatter [tilespmem:s5], [sflag:$0x3], $0x2800, s6, s9, $0x38;
	[tilespmem:$0x1B000] =	vst v63  }
0x85: {  	_ =	swait.ge [sflag:s2], $0x2800  }
0x86: {  	s17 =	sld [smem:$0x7FD];
	_ =	sdelay $0x2  }
0x87: {  	s25 =	rddreg [dreg:$0x1f];
	s17 =	sadd.s32 $0x1, s17  }
0x88: {  	p1 =	sne.s32 s17, s25  }
.Ltmp1:
0x89: {  	_ = 	snop;
	(pc) =	sbr.rel @!p1 .LBB2_5-.Ltmp1, $3  }
0x8a: {  	_ =	sdelay $0x1  }
0x8b: {  	[sflag:s2] =	ssyncset.done $0x0  }
0x8c: {  	[sflag:s2] =	ssyncadd.s32 $0xFFFFD800;
	[smem:$0x7FD] =	sst s17;
	s17 =	simm.s32 $0x200  }
.LBB2_1:
0x8d: {  	s25 =	rddreg [dreg:$0x11]  }
0x8e: {  	[tilespmem:s0], [sflag:$0x3] =	stream.linear.gather [hbm4b:s25+s4], $0x2000, $0x38;
	[tilespmem:$0x1B000] =	vst v63  }
0x8f: {  	_ =	swait.ge [sflag:s2], $0x2000  }
0x90: {  	[sflag:s2] =	ssyncset.done $0x0  }
0x91: {  	s25 =	rddreg [dreg:$0x12];
	[sflag:s2] =	ssyncadd.s32 $0xFFFFE000  }
0x92: {  	[tilespmem:s5], [sflag:$0x3] =	stream.linear.gather [hbm4b:s25+s4], $0x2800, $0x38;
	[tilespmem:$0x1B000] =	vst v63  }
0x93: {  	_ =	swait.ge [sflag:s2], $0x2800  }
0x94: {  	[sflag:s2] =	ssyncset.done $0x0  }
0x95: {  	[sflag:s2] =	ssyncadd.s32 $0xFFFFD800  }
0x96: {  	[spmem:s26] =	stream.linear.scatter [tilespmem:s0], [sflag:$0x3], $0x2000, $0x38;
	[tilespmem:$0x1B000] =	vst v63  }
0x97: {  	s25 =	rddreg [dreg:$0x13];
	_ =	swait.ge [sflag:s2], $0x2000  }
0x98: {  	[sflag:s2] =	ssyncset.done $0x0  }
0x99: {  	[sflag:s2] =	ssyncadd.s32 $0xFFFFE000  }
0x9a: {  	[spmem:s25] =	stream.linear.scatter [tilespmem:s0], [sflag:$0x3], $0x2000, $0x38;
	[tilespmem:$0x1B000] =	vst v63  }
0x9b: {  	_ =	swait.ge [sflag:s2], $0x2000  }
0x9c: {  	[sflag:s2] =	ssyncset.done $0x0  }
0x9d: {  	[sflag:s2] =	ssyncadd.s32 $0xFFFFE000  }
0x9e: {  	[spmem:s24] =	stream.linear.scatter [tilespmem:s0], [sflag:$0x3], $0x2000, $0x38;
	[tilespmem:$0x1B000] =	vst v63  }
0x9f: {  	_ =	swait.ge [sflag:s2], $0x2000  }
0xa0: {  	[sflag:s2] =	ssyncset.done $0x0  }
0xa1: {  	[sflag:s2] =	ssyncadd.s32 $0xFFFFE000  }
0xa2: {  	[spmem:s15] =	stream.linear.scatter [tilespmem:s0], [sflag:$0x3], $0x2000, $0x38;
	[tilespmem:$0x1B000] =	vst v63  }
0xa3: {  	_ =	swait.ge [sflag:s2], $0x2000  }
0xa4: {  	[sflag:s2] =	ssyncset.done $0x0  }
0xa5: {  	[sflag:s2] =	ssyncadd.s32 $0xFFFFE000  }
0xa6: {  	[spmem:s31] =	stream.linear.scatter [tilespmem:s0], [sflag:$0x3], $0x2000, $0x38;
	[tilespmem:$0x1B000] =	vst v63  }
0xa7: {  	_ =	swait.ge [sflag:s2], $0x2000  }
0xa8: {  	[sflag:s2] =	ssyncset.done $0x0  }
0xa9: {  	[sflag:s2] =	ssyncadd.s32 $0xFFFFE000  }
0xaa: {  	[spmem:s12] =	stream.linear.scatter [tilespmem:s0], [sflag:$0x3], $0x2000, $0x38;
	[tilespmem:$0x1B000] =	vst v63  }
0xab: {  	_ =	swait.ge [sflag:s2], $0x2000  }
0xac: {  	[sflag:s2] =	ssyncset.done $0x0  }
0xad: {  	[sflag:s2] =	ssyncadd.s32 $0xFFFFE000  }
0xae: {  	[spmem:s28] =	stream.linear.scatter [tilespmem:s0], [sflag:$0x3], $0x2000, $0x38;
	[tilespmem:$0x1B000] =	vst v63  }
0xaf: {  	_ =	swait.ge [sflag:s2], $0x2000  }
0xb0: {  	[sflag:s2] =	ssyncset.done $0x0  }
0xb1: {  	[sflag:s2] =	ssyncadd.s32 $0xFFFFE000  }
0xb2: {  	[spmem:s13] =	stream.linear.scatter [tilespmem:s0], [sflag:$0x3], $0x2000, $0x38;
	[tilespmem:$0x1B000] =	vst v63  }
0xb3: {  	_ =	swait.ge [sflag:s2], $0x2000  }
0xb4: {  	[sflag:s2] =	ssyncset.done $0x0  }
0xb5: {  	[sflag:s2] =	ssyncadd.s32 $0xFFFFE000  }
0xb6: {  	[spmem:s14] =	stream.linear.scatter [tilespmem:s0], [sflag:$0x3], $0x2000, $0x38;
	[tilespmem:$0x1B000] =	vst v63  }
0xb7: {  	_ =	swait.ge [sflag:s2], $0x2000  }
0xb8: {  	[sflag:s2] =	ssyncset.done $0x0  }
0xb9: {  	[sflag:s2] =	ssyncadd.s32 $0xFFFFE000  }
0xba: {  	[spmem:s16] =	stream.linear.scatter [tilespmem:s0], [sflag:$0x3], $0x2000, $0x38;
	[tilespmem:$0x1B000] =	vst v63  }
0xbb: {  	_ =	swait.ge [sflag:s2], $0x2000  }
0xbc: {  	[sflag:s2] =	ssyncset.done $0x0  }
.Ltmp2:
0xbd: {  	[sflag:s2] =	ssyncadd.s32 $0xFFFFE000;
	(pc) =	sbr.rel @!p0 .LBB2_2-.Ltmp2, $4  }
0xbe: {  	[bflag:$0x0] =	sbarrier.arrive $0xFFFF  }
0xbf: {  	s26 =	simm.s32 $0x0;
	s12 =	sld [smem:$0x7FC]  }
0xc0: {  	s25 =	simm.s32 $0x0;
	s24 =	simm.s32 $0x500;
	s13 =	simm.s32 $0x100  }
0xc1: {  	s14 =	simm.s32 $0x480;
	s16 =	simm.s32 $0x180;
	s15 =	rddreg [dreg:$0x16]  }
.LBB2_3:
0xc2: {  	s25 =	sadd.s32 s26, s12  }
0xc3: {  	[tilespmem:s4], [sflag:$0x3] =	stream.linear.gather [hbm4b:s25+s4], $0x400, $0x38;
	[tilespmem:$0x1B000] =	vst v63  }
0xc4: {  	_ =	swait.ge [sflag:s2], $0x400  }
0xc5: {  	s31 =	rddreg [dreg:$0x6];
	[sflag:s2] =	ssyncset.done $0x0  }
0xc6: {  	[sflag:s2] =	ssyncadd.s32 $0xFFFFFC00;
	s25 =	sadd.s32 s26, s31  }
0xc7: {  	[tilespmem:s6], [sflag:$0x3] =	stream.linear.gather [hbm4b:s25+s4], $0x400, $0x38;
	[tilespmem:$0x1B000] =	vst v63  }
0xc8: {  	_ =	swait.ge [sflag:s2], $0x400  }
0xc9: {  	[sflag:s2] =	ssyncset.done $0x0  }
0xca: {  	[sflag:s2] =	ssyncadd.s32 $0xFFFFFC00  }
0xcb: {  	[tilespmem:s0], [sflag:$0x1] =	stream.indirect.gather [hbm4b:s1+s7], $0x80, s4, s7, $0xb8;
	[tilespmem:$0x1B000] =	vst v63  }
0xcc: {  	_ =	swait.ge [sflag:s8], $0x2000  }
0xcd: {  	[sflag:s8] =	ssyncset.done $0x0  }
0xce: {  	[sflag:s8] =	ssyncadd.s32 $0xFFFFE000  }
0xcf: {  	[tilespmem:s10], [sflag:$0x2] =	stream.indirect.gather [hbm4b:s1+s7], $0x80, s9, s7, $0xb8;
	[tilespmem:$0x1B000] =	vst v63  }
0xd0: {  	_ = 	snop  }
0xd1: {  	[spmem:s3] =	stream.indirect.scatter.add.f32 [tilespmem:s0], [sflag:$0x3], $0x80, s6, s7, $0xb8;
	[tilespmem:$0x1B000] =	vst v63  }
0xd2: {  	_ =	swait.ge [sflag:s2], $0x2000  }
0xd3: {  	[sflag:s2] =	ssyncset.done $0x0  }
0xd4: {  	[sflag:s2] =	ssyncadd.s32 $0xFFFFE000  }
0xd5: {  	v1 =	vld [tilespmem:$0x400];
	_ =	sdelay $0x7  }
0xd6: {  	[tilespmem:v1+s5+$0x0] =	vst.idx.add.f32.msk $0xffff, v0  }
0xd7: {  	v1 =	vld [tilespmem:$0x410];
	_ =	sdelay $0x7  }
0xd8: {  	[tilespmem:v1+s5+$0x0] =	vst.idx.add.f32.msk $0xffff, v0  }
0xd9: {  	v1 =	vld [tilespmem:$0x420];
	_ =	sdelay $0x7  }
0xda: {  	[tilespmem:v1+s5+$0x0] =	vst.idx.add.f32.msk $0xffff, v0  }
0xdb: {  	v1 =	vld [tilespmem:$0x430];
	_ =	sdelay $0x7  }
0xdc: {  	[tilespmem:v1+s5+$0x0] =	vst.idx.add.f32.msk $0xffff, v0  }
0xdd: {  	_ =	swait.ge [sflag:s11], $0x2000  }
0xde: {  	[sflag:s11] =	ssyncset.done $0x0  }
0xdf: {  	[sflag:s11] =	ssyncadd.s32 $0xFFFFE000  }
0xe0: {  	[tilespmem:s0], [sflag:$0x1] =	stream.indirect.gather [hbm4b:s1+s7], $0x80, s13, s7, $0xb8;
	[tilespmem:$0x1B000] =	vst v63  }
0xe1: {  	_ = 	snop  }
0xe2: {  	[spmem:s3] =	stream.indirect.scatter.add.f32 [tilespmem:s10], [sflag:$0x3], $0x80, s14, s7, $0xb8;
	[tilespmem:$0x1B000] =	vst v63  }
0xe3: {  	_ =	swait.ge [sflag:s2], $0x2000  }
0xe4: {  	[sflag:s2] =	ssyncset.done $0x0  }
0xe5: {  	[sflag:s2] =	ssyncadd.s32 $0xFFFFE000  }
0xe6: {  	v1 =	vld [tilespmem:$0x480];
	_ =	sdelay $0x7  }
0xe7: {  	[tilespmem:v1+s5+$0x0] =	vst.idx.add.f32.msk $0xffff, v0  }
0xe8: {  	v1 =	vld [tilespmem:$0x490];
	_ =	sdelay $0x7  }
0xe9: {  	[tilespmem:v1+s5+$0x0] =	vst.idx.add.f32.msk $0xffff, v0  }
0xea: {  	v1 =	vld [tilespmem:$0x4A0];
	_ =	sdelay $0x7  }
0xeb: {  	[tilespmem:v1+s5+$0x0] =	vst.idx.add.f32.msk $0xffff, v0  }
0xec: {  	v1 =	vld [tilespmem:$0x4B0];
	_ =	sdelay $0x7  }
0xed: {  	[tilespmem:v1+s5+$0x0] =	vst.idx.add.f32.msk $0xffff, v0  }
0xee: {  	_ =	swait.ge [sflag:s8], $0x2000  }
0xef: {  	[sflag:s8] =	ssyncset.done $0x0  }
0xf0: {  	[sflag:s8] =	ssyncadd.s32 $0xFFFFE000  }
0xf1: {  	[tilespmem:s10], [sflag:$0x2] =	stream.indirect.gather [hbm4b:s1+s7], $0x80, s16, s7, $0xb8;
	[tilespmem:$0x1B000] =	vst v63  }
0xf2: {  	_ = 	snop  }
0xf3: {  	[spmem:s3] =	stream.indirect.scatter.add.f32 [tilespmem:s0], [sflag:$0x3], $0x80, s24, s7, $0xb8;
	[tilespmem:$0x1B000] =	vst v63  }
0xf4: {  	_ =	swait.ge [sflag:s2], $0x2000  }
0xf5: {  	[sflag:s2] =	ssyncset.done $0x0  }
0xf6: {  	[sflag:s2] =	ssyncadd.s32 $0xFFFFE000  }
0xf7: {  	v1 =	vld [tilespmem:$0x500];
	_ =	sdelay $0x7  }
0xf8: {  	[tilespmem:v1+s5+$0x0] =	vst.idx.add.f32.msk $0xffff, v0  }
0xf9: {  	v1 =	vld [tilespmem:$0x510];
	_ =	sdelay $0x7  }
0xfa: {  	[tilespmem:v1+s5+$0x0] =	vst.idx.add.f32.msk $0xffff, v0  }
0xfb: {  	v1 =	vld [tilespmem:$0x520];
	_ =	sdelay $0x7  }
0xfc: {  	[tilespmem:v1+s5+$0x0] =	vst.idx.add.f32.msk $0xffff, v0  }
0xfd: {  	v1 =	vld [tilespmem:$0x530];
	_ =	sdelay $0x7  }
0xfe: {  	[tilespmem:v1+s5+$0x0] =	vst.idx.add.f32.msk $0xffff, v0  }
0xff: {  	_ =	swait.ge [sflag:s11], $0x2000  }
0x100: {  	[sflag:s11] =	ssyncset.done $0x0  }
0x101: {  	[sflag:s11] =	ssyncadd.s32 $0xFFFFE000  }
0x102: {  	[tilespmem:s0], [sflag:$0x1] =	stream.indirect.gather [hbm4b:s1+s7], $0x80, s17, s7, $0xb8;
	[tilespmem:$0x1B000] =	vst v63  }
0x103: {  	_ = 	snop  }
0x104: {  	[spmem:s3] =	stream.indirect.scatter.add.f32 [tilespmem:s10], [sflag:$0x3], $0x80, s29, s7, $0xb8;
	[tilespmem:$0x1B000] =	vst v63  }
0x105: {  	_ =	swait.ge [sflag:s2], $0x2000  }
0x106: {  	[sflag:s2] =	ssyncset.done $0x0  }
0x107: {  	[sflag:s2] =	ssyncadd.s32 $0xFFFFE000  }
0x108: {  	v1 =	vld [tilespmem:$0x580];
	_ =	sdelay $0x7  }
0x109: {  	[tilespmem:v1+s5+$0x0] =	vst.idx.add.f32.msk $0xffff, v0  }
0x10a: {  	v1 =	vld [tilespmem:$0x590];
	_ =	sdelay $0x7  }
0x10b: {  	[tilespmem:v1+s5+$0x0] =	vst.idx.add.f32.msk $0xffff, v0  }
0x10c: {  	v1 =	vld [tilespmem:$0x5A0];
	_ =	sdelay $0x7  }
0x10d: {  	[tilespmem:v1+s5+$0x0] =	vst.idx.add.f32.msk $0xffff, v0  }
0x10e: {  	v1 =	vld [tilespmem:$0x5B0];
	_ =	sdelay $0x7  }
0x10f: {  	[tilespmem:v1+s5+$0x0] =	vst.idx.add.f32.msk $0xffff, v0  }
0x110: {  	_ =	swait.ge [sflag:s8], $0x2000  }
0x111: {  	[sflag:s8] =	ssyncset.done $0x0  }
0x112: {  	[sflag:s8] =	ssyncadd.s32 $0xFFFFE000  }
0x113: {  	[tilespmem:s10], [sflag:$0x2] =	stream.indirect.gather [hbm4b:s1+s7], $0x80, s30, s7, $0xb8;
	[tilespmem:$0x1B000] =	vst v63  }
0x114: {  	_ = 	snop  }
0x115: {  	[spmem:s3] =	stream.indirect.scatter.add.f32 [tilespmem:s0], [sflag:$0x3], $0x80, s18, s7, $0xb8;
	[tilespmem:$0x1B000] =	vst v63  }
0x116: {  	_ =	swait.ge [sflag:s2], $0x2000  }
0x117: {  	[sflag:s2] =	ssyncset.done $0x0  }
0x118: {  	[sflag:s2] =	ssyncadd.s32 $0xFFFFE000  }
0x119: {  	v1 =	vld [tilespmem:$0x600];
	_ =	sdelay $0x7  }
0x11a: {  	[tilespmem:v1+s5+$0x0] =	vst.idx.add.f32.msk $0xffff, v0  }
0x11b: {  	v1 =	vld [tilespmem:$0x610];
	_ =	sdelay $0x7  }
0x11c: {  	[tilespmem:v1+s5+$0x0] =	vst.idx.add.f32.msk $0xffff, v0  }
0x11d: {  	v1 =	vld [tilespmem:$0x620];
	_ =	sdelay $0x7  }
0x11e: {  	[tilespmem:v1+s5+$0x0] =	vst.idx.add.f32.msk $0xffff, v0  }
0x11f: {  	v1 =	vld [tilespmem:$0x630];
	_ =	sdelay $0x7  }
0x120: {  	[tilespmem:v1+s5+$0x0] =	vst.idx.add.f32.msk $0xffff, v0  }
0x121: {  	_ =	swait.ge [sflag:s11], $0x2000  }
0x122: {  	[sflag:s11] =	ssyncset.done $0x0  }
0x123: {  	[sflag:s11] =	ssyncadd.s32 $0xFFFFE000  }
0x124: {  	[tilespmem:s0], [sflag:$0x1] =	stream.indirect.gather [hbm4b:s1+s7], $0x80, s19, s7, $0xb8;
	[tilespmem:$0x1B000] =	vst v63  }
0x125: {  	_ = 	snop  }
0x126: {  	[spmem:s3] =	stream.indirect.scatter.add.f32 [tilespmem:s10], [sflag:$0x3], $0x80, s20, s7, $0xb8;
	[tilespmem:$0x1B000] =	vst v63  }
0x127: {  	_ =	swait.ge [sflag:s2], $0x2000  }
0x128: {  	[sflag:s2] =	ssyncset.done $0x0  }
0x129: {  	[sflag:s2] =	ssyncadd.s32 $0xFFFFE000  }
0x12a: {  	v1 =	vld [tilespmem:$0x680];
	_ =	sdelay $0x7  }
0x12b: {  	[tilespmem:v1+s5+$0x0] =	vst.idx.add.f32.msk $0xffff, v0  }
0x12c: {  	v1 =	vld [tilespmem:$0x690];
	_ =	sdelay $0x7  }
0x12d: {  	[tilespmem:v1+s5+$0x0] =	vst.idx.add.f32.msk $0xffff, v0  }
0x12e: {  	v1 =	vld [tilespmem:$0x6A0];
	_ =	sdelay $0x7  }
0x12f: {  	[tilespmem:v1+s5+$0x0] =	vst.idx.add.f32.msk $0xffff, v0  }
0x130: {  	v1 =	vld [tilespmem:$0x6B0];
	_ =	sdelay $0x7  }
0x131: {  	[tilespmem:v1+s5+$0x0] =	vst.idx.add.f32.msk $0xffff, v0  }
0x132: {  	_ =	swait.ge [sflag:s8], $0x2000  }
0x133: {  	[sflag:s8] =	ssyncset.done $0x0  }
0x134: {  	[sflag:s8] =	ssyncadd.s32 $0xFFFFE000  }
0x135: {  	[tilespmem:s10], [sflag:$0x2] =	stream.indirect.gather [hbm4b:s1+s7], $0x80, s21, s7, $0xb8;
	[tilespmem:$0x1B000] =	vst v63  }
0x136: {  	_ = 	snop  }
0x137: {  	[spmem:s3] =	stream.indirect.scatter.add.f32 [tilespmem:s0], [sflag:$0x3], $0x80, s22, s7, $0xb8;
	[tilespmem:$0x1B000] =	vst v63  }
0x138: {  	_ =	swait.ge [sflag:s2], $0x2000  }
0x139: {  	[sflag:s2] =	ssyncset.done $0x0  }
0x13a: {  	[sflag:s2] =	ssyncadd.s32 $0xFFFFE000  }
0x13b: {  	v1 =	vld [tilespmem:$0x700];
	_ =	sdelay $0x7  }
0x13c: {  	[tilespmem:v1+s5+$0x0] =	vst.idx.add.f32.msk $0xffff, v0  }
0x13d: {  	v1 =	vld [tilespmem:$0x710];
	_ =	sdelay $0x7  }
0x13e: {  	[tilespmem:v1+s5+$0x0] =	vst.idx.add.f32.msk $0xffff, v0  }
0x13f: {  	v1 =	vld [tilespmem:$0x720];
	_ =	sdelay $0x7  }
0x140: {  	[tilespmem:v1+s5+$0x0] =	vst.idx.add.f32.msk $0xffff, v0  }
0x141: {  	v1 =	vld [tilespmem:$0x730];
	_ =	sdelay $0x7  }
0x142: {  	[tilespmem:v1+s5+$0x0] =	vst.idx.add.f32.msk $0xffff, v0  }
0x143: {  	_ =	swait.ge [sflag:s11], $0x2000  }
0x144: {  	[sflag:s11] =	ssyncset.done $0x0  }
0x145: {  	[sflag:s11] =	ssyncadd.s32 $0xFFFFE000  }
0x146: {  	[spmem:s3] =	stream.indirect.scatter.add.f32 [tilespmem:s10], [sflag:$0x3], $0x80, s23, s7, $0xb8;
	[tilespmem:$0x1B000] =	vst v63  }
0x147: {  	_ =	swait.ge [sflag:s2], $0x2000  }
0x148: {  	[sflag:s2] =	ssyncset.done $0x0  }
0x149: {  	[sflag:s2] =	ssyncadd.s32 $0xFFFFE000  }
0x14a: {  	v1 =	vld [tilespmem:$0x780];
	_ =	sdelay $0x7  }
0x14b: {  	[tilespmem:v1+s5+$0x0] =	vst.idx.add.f32.msk $0xffff, v0  }
0x14c: {  	v1 =	vld [tilespmem:$0x790];
	_ =	sdelay $0x7  }
0x14d: {  	[tilespmem:v1+s5+$0x0] =	vst.idx.add.f32.msk $0xffff, v0  }
0x14e: {  	v1 =	vld [tilespmem:$0x7A0];
	_ =	sdelay $0x7  }
0x14f: {  	[tilespmem:v1+s5+$0x0] =	vst.idx.add.f32.msk $0xffff, v0  }
0x150: {  	v1 =	vld [tilespmem:$0x7B0];
	_ =	sdelay $0x2  }
0x151: {  	p1 =	sne.s32 s26, $0x180  }
.Ltmp3:
0x152: {  	_ = 	snop;
	(pc) =	sbr.rel @p1 .LBB2_3-.Ltmp3, $2  }
0x153: {  	_ =	sdelay $0x2  }
0x154: {  	s26 =	sadd.s32 $0x80, s26;
	[tilespmem:v1+s5+$0x0] =	vst.idx.add.f32.msk $0xffff, v0  }
.Ltmp4:
0x155: {  	_ = 	snop;
	(pc) =	sbr.rel .LBB2_4-.Ltmp4, $1  }
0x156: {  	_ =	sdelay $0x3  }
.LBB2_2:
0x157: {  	s26 =	sadd.s32 s25, s15  }
0x158: {  	[tilespmem:s4], [sflag:$0x3] =	stream.linear.gather [hbm4b:s26+s4], $0x400, $0x38;
	[tilespmem:$0x1B000] =	vst v63  }
0x159: {  	_ =	swait.ge [sflag:s2], $0x400  }
0x15a: {  	s31 =	rddreg [dreg:$0x5];
	[sflag:s2] =	ssyncset.done $0x0  }
0x15b: {  	[sflag:s2] =	ssyncadd.s32 $0xFFFFFC00;
	s26 =	sadd.s32 s25, s31  }
0x15c: {  	[tilespmem:s6], [sflag:$0x3] =	stream.linear.gather [hbm4b:s26+s4], $0x400, $0x38;
	[tilespmem:$0x1B000] =	vst v63  }
0x15d: {  	_ =	swait.ge [sflag:s2], $0x400  }
0x15e: {  	[sflag:s2] =	ssyncset.done $0x0  }
0x15f: {  	[sflag:s2] =	ssyncadd.s32 $0xFFFFFC00  }
0x160: {  	[tilespmem:s0], [sflag:$0x1] =	stream.indirect.gather [hbm4b:s1+s7], $0x80, s4, s7, $0xb8;
	[tilespmem:$0x1B000] =	vst v63  }
0x161: {  	_ =	swait.ge [sflag:s8], $0x2000  }
0x162: {  	[sflag:s8] =	ssyncset.done $0x0  }
0x163: {  	[sflag:s8] =	ssyncadd.s32 $0xFFFFE000  }
0x164: {  	[tilespmem:s10], [sflag:$0x2] =	stream.indirect.gather [hbm4b:s1+s7], $0x80, s9, s7, $0xb8;
	[tilespmem:$0x1B000] =	vst v63  }
0x165: {  	_ = 	snop  }
0x166: {  	[spmem:s3] =	stream.indirect.scatter.add.f32 [tilespmem:s0], [sflag:$0x3], $0x80, s6, s7, $0xb8;
	[tilespmem:$0x1B000] =	vst v63  }
0x167: {  	_ =	swait.ge [sflag:s2], $0x2000  }
0x168: {  	[sflag:s2] =	ssyncset.done $0x0  }
0x169: {  	[sflag:s2] =	ssyncadd.s32 $0xFFFFE000  }
0x16a: {  	v1 =	vld [tilespmem:$0x400];
	_ =	sdelay $0x7  }
0x16b: {  	[tilespmem:v1+s5+$0x0] =	vst.idx.add.f32.msk $0xffff, v0  }
0x16c: {  	v1 =	vld [tilespmem:$0x410];
	_ =	sdelay $0x7  }
0x16d: {  	[tilespmem:v1+s5+$0x0] =	vst.idx.add.f32.msk $0xffff, v0  }
0x16e: {  	v1 =	vld [tilespmem:$0x420];
	_ =	sdelay $0x7  }
0x16f: {  	[tilespmem:v1+s5+$0x0] =	vst.idx.add.f32.msk $0xffff, v0  }
0x170: {  	v1 =	vld [tilespmem:$0x430];
	_ =	sdelay $0x7  }
0x171: {  	[tilespmem:v1+s5+$0x0] =	vst.idx.add.f32.msk $0xffff, v0  }
0x172: {  	_ =	swait.ge [sflag:s11], $0x2000  }
0x173: {  	[sflag:s11] =	ssyncset.done $0x0  }
0x174: {  	[sflag:s11] =	ssyncadd.s32 $0xFFFFE000  }
0x175: {  	[tilespmem:s0], [sflag:$0x1] =	stream.indirect.gather [hbm4b:s1+s7], $0x80, s13, s7, $0xb8;
	[tilespmem:$0x1B000] =	vst v63  }
0x176: {  	_ = 	snop  }
0x177: {  	[spmem:s3] =	stream.indirect.scatter.add.f32 [tilespmem:s10], [sflag:$0x3], $0x80, s14, s7, $0xb8;
	[tilespmem:$0x1B000] =	vst v63  }
0x178: {  	_ =	swait.ge [sflag:s2], $0x2000  }
0x179: {  	[sflag:s2] =	ssyncset.done $0x0  }
0x17a: {  	[sflag:s2] =	ssyncadd.s32 $0xFFFFE000  }
0x17b: {  	v1 =	vld [tilespmem:$0x480];
	_ =	sdelay $0x7  }
0x17c: {  	[tilespmem:v1+s5+$0x0] =	vst.idx.add.f32.msk $0xffff, v0  }
0x17d: {  	v1 =	vld [tilespmem:$0x490];
	_ =	sdelay $0x7  }
0x17e: {  	[tilespmem:v1+s5+$0x0] =	vst.idx.add.f32.msk $0xffff, v0  }
0x17f: {  	v1 =	vld [tilespmem:$0x4A0];
	_ =	sdelay $0x7  }
0x180: {  	[tilespmem:v1+s5+$0x0] =	vst.idx.add.f32.msk $0xffff, v0  }
0x181: {  	v1 =	vld [tilespmem:$0x4B0];
	_ =	sdelay $0x7  }
0x182: {  	[tilespmem:v1+s5+$0x0] =	vst.idx.add.f32.msk $0xffff, v0  }
0x183: {  	_ =	swait.ge [sflag:s8], $0x2000  }
0x184: {  	[sflag:s8] =	ssyncset.done $0x0  }
0x185: {  	[sflag:s8] =	ssyncadd.s32 $0xFFFFE000  }
0x186: {  	[tilespmem:s10], [sflag:$0x2] =	stream.indirect.gather [hbm4b:s1+s7], $0x80, s16, s7, $0xb8;
	[tilespmem:$0x1B000] =	vst v63  }
0x187: {  	_ = 	snop  }
0x188: {  	[spmem:s3] =	stream.indirect.scatter.add.f32 [tilespmem:s0], [sflag:$0x3], $0x80, s24, s7, $0xb8;
	[tilespmem:$0x1B000] =	vst v63  }
0x189: {  	_ =	swait.ge [sflag:s2], $0x2000  }
0x18a: {  	[sflag:s2] =	ssyncset.done $0x0  }
0x18b: {  	[sflag:s2] =	ssyncadd.s32 $0xFFFFE000  }
0x18c: {  	v1 =	vld [tilespmem:$0x500];
	_ =	sdelay $0x7  }
0x18d: {  	[tilespmem:v1+s5+$0x0] =	vst.idx.add.f32.msk $0xffff, v0  }
0x18e: {  	v1 =	vld [tilespmem:$0x510];
	_ =	sdelay $0x7  }
0x18f: {  	[tilespmem:v1+s5+$0x0] =	vst.idx.add.f32.msk $0xffff, v0  }
0x190: {  	v1 =	vld [tilespmem:$0x520];
	_ =	sdelay $0x7  }
0x191: {  	[tilespmem:v1+s5+$0x0] =	vst.idx.add.f32.msk $0xffff, v0  }
0x192: {  	v1 =	vld [tilespmem:$0x530];
	_ =	sdelay $0x7  }
0x193: {  	[tilespmem:v1+s5+$0x0] =	vst.idx.add.f32.msk $0xffff, v0  }
0x194: {  	_ =	swait.ge [sflag:s11], $0x2000  }
0x195: {  	[sflag:s11] =	ssyncset.done $0x0  }
0x196: {  	[sflag:s11] =	ssyncadd.s32 $0xFFFFE000  }
0x197: {  	[tilespmem:s0], [sflag:$0x1] =	stream.indirect.gather [hbm4b:s1+s7], $0x80, s17, s7, $0xb8;
	[tilespmem:$0x1B000] =	vst v63  }
0x198: {  	_ = 	snop  }
0x199: {  	[spmem:s3] =	stream.indirect.scatter.add.f32 [tilespmem:s10], [sflag:$0x3], $0x80, s29, s7, $0xb8;
	[tilespmem:$0x1B000] =	vst v63  }
0x19a: {  	_ =	swait.ge [sflag:s2], $0x2000  }
0x19b: {  	[sflag:s2] =	ssyncset.done $0x0  }
0x19c: {  	[sflag:s2] =	ssyncadd.s32 $0xFFFFE000  }
0x19d: {  	v1 =	vld [tilespmem:$0x580];
	_ =	sdelay $0x7  }
0x19e: {  	[tilespmem:v1+s5+$0x0] =	vst.idx.add.f32.msk $0xffff, v0  }
0x19f: {  	v1 =	vld [tilespmem:$0x590];
	_ =	sdelay $0x7  }
0x1a0: {  	[tilespmem:v1+s5+$0x0] =	vst.idx.add.f32.msk $0xffff, v0  }
0x1a1: {  	v1 =	vld [tilespmem:$0x5A0];
	_ =	sdelay $0x7  }
0x1a2: {  	[tilespmem:v1+s5+$0x0] =	vst.idx.add.f32.msk $0xffff, v0  }
0x1a3: {  	v1 =	vld [tilespmem:$0x5B0];
	_ =	sdelay $0x7  }
0x1a4: {  	[tilespmem:v1+s5+$0x0] =	vst.idx.add.f32.msk $0xffff, v0  }
0x1a5: {  	_ =	swait.ge [sflag:s8], $0x2000  }
0x1a6: {  	[sflag:s8] =	ssyncset.done $0x0  }
0x1a7: {  	[sflag:s8] =	ssyncadd.s32 $0xFFFFE000  }
0x1a8: {  	[tilespmem:s10], [sflag:$0x2] =	stream.indirect.gather [hbm4b:s1+s7], $0x80, s30, s7, $0xb8;
	[tilespmem:$0x1B000] =	vst v63  }
0x1a9: {  	_ = 	snop  }
0x1aa: {  	[spmem:s3] =	stream.indirect.scatter.add.f32 [tilespmem:s0], [sflag:$0x3], $0x80, s18, s7, $0xb8;
	[tilespmem:$0x1B000] =	vst v63  }
0x1ab: {  	_ =	swait.ge [sflag:s2], $0x2000  }
0x1ac: {  	[sflag:s2] =	ssyncset.done $0x0  }
0x1ad: {  	[sflag:s2] =	ssyncadd.s32 $0xFFFFE000  }
0x1ae: {  	v1 =	vld [tilespmem:$0x600];
	_ =	sdelay $0x7  }
0x1af: {  	[tilespmem:v1+s5+$0x0] =	vst.idx.add.f32.msk $0xffff, v0  }
0x1b0: {  	v1 =	vld [tilespmem:$0x610];
	_ =	sdelay $0x7  }
0x1b1: {  	[tilespmem:v1+s5+$0x0] =	vst.idx.add.f32.msk $0xffff, v0  }
0x1b2: {  	v1 =	vld [tilespmem:$0x620];
	_ =	sdelay $0x7  }
0x1b3: {  	[tilespmem:v1+s5+$0x0] =	vst.idx.add.f32.msk $0xffff, v0  }
0x1b4: {  	v1 =	vld [tilespmem:$0x630];
	_ =	sdelay $0x7  }
0x1b5: {  	[tilespmem:v1+s5+$0x0] =	vst.idx.add.f32.msk $0xffff, v0  }
0x1b6: {  	_ =	swait.ge [sflag:s11], $0x2000  }
0x1b7: {  	[sflag:s11] =	ssyncset.done $0x0  }
0x1b8: {  	[sflag:s11] =	ssyncadd.s32 $0xFFFFE000  }
0x1b9: {  	[tilespmem:s0], [sflag:$0x1] =	stream.indirect.gather [hbm4b:s1+s7], $0x80, s19, s7, $0xb8;
	[tilespmem:$0x1B000] =	vst v63  }
0x1ba: {  	_ = 	snop  }
0x1bb: {  	[spmem:s3] =	stream.indirect.scatter.add.f32 [tilespmem:s10], [sflag:$0x3], $0x80, s20, s7, $0xb8;
	[tilespmem:$0x1B000] =	vst v63  }
0x1bc: {  	_ =	swait.ge [sflag:s2], $0x2000  }
0x1bd: {  	[sflag:s2] =	ssyncset.done $0x0  }
0x1be: {  	[sflag:s2] =	ssyncadd.s32 $0xFFFFE000  }
0x1bf: {  	v1 =	vld [tilespmem:$0x680];
	_ =	sdelay $0x7  }
0x1c0: {  	[tilespmem:v1+s5+$0x0] =	vst.idx.add.f32.msk $0xffff, v0  }
0x1c1: {  	v1 =	vld [tilespmem:$0x690];
	_ =	sdelay $0x7  }
0x1c2: {  	[tilespmem:v1+s5+$0x0] =	vst.idx.add.f32.msk $0xffff, v0  }
0x1c3: {  	v1 =	vld [tilespmem:$0x6A0];
	_ =	sdelay $0x7  }
0x1c4: {  	[tilespmem:v1+s5+$0x0] =	vst.idx.add.f32.msk $0xffff, v0  }
0x1c5: {  	v1 =	vld [tilespmem:$0x6B0];
	_ =	sdelay $0x7  }
0x1c6: {  	[tilespmem:v1+s5+$0x0] =	vst.idx.add.f32.msk $0xffff, v0  }
0x1c7: {  	_ =	swait.ge [sflag:s8], $0x2000  }
0x1c8: {  	[sflag:s8] =	ssyncset.done $0x0  }
0x1c9: {  	[sflag:s8] =	ssyncadd.s32 $0xFFFFE000  }
0x1ca: {  	[tilespmem:s10], [sflag:$0x2] =	stream.indirect.gather [hbm4b:s1+s7], $0x80, s21, s7, $0xb8;
	[tilespmem:$0x1B000] =	vst v63  }
0x1cb: {  	_ = 	snop  }
0x1cc: {  	[spmem:s3] =	stream.indirect.scatter.add.f32 [tilespmem:s0], [sflag:$0x3], $0x80, s22, s7, $0xb8;
	[tilespmem:$0x1B000] =	vst v63  }
0x1cd: {  	_ =	swait.ge [sflag:s2], $0x2000  }
0x1ce: {  	[sflag:s2] =	ssyncset.done $0x0  }
0x1cf: {  	[sflag:s2] =	ssyncadd.s32 $0xFFFFE000  }
0x1d0: {  	v1 =	vld [tilespmem:$0x700];
	_ =	sdelay $0x7  }
0x1d1: {  	[tilespmem:v1+s5+$0x0] =	vst.idx.add.f32.msk $0xffff, v0  }
0x1d2: {  	v1 =	vld [tilespmem:$0x710];
	_ =	sdelay $0x7  }
0x1d3: {  	[tilespmem:v1+s5+$0x0] =	vst.idx.add.f32.msk $0xffff, v0  }
0x1d4: {  	v1 =	vld [tilespmem:$0x720];
	_ =	sdelay $0x7  }
0x1d5: {  	[tilespmem:v1+s5+$0x0] =	vst.idx.add.f32.msk $0xffff, v0  }
0x1d6: {  	v1 =	vld [tilespmem:$0x730];
	_ =	sdelay $0x7  }
0x1d7: {  	[tilespmem:v1+s5+$0x0] =	vst.idx.add.f32.msk $0xffff, v0  }
0x1d8: {  	_ =	swait.ge [sflag:s11], $0x2000  }
0x1d9: {  	[sflag:s11] =	ssyncset.done $0x0  }
0x1da: {  	[sflag:s11] =	ssyncadd.s32 $0xFFFFE000  }
0x1db: {  	[spmem:s3] =	stream.indirect.scatter.add.f32 [tilespmem:s10], [sflag:$0x3], $0x80, s23, s7, $0xb8;
	[tilespmem:$0x1B000] =	vst v63  }
0x1dc: {  	_ =	swait.ge [sflag:s2], $0x2000  }
0x1dd: {  	[sflag:s2] =	ssyncset.done $0x0  }
0x1de: {  	[sflag:s2] =	ssyncadd.s32 $0xFFFFE000  }
0x1df: {  	v1 =	vld [tilespmem:$0x780];
	_ =	sdelay $0x7  }
0x1e0: {  	[tilespmem:v1+s5+$0x0] =	vst.idx.add.f32.msk $0xffff, v0  }
0x1e1: {  	v1 =	vld [tilespmem:$0x790];
	_ =	sdelay $0x7  }
0x1e2: {  	[tilespmem:v1+s5+$0x0] =	vst.idx.add.f32.msk $0xffff, v0  }
0x1e3: {  	v1 =	vld [tilespmem:$0x7A0];
	_ =	sdelay $0x7  }
0x1e4: {  	[tilespmem:v1+s5+$0x0] =	vst.idx.add.f32.msk $0xffff, v0  }
0x1e5: {  	v1 =	vld [tilespmem:$0x7B0];
	_ =	sdelay $0x2  }
0x1e6: {  	p1 =	seq.s32 s25, $0x1180  }
.Ltmp5:
0x1e7: {  	_ = 	snop;
	(pc) =	sbr.rel @!p1 .LBB2_2-.Ltmp5, $2  }
0x1e8: {  	_ =	sdelay $0x2  }
0x1e9: {  	s25 =	sadd.s32 $0x80, s25;
	[tilespmem:v1+s5+$0x0] =	vst.idx.add.f32.msk $0xffff, v0  }
.Ltmp6:
0x1ea: {  	_ = 	snop;
	(pc) =	sbr.rel .LBB2_4-.Ltmp6, $1  }
0x1eb: {  	_ =	sdelay $0x3  }
.LBB2_5:
0x1ec: {  	_ =	sfence.sel $0x180000  }
0x1ed: {  	[bflag:$0x0] =	sbarrier.arrive $0xFFFF  }
0x1ee: {  	_ =	strace $0x90000047  }
0x1ef: {  	s0 =	stileid.u32;
	[bflag:$0x2] =	sbarrier.arrive $0xFFFF  }
0x1f0: {  	p0 =	sne.s32 s0, $0x0;
	s0 =	rddreg [dreg:$0x4]  }
0x1f1: {  	s0 =	sadd.s32 @!p0 $0x100000, s0  }
0x1f2: {  	[sflag:s0] =	ssyncadd.tile.s32 @!p0 $0x1;
	_ =	shalt  }
.Lfunc_end2:
_tile_overlayer_lowered:
.L_overlay_start_2:
0x1f3: {  	(tag) =	ssettag $0x2  }
0x1f4: {  	s0 =	rddreg [dreg:$0x0];
	s2 =	stileid.u32  }
0x1f5: {  	s1 =	rddreg [dreg:$0x1];
	p0 =	sne.s32 s2, $0x0  }
0x1f6: {  	s3 =	rddreg [dreg:$0x2];
	[bflag:$0x3] =	sbarrier.arrive $0xFFFF;
	s2 =	simm.s32 @!p0 $0x1C03  }
0x1f7: {  	[timem:s3], [sflag:s2] =	dma.local @!p0 [hbm:s0], s1  }
0x1f8: {  	s0 =	simm.s32 @!p0 $0x3  }
0x1f9: {  	_ =	swait.ge @!p0 [sflag:s0], s1  }
0x1fa: {  	s1 =	ssub.s32 @!p0 $0x0, s1;
	[sflag:s0] =	ssyncset.done @!p0 $0x0  }
0x1fb: {  	[sflag:s0] =	ssyncadd.s32 @!p0 s1  }
0x1fc: {  	[bflag:$0x3] =	sbarrier.arrive $0xFFFF  }
0x1fd: {  	_ =	shalt  }

</sc_bundles>
